<compile_context>
chip_gen: v7x
topology: tpu7x:2x2x1
jax: 0.10.2.dev20260603
libtpu: 0.0.44.dev20260713+nightly
codegen_flags: <defaults>
</compile_context>

<pallas_src>
import functools

import jax
import jax.numpy as jnp
from jax import lax
from jax.experimental import pallas as pl
from jax.experimental.pallas import tpu as pltpu
from jax.experimental.pallas import tpu_sc as plsc

N = 10000
E = 320000
D = 128

NC = 2
NS = 16

C = 128
CHUNKS = 160
EPAD = NS * CHUNKS * C
DH = D // 2

NPAD = 10240
RPT = NPAD // NS

HALF = NPAD // 2
HROWS = HALF + 1
RPT_H = HALF // NS

ZCH = 32
ICH = 32
WCH = 32
BROWS = 1024
FROWS = 80


def _sc_mesh():
    return plsc.VectorSubcoreMesh(
        core_axis_name="c", subcore_axis_name="s",
        num_cores=NC, num_subcores=NS)


def _prep_body(emb_ref, feat_ref, wc_ref, wm_ref, xw_ref, mlp_ref):
    xw_ref[...] = lax.dot_general(emb_ref[...], wc_ref[...],
                                  (((1,), (1,)), ((), ())),
                                  preferred_element_type=jnp.float32)
    mlp_ref[...] = lax.dot_general(feat_ref[...], wm_ref[...],
                                   (((1,), (1,)), ((), ())),
                                   preferred_element_type=jnp.float32)


def _prep(emb_pad, feat_pad, W_conv, W_mlp):
    grid = (NPAD // BROWS,)
    return pl.pallas_call(
        _prep_body,
        grid=grid,
        in_specs=[
            pl.BlockSpec((BROWS, D), lambda i: (i, 0)),
            pl.BlockSpec((BROWS, D), lambda i: (i, 0)),
            pl.BlockSpec((D, D), lambda i: (0, 0)),
            pl.BlockSpec((D, D), lambda i: (0, 0)),
        ],
        out_specs=[
            pl.BlockSpec((BROWS, D), lambda i: (i, 0)),
            pl.BlockSpec((BROWS, D), lambda i: (i, 0)),
        ],
        out_shape=[
            jax.ShapeDtypeStruct((NPAD, D), jnp.float32),
            jax.ShapeDtypeStruct((NPAD, D), jnp.float32),
        ],
    )(emb_pad, feat_pad, W_conv, W_mlp)


def _rsqrt16(x):
    xi = plsc.bitcast(x, jnp.int32)
    y = plsc.bitcast(jnp.int32(0x5F3759DF) - (xi >> 1), jnp.float32)
    for _ in range(3):
        y = y * (1.5 - 0.5 * x * y * y)
    return y


def _fused_body(src_hbm, dstd_hbm, xw_hbm, ones_hbm, zeros_hbm,
                acc_out, z_out, dinv_out,
                src_v, dstd_v, dstr_s, ones_v, buf, zw, zw0, zw1,
                dinv_v, dv, gsem, ssem, deg_sh, accum_sh):
    cid = lax.axis_index("c")
    sid = lax.axis_index("s")
    n0 = sid * RPT
    a0 = sid * RPT_H

    z16 = jnp.zeros((16,), jnp.float32)
    pltpu.sync_copy(zeros_hbm.at[pl.ds(n0, RPT)], deg_sh.at[pl.ds(n0, RPT)])
    pltpu.sync_copy(ones_hbm, ones_v)

    def zero_zw(i, carry):
        for q in range(DH // 16):
            zw0[i, pl.ds(q * 16, 16)] = z16
        return carry

    lax.fori_loop(0, ZCH, zero_zw, 0)

    def zero_acc(i, carry):
        pltpu.sync_copy(zw0, accum_sh.at[pl.ds(a0 + i * ZCH, ZCH)])
        return carry

    lax.fori_loop(0, RPT_H // ZCH, zero_acc, 0)

    def stage_idx(i, carry):
        pltpu.sync_copy(src_hbm.at[sid].at[pl.ds(i * ICH, ICH)],
                        src_v.at[pl.ds(i * ICH, ICH)])
        pltpu.sync_copy(dstd_hbm.at[sid].at[pl.ds(i * ICH, ICH)],
                        dstd_v.at[pl.ds(i * ICH, ICH)])
        return carry

    lax.fori_loop(0, CHUNKS // ICH, stage_idx, 0)

    plsc.subcore_barrier()

    DEGB = 8

    def deg_body(jj, carry):
        j0 = jj * DEGB
        descs = [
            pltpu.async_copy(ones_v, deg_sh.at[dstd_v.at[j0 + b]], gsem,
                             add=True)
            for b in range(DEGB)
        ]
        for dsc in descs:
            dsc.wait()
        return carry

    lax.fori_loop(0, CHUNKS // DEGB, deg_body, 0)
    plsc.subcore_barrier()

    pltpu.sync_copy(deg_sh.at[pl.ds(n0, RPT)], dv)

    def dinv_body(k, carry):
        x = dv[pl.ds(k * 16, 16)] + 1.0
        dinv_v[pl.ds(k * 16, 16)] = _rsqrt16(x)
        return carry

    lax.fori_loop(0, RPT // 16, dinv_body, 0)

    @pl.when(cid == 0)
    def _():
        pltpu.sync_copy(dinv_v, dinv_out.at[pl.ds(n0, RPT)])

    def zchunk_body(k, carry):
        r0 = n0 + k * ZCH
        pltpu.sync_copy(xw_hbm.at[pl.ds(r0, ZCH)], zw)

        def scale_body(r, carry2):
            bc = plsc.load_gather(dinv_v, [jnp.full((16,), k * ZCH + r,
                                                    jnp.int32)])
            for q in range(DH // 16):
                zw0[r, pl.ds(q * 16, 16)] = zw[r, pl.ds(q * 16, 16)] * bc
            for q in range(DH // 16):
                zw1[r, pl.ds(q * 16, 16)] = (
                    zw[r, pl.ds(DH + q * 16, 16)] * bc)
            return carry2

        lax.fori_loop(0, ZCH, scale_body, 0)
        pltpu.sync_copy(zw0, z_out.at[cid].at[0].at[pl.ds(r0, ZCH)])
        pltpu.sync_copy(zw1, z_out.at[cid].at[1].at[pl.ds(r0, ZCH)])
        return carry

    lax.fori_loop(0, RPT // ZCH, zchunk_body, 0)
    plsc.subcore_barrier()

    lo = cid * HALF
    for p in range(2):
        pltpu.async_copy(z_out.at[cid].at[p].at[src_v.at[0]], buf.at[0],
                         gsem)

        def msg_body(j, carry):
            par = lax.rem(j, 2)

            @pl.when(j > 0)
            def _():
                pltpu.make_async_copy(z_out.at[cid].at[p].at[pl.ds(0, C)],
                                      buf.at[0], ssem).wait()

            @pl.when(j < CHUNKS - 1)
            def _():
                pltpu.async_copy(z_out.at[cid].at[p].at[src_v.at[j + 1]],
                                 buf.at[lax.rem(j + 1, 2)], gsem)

            pltpu.make_async_copy(z_out.at[cid].at[p].at[pl.ds(0, C)],
                                  buf.at[0], gsem).wait()
            for q in range(C // 16):
                v = dstd_v[j, pl.ds(q * 16, 16)]
                inr = (v >= lo) & (v < lo + HALF)
                dstr_s[0, pl.ds(q * 16, 16)] = jnp.where(
                    inr, v - lo, jnp.int32(HALF))
            pltpu.async_copy(buf.at[par], accum_sh.at[dstr_s.at[0]],
                             ssem, add=True)
            return carry

        lax.fori_loop(0, CHUNKS, msg_body, 0)
        pltpu.make_async_copy(z_out.at[cid].at[p].at[pl.ds(0, C)],
                              buf.at[0], ssem).wait()
        plsc.subcore_barrier()

        def wb_body(i, carry):
            pltpu.sync_copy(
                accum_sh.at[pl.ds(a0 + i * WCH, WCH)],
                acc_out.at[cid].at[p].at[pl.ds(a0 + i * WCH, WCH)])
            return carry

        lax.fori_loop(0, RPT_H // WCH, wb_body, 0)
        if p == 0:
            def rz_body(i, carry):
                for q in range(DH // 16):
                    zw0[i, pl.ds(q * 16, 16)] = jnp.zeros((16,),
                                                          jnp.float32)
                return carry

            lax.fori_loop(0, ZCH, rz_body, 0)

            def rz_copy(i, carry):
                pltpu.sync_copy(zw0, accum_sh.at[pl.ds(a0 + i * ZCH, ZCH)])
                return carry

            lax.fori_loop(0, RPT_H // ZCH, rz_copy, 0)
            plsc.subcore_barrier()


def _fused(src_m, dst_m, xw_pad, ones_c, zeros_n):
    fn = pl.kernel(
        _fused_body,
        out_type=[
            jax.ShapeDtypeStruct((NC, 2, HALF, DH), jnp.float32),
            jax.ShapeDtypeStruct((NC, 2, NPAD, DH), jnp.float32),
            jax.ShapeDtypeStruct((NPAD,), jnp.float32),
        ],
        mesh=_sc_mesh(),
        compiler_params=pltpu.CompilerParams(needs_layout_passes=False,
                                             use_tc_tiling_on_sc=False),
        scratch_types=[
            pltpu.VMEM((CHUNKS, C), jnp.int32),
            pltpu.VMEM((CHUNKS, C), jnp.int32),
            pltpu.VMEM((1, C), jnp.int32),
            pltpu.VMEM((C,), jnp.float32),
            pltpu.VMEM((2, C, DH), jnp.float32),
            pltpu.VMEM((ZCH, D), jnp.float32),
            pltpu.VMEM((ZCH, DH), jnp.float32),
            pltpu.VMEM((ZCH, DH), jnp.float32),
            pltpu.VMEM((RPT,), jnp.float32),
            pltpu.VMEM((RPT,), jnp.float32),
            pltpu.SemaphoreType.DMA,
            pltpu.SemaphoreType.DMA,
            pltpu.VMEM_SHARED((NPAD,), jnp.float32),
            pltpu.VMEM_SHARED((HROWS, DH), jnp.float32),
        ],
    )
    return fn(src_m, dst_m, xw_pad, ones_c, zeros_n)


def _final_body(acc0_ref, acc1_ref, xw_ref, mlp_ref, dinv_ref, out_ref):
    dinv = dinv_ref[...]
    acc = jnp.concatenate([acc0_ref[0, 0], acc1_ref[0, 0]], axis=-1)
    s = (acc * dinv + xw_ref[...] * (dinv * dinv)) + mlp_ref[...]
    out_ref[...] = jnp.maximum(s, 0.0)


def _final(acc2, xw_pad, mlp_pad, dinv2):
    grid = (N // FROWS,)
    return pl.pallas_call(
        _final_body,
        grid=grid,
        in_specs=[
            pl.BlockSpec((1, 1, FROWS, DH),
                         lambda i: ((i * FROWS) // HALF, 0,
                                    (i * FROWS % HALF) // FROWS, 0)),
            pl.BlockSpec((1, 1, FROWS, DH),
                         lambda i: ((i * FROWS) // HALF, 1,
                                    (i * FROWS % HALF) // FROWS, 0)),
            pl.BlockSpec((FROWS, D), lambda i: (i, 0)),
            pl.BlockSpec((FROWS, D), lambda i: (i, 0)),
            pl.BlockSpec((FROWS, 1), lambda i: (i, 0)),
        ],
        out_specs=pl.BlockSpec((FROWS, D), lambda i: (i, 0)),
        out_shape=jax.ShapeDtypeStruct((N, D), jnp.float32),
    )(acc2, acc2, xw_pad, mlp_pad, dinv2)


def kernel(feature, edge_index, embedding, W_conv, W_mlp):
    npad_e = EPAD - E
    src_p = jnp.concatenate(
        [edge_index[0].astype(jnp.int32), jnp.zeros((npad_e,), jnp.int32)])
    dst_p = jnp.concatenate(
        [edge_index[1].astype(jnp.int32),
         jnp.full((npad_e,), NPAD - 1, jnp.int32)])
    src_m = src_p.reshape(NS, CHUNKS, C)
    dst_m = dst_p.reshape(NS, CHUNKS, C)
    emb_pad = jnp.pad(embedding, ((0, NPAD - N), (0, 0)))
    feat_pad = jnp.pad(feature, ((0, NPAD - N), (0, 0)))

    ones_c = jnp.ones((C,), jnp.float32)
    zeros_n = jnp.zeros((NPAD,), jnp.float32)
    xw_pad, mlp_pad = _prep(emb_pad, feat_pad, W_conv, W_mlp)
    acc2, _z, dinv = _fused(src_m, dst_m, xw_pad, ones_c, zeros_n)
    return _final(acc2, xw_pad, mlp_pad, dinv.reshape(NPAD, 1))

# --- scband reference (transcript-rebuilt; emitter-appended) ---
"""Pipeline reference for scband-base-ignn-31044023616073 (READ-ONLY COPY).

The authoritative reference and input builder live on the scoring server;
editing this copy changes nothing except your own understanding.
"""

import jax, jax.numpy as jnp
import numpy as np

N = 10000
E = 320000
D_IN = 128
D_OUT = 128

def _xavier_uniform(key, shape):
    fan_out, fan_in = shape
    a = float(np.sqrt(6.0 / (fan_in + fan_out)))
    return jax.random.uniform(key, shape, minval=-a, maxval=a, dtype=jnp.float32)

def setup_inputs(seed: int = 0) -> dict:
    key = jax.random.key(seed)
    k1, k2, k3, k4, k5 = jax.random.split(key, 5)
    feature = jax.random.normal(k1, (N, D_IN), dtype=jnp.float32)
    embedding = jax.random.normal(k2, (N, D_OUT), dtype=jnp.float32)
    edge_index = jax.random.randint(k3, (2, E), 0, N)
    W_conv = _xavier_uniform(k4, (D_OUT, D_OUT))  # GCNConv.lin.weight [out, in]
    W_mlp = _xavier_uniform(k5, (D_OUT, D_IN))    # Linear weight [out, in], bias=False
    return {"feature": feature, "edge_index": edge_index, "embedding": embedding,
            "W_conv": W_conv, "W_mlp": W_mlp}

def _gcn_conv(x, edge_index, W):
    # GCNConv(normalize=True, bias=False, add_self_loops=True)
    n = x.shape[0]
    loop = jnp.arange(n, dtype=edge_index.dtype)
    src = jnp.concatenate([edge_index[0], loop])
    dst = jnp.concatenate([edge_index[1], loop])
    deg = jnp.zeros((n,), dtype=x.dtype).at[dst].add(1.0)
    deg_inv_sqrt = jnp.where(deg > 0, 1.0 / jnp.sqrt(deg), 0.0)
    norm = deg_inv_sqrt[src] * deg_inv_sqrt[dst]
    xw = x @ W.T
    msg = xw[src] * norm[:, None]
    out = jnp.zeros((n, xw.shape[1]), dtype=x.dtype).at[dst].add(msg)
    return out

def reference(feature, edge_index, embedding, W_conv, W_mlp):
    # baseIGNN.forward with num_layers=1, pat2sub=None (dropout is unused in forward)
    x = embedding
    x = _gcn_conv(x, edge_index, W_conv)
    x = x + feature @ W_mlp.T
    x = jax.nn.relu(x)
    return x

if __name__ == "__main__":
    import jax
    _d = setup_inputs()
    print(jax.jit(kernel)(*tuple(_d.values())))

</pallas_src>

<mosaic_0001>
#map = affine_map<(d0, d1) -> (0, 0, 0)>
#map1 = affine_map<(d0, d1) -> (0, 0)>
#map2 = affine_map<(d0, d1) -> (0)>
#map3 = affine_map<(d0, d1) -> (0, 0, 0, 0)>
module attributes {stable_mosaic.version = 14 : i64} {
  func.func @_fused_body(%arg0: i32, %arg1: i32, %arg2: memref<16x160x128xi32, #tpu.memory_space<hbm>>, %arg3: memref<16x160x128xi32, #tpu.memory_space<hbm>>, %arg4: memref<10240x128xf32, #tpu.memory_space<hbm>>, %arg5: memref<128xf32, #tpu.memory_space<hbm>>, %arg6: memref<10240xf32, #tpu.memory_space<hbm>>, %arg7: memref<2x2x5120x64xf32, #tpu.memory_space<hbm>>, %arg8: memref<2x2x10240x64xf32, #tpu.memory_space<hbm>>, %arg9: memref<10240xf32, #tpu.memory_space<hbm>>, %arg10: memref<160x128xi32, #tpu.memory_space<vmem>>, %arg11: memref<160x128xi32, #tpu.memory_space<vmem>>, %arg12: memref<1x128xi32, #tpu.memory_space<vmem>>, %arg13: memref<128xf32, #tpu.memory_space<vmem>>, %arg14: memref<2x128x64xf32, #tpu.memory_space<vmem>>, %arg15: memref<32x128xf32, #tpu.memory_space<vmem>>, %arg16: memref<32x64xf32, #tpu.memory_space<vmem>>, %arg17: memref<32x64xf32, #tpu.memory_space<vmem>>, %arg18: memref<640xf32, #tpu.memory_space<vmem>>, %arg19: memref<640xf32, #tpu.memory_space<vmem>>, %arg20: memref<!tpu.dma_semaphore, #tpu.memory_space<semaphore_mem>>, %arg21: memref<!tpu.dma_semaphore, #tpu.memory_space<semaphore_mem>>, %arg22: memref<10240xf32, #tpu.memory_space<vmem_shared>>, %arg23: memref<5121x64xf32, #tpu.memory_space<vmem_shared>>) attributes {dimension_semantics = [#tpu.dimension_semantics<core_parallel>, #tpu.dimension_semantics<subcore_parallel>], iteration_bounds = array<i64: 2, 16>, scalar_prefetch = 0 : i64, scratch_operands = 14 : i64, tpu.core_type = #tpu.core_type<sc_vector_subcore>, window_params = [{transform_indices = #map}, {transform_indices = #map}, {transform_indices = #map1}, {transform_indices = #map2}, {transform_indices = #map2}, {transform_indices = #map3}, {transform_indices = #map3}, {transform_indices = #map2}]} {
    %mul3A = arith.constant 640 : i32
    %mul3A_0 = arith.muli %arg1, %mul3A : i32
    %mul3A_1 = arith.constant 320 : i32
    %mul3A_2 = arith.muli %arg1, %mul3A_1 : i32
    %broadcast_in_dim3A = arith.constant 0.000000e+00 : f32
    %broadcast_in_dim3A_3 = vector.broadcast %broadcast_in_dim3A : f32 to vector<16xf32>
    "tpu.region"() ({
      %run_scoped3A = tpu.sem_alloc : memref<!tpu.dma_semaphore, #tpu.memory_space<semaphore_mem>>
      %dma_start3A_194 = tpu.memref_slice %arg22[%mul3A_0] : memref<10240xf32, #tpu.memory_space<vmem_shared>> -> memref<640xf32, #tpu.memory_space<vmem_shared>>
      %dma_start3A_195 = tpu.memref_slice %arg6[%mul3A_0] : memref<10240xf32, #tpu.memory_space<hbm>> -> memref<640xf32, #tpu.memory_space<hbm>>
      tpu.enqueue_dma source(%dma_start3A_195 : memref<640xf32, #tpu.memory_space<hbm>>) target(%dma_start3A_194 : memref<640xf32, #tpu.memory_space<vmem_shared>>) target_semaphore(%run_scoped3A : memref<!tpu.dma_semaphore, #tpu.memory_space<semaphore_mem>>)
      %dma_wait3A_196 = tpu.memref_slice %arg22[%mul3A_0] : memref<10240xf32, #tpu.memory_space<vmem_shared>> -> memref<640xf32, #tpu.memory_space<vmem_shared>>
      %dma_wait3A_197 = tpu.memref_slice %arg6[%mul3A_0] : memref<10240xf32, #tpu.memory_space<hbm>> -> memref<640xf32, #tpu.memory_space<hbm>>
      tpu.wait_dma2 semaphore(%run_scoped3A : memref<!tpu.dma_semaphore, #tpu.memory_space<semaphore_mem>>) src(%dma_wait3A_197 : memref<640xf32, #tpu.memory_space<hbm>>) dst(%dma_wait3A_196 : memref<640xf32, #tpu.memory_space<vmem_shared>>)
      tpu.yield
    }) : () -> ()
    "tpu.region"() ({
      %run_scoped3A = tpu.sem_alloc : memref<!tpu.dma_semaphore, #tpu.memory_space<semaphore_mem>>
      tpu.enqueue_dma source(%arg5 : memref<128xf32, #tpu.memory_space<hbm>>) target(%arg13 : memref<128xf32, #tpu.memory_space<vmem>>) target_semaphore(%run_scoped3A : memref<!tpu.dma_semaphore, #tpu.memory_space<semaphore_mem>>)
      tpu.wait_dma2 semaphore(%run_scoped3A : memref<!tpu.dma_semaphore, #tpu.memory_space<semaphore_mem>>) src(%arg5 : memref<128xf32, #tpu.memory_space<hbm>>) dst(%arg13 : memref<128xf32, #tpu.memory_space<vmem>>)
      tpu.yield
    }) : () -> ()
    %scan3A = arith.constant 0 : i32
    %scan3A_4 = arith.constant 0 : i32
    %scan3A_5 = arith.constant 32 : i32
    %scan3A_6 = arith.addi %scan3A_4, %scan3A_5 : i32
    %scan3A_7 = arith.constant 1 : i32
    scf.for %scan3A_194 = %scan3A_4 to %scan3A_6 step %scan3A_7  : i32 {
      %swap3A = arith.index_cast %scan3A_194 : i32 to index
      %swap3A_195 = arith.constant 0 : index
      %swap3A_196 = tpu.vector_load %arg16[%swap3A, %swap3A_195] {strides = array<i32>} : memref<32x64xf32, #tpu.memory_space<vmem>>, vector<16xf32>,
      tpu.vector_store %arg16[%swap3A, %swap3A_195], %broadcast_in_dim3A_3 {strides = array<i32>} : memref<32x64xf32, #tpu.memory_space<vmem>>, vector<16xf32>,
      %swap3A_197 = arith.index_cast %scan3A_194 : i32 to index
      %swap3A_198 = arith.constant 16 : index
      %swap3A_199 = tpu.vector_load %arg16[%swap3A_197, %swap3A_198] {strides = array<i32>} : memref<32x64xf32, #tpu.memory_space<vmem>>, vector<16xf32>,
      tpu.vector_store %arg16[%swap3A_197, %swap3A_198], %broadcast_in_dim3A_3 {strides = array<i32>} : memref<32x64xf32, #tpu.memory_space<vmem>>, vector<16xf32>,
      %swap3A_200 = arith.index_cast %scan3A_194 : i32 to index
      %swap3A_201 = arith.constant 32 : index
      %swap3A_202 = tpu.vector_load %arg16[%swap3A_200, %swap3A_201] {strides = array<i32>} : memref<32x64xf32, #tpu.memory_space<vmem>>, vector<16xf32>,
      tpu.vector_store %arg16[%swap3A_200, %swap3A_201], %broadcast_in_dim3A_3 {strides = array<i32>} : memref<32x64xf32, #tpu.memory_space<vmem>>, vector<16xf32>,
      %swap3A_203 = arith.index_cast %scan3A_194 : i32 to index
      %swap3A_204 = arith.constant 48 : index
      %swap3A_205 = tpu.vector_load %arg16[%swap3A_203, %swap3A_204] {strides = array<i32>} : memref<32x64xf32, #tpu.memory_space<vmem>>, vector<16xf32>,
      tpu.vector_store %arg16[%swap3A_203, %swap3A_204], %broadcast_in_dim3A_3 {strides = array<i32>} : memref<32x64xf32, #tpu.memory_space<vmem>>, vector<16xf32>,
    }
    %scan3A_8 = arith.constant 32 : i32
    %scan3A_9 = arith.constant 0 : i32
    %scan3A_10 = arith.constant 0 : i32
    %scan3A_11 = arith.constant 10 : i32
    %scan3A_12 = arith.addi %scan3A_10, %scan3A_11 : i32
    %scan3A_13 = arith.constant 1 : i32
    scf.for %scan3A_194 = %scan3A_10 to %scan3A_12 step %scan3A_13  : i32 {
      %mul3A_195 = arith.constant 32 : i32
      %mul3A_196 = arith.muli %scan3A_194, %mul3A_195 : i32
      %add3A = arith.addi %mul3A_2, %mul3A_196 : i32
      "tpu.region"() ({
        %run_scoped3A = tpu.sem_alloc : memref<!tpu.dma_semaphore, #tpu.memory_space<semaphore_mem>>
        %dma_start3A_197 = arith.constant 0 : i32
        %dma_start3A_198 = tpu.memref_slice %arg23[%add3A, %dma_start3A_197] : memref<5121x64xf32, #tpu.memory_space<vmem_shared>> -> memref<32x64xf32, #tpu.memory_space<vmem_shared>>
        %dma_start3A_199 = arith.constant 0 : i32
        %dma_start3A_200 = tpu.memref_slice %arg23[%add3A, %dma_start3A_199] : memref<5121x64xf32, #tpu.memory_space<vmem_shared>> -> memref<32x64xf32, #tpu.memory_space<vmem_shared>>
        tpu.enqueue_dma source(%arg16 : memref<32x64xf32, #tpu.memory_space<vmem>>) target(%dma_start3A_200 : memref<32x64xf32, #tpu.memory_space<vmem_shared>>) target_semaphore(%run_scoped3A : memref<!tpu.dma_semaphore, #tpu.memory_space<semaphore_mem>>)
        %dma_wait3A_201 = arith.constant 0 : i32
        %dma_wait3A_202 = tpu.memref_slice %arg23[%add3A, %dma_wait3A_201] : memref<5121x64xf32, #tpu.memory_space<vmem_shared>> -> memref<32x64xf32, #tpu.memory_space<vmem_shared>>
        %dma_wait3A_203 = arith.constant 0 : i32
        %dma_wait3A_204 = tpu.memref_slice %arg23[%add3A, %dma_wait3A_203] : memref<5121x64xf32, #tpu.memory_space<vmem_shared>> -> memref<32x64xf32, #tpu.memory_space<vmem_shared>>
        tpu.wait_dma2 semaphore(%run_scoped3A : memref<!tpu.dma_semaphore, #tpu.memory_space<semaphore_mem>>) src(%arg16 : memref<32x64xf32, #tpu.memory_space<vmem>>) dst(%dma_wait3A_204 : memref<32x64xf32, #tpu.memory_space<vmem_shared>>)
        tpu.yield
      }) : () -> ()
    }
    %scan3A_14 = arith.constant 10 : i32
    %scan3A_15 = arith.constant 0 : i32
    %scan3A_16 = arith.constant 0 : i32
    %scan3A_17 = arith.constant 5 : i32
    %scan3A_18 = arith.addi %scan3A_16, %scan3A_17 : i32
    %scan3A_19 = arith.constant 1 : i32
    scf.for %scan3A_194 = %scan3A_16 to %scan3A_18 step %scan3A_19  : i32 {
      %mul3A_195 = arith.constant 32 : i32
      %mul3A_196 = arith.muli %scan3A_194, %mul3A_195 : i32
      %mul3A_197 = arith.constant 32 : i32
      %mul3A_198 = arith.muli %scan3A_194, %mul3A_197 : i32
      "tpu.region"() ({
        %run_scoped3A = tpu.sem_alloc : memref<!tpu.dma_semaphore, #tpu.memory_space<semaphore_mem>>
        %dma_start3A_203 = arith.constant 0 : i32
        %dma_start3A_204 = tpu.memref_slice %arg10[%mul3A_198, %dma_start3A_203] : memref<160x128xi32, #tpu.memory_space<vmem>> -> memref<32x128xi32, #tpu.memory_space<vmem>>
        %dma_start3A_205 = arith.constant 0 : i32
        %dma_start3A_206 = arith.constant 0 : i32
        %dma_start3A_207 = tpu.memref_slice %arg2[%arg1, %dma_start3A_205, %dma_start3A_206] : memref<16x160x128xi32, #tpu.memory_space<hbm>> -> memref<1x160x128xi32, #tpu.memory_space<hbm>>
        %dma_start3A_208 = tpu.memref_squeeze %dma_start3A_207 : memref<1x160x128xi32, #tpu.memory_space<hbm>> -> memref<160x128xi32, #tpu.memory_space<hbm>>
        %dma_start3A_209 = arith.constant 0 : i32
        %dma_start3A_210 = tpu.memref_slice %dma_start3A_208[%mul3A_196, %dma_start3A_209] : memref<160x128xi32, #tpu.memory_space<hbm>> -> memref<32x128xi32, #tpu.memory_space<hbm>>
        %dma_start3A_211 = arith.constant 0 : i32
        %dma_start3A_212 = tpu.memref_slice %arg10[%mul3A_198, %dma_start3A_211] : memref<160x128xi32, #tpu.memory_space<vmem>> -> memref<32x128xi32, #tpu.memory_space<vmem>>
        %dma_start3A_213 = arith.constant 0 : i32
        %dma_start3A_214 = arith.constant 0 : i32
        %dma_start3A_215 = tpu.memref_slice %arg2[%arg1, %dma_start3A_213, %dma_start3A_214] : memref<16x160x128xi32, #tpu.memory_space<hbm>> -> memref<1x160x128xi32, #tpu.memory_space<hbm>>
        %dma_start3A_216 = tpu.memref_squeeze %dma_start3A_215 : memref<1x160x128xi32, #tpu.memory_space<hbm>> -> memref<160x128xi32, #tpu.memory_space<hbm>>
        %dma_start3A_217 = arith.constant 0 : i32
        %dma_start3A_218 = tpu.memref_slice %dma_start3A_216[%mul3A_196, %dma_start3A_217] : memref<160x128xi32, #tpu.memory_space<hbm>> -> memref<32x128xi32, #tpu.memory_space<hbm>>
        tpu.enqueue_dma source(%dma_start3A_218 : memref<32x128xi32, #tpu.memory_space<hbm>>) target(%dma_start3A_212 : memref<32x128xi32, #tpu.memory_space<vmem>>) target_semaphore(%run_scoped3A : memref<!tpu.dma_semaphore, #tpu.memory_space<semaphore_mem>>)
        %dma_wait3A_219 = arith.constant 0 : i32
        %dma_wait3A_220 = tpu.memref_slice %arg10[%mul3A_198, %dma_wait3A_219] : memref<160x128xi32, #tpu.memory_space<vmem>> -> memref<32x128xi32, #tpu.memory_space<vmem>>
        %dma_wait3A_221 = arith.constant 0 : i32
        %dma_wait3A_222 = arith.constant 0 : i32
        %dma_wait3A_223 = tpu.memref_slice %arg2[%arg1, %dma_wait3A_221, %dma_wait3A_222] : memref<16x160x128xi32, #tpu.memory_space<hbm>> -> memref<1x160x128xi32, #tpu.memory_space<hbm>>
        %dma_wait3A_224 = tpu.memref_squeeze %dma_wait3A_223 : memref<1x160x128xi32, #tpu.memory_space<hbm>> -> memref<160x128xi32, #tpu.memory_space<hbm>>
        %dma_wait3A_225 = arith.constant 0 : i32
        %dma_wait3A_226 = tpu.memref_slice %dma_wait3A_224[%mul3A_196, %dma_wait3A_225] : memref<160x128xi32, #tpu.memory_space<hbm>> -> memref<32x128xi32, #tpu.memory_space<hbm>>
        %dma_wait3A_227 = arith.constant 0 : i32
        %dma_wait3A_228 = tpu.memref_slice %arg10[%mul3A_198, %dma_wait3A_227] : memref<160x128xi32, #tpu.memory_space<vmem>> -> memref<32x128xi32, #tpu.memory_space<vmem>>
        %dma_wait3A_229 = arith.constant 0 : i32
        %dma_wait3A_230 = arith.constant 0 : i32
        %dma_wait3A_231 = tpu.memref_slice %arg2[%arg1, %dma_wait3A_229, %dma_wait3A_230] : memref<16x160x128xi32, #tpu.memory_space<hbm>> -> memref<1x160x128xi32, #tpu.memory_space<hbm>>
        %dma_wait3A_232 = tpu.memref_squeeze %dma_wait3A_231 : memref<1x160x128xi32, #tpu.memory_space<hbm>> -> memref<160x128xi32, #tpu.memory_space<hbm>>
        %dma_wait3A_233 = arith.constant 0 : i32
        %dma_wait3A_234 = tpu.memref_slice %dma_wait3A_232[%mul3A_196, %dma_wait3A_233] : memref<160x128xi32, #tpu.memory_space<hbm>> -> memref<32x128xi32, #tpu.memory_space<hbm>>
        tpu.wait_dma2 semaphore(%run_scoped3A : memref<!tpu.dma_semaphore, #tpu.memory_space<semaphore_mem>>) src(%dma_wait3A_234 : memref<32x128xi32, #tpu.memory_space<hbm>>) dst(%dma_wait3A_228 : memref<32x128xi32, #tpu.memory_space<vmem>>)
        tpu.yield
      }) : () -> ()
      %mul3A_199 = arith.constant 32 : i32
      %mul3A_200 = arith.muli %scan3A_194, %mul3A_199 : i32
      %mul3A_201 = arith.constant 32 : i32
      %mul3A_202 = arith.muli %scan3A_194, %mul3A_201 : i32
      "tpu.region"() ({
        %run_scoped3A = tpu.sem_alloc : memref<!tpu.dma_semaphore, #tpu.memory_space<semaphore_mem>>
        %dma_start3A_203 = arith.constant 0 : i32
        %dma_start3A_204 = tpu.memref_slice %arg11[%mul3A_202, %dma_start3A_203] : memref<160x128xi32, #tpu.memory_space<vmem>> -> memref<32x128xi32, #tpu.memory_space<vmem>>
        %dma_start3A_205 = arith.constant 0 : i32
        %dma_start3A_206 = arith.constant 0 : i32
        %dma_start3A_207 = tpu.memref_slice %arg3[%arg1, %dma_start3A_205, %dma_start3A_206] : memref<16x160x128xi32, #tpu.memory_space<hbm>> -> memref<1x160x128xi32, #tpu.memory_space<hbm>>
        %dma_start3A_208 = tpu.memref_squeeze %dma_start3A_207 : memref<1x160x128xi32, #tpu.memory_space<hbm>> -> memref<160x128xi32, #tpu.memory_space<hbm>>
        %dma_start3A_209 = arith.constant 0 : i32
        %dma_start3A_210 = tpu.memref_slice %dma_start3A_208[%mul3A_200, %dma_start3A_209] : memref<160x128xi32, #tpu.memory_space<hbm>> -> memref<32x128xi32, #tpu.memory_space<hbm>>
        %dma_start3A_211 = arith.constant 0 : i32
        %dma_start3A_212 = tpu.memref_slice %arg11[%mul3A_202, %dma_start3A_211] : memref<160x128xi32, #tpu.memory_space<vmem>> -> memref<32x128xi32, #tpu.memory_space<vmem>>
        %dma_start3A_213 = arith.constant 0 : i32
        %dma_start3A_214 = arith.constant 0 : i32
        %dma_start3A_215 = tpu.memref_slice %arg3[%arg1, %dma_start3A_213, %dma_start3A_214] : memref<16x160x128xi32, #tpu.memory_space<hbm>> -> memref<1x160x128xi32, #tpu.memory_space<hbm>>
        %dma_start3A_216 = tpu.memref_squeeze %dma_start3A_215 : memref<1x160x128xi32, #tpu.memory_space<hbm>> -> memref<160x128xi32, #tpu.memory_space<hbm>>
        %dma_start3A_217 = arith.constant 0 : i32
        %dma_start3A_218 = tpu.memref_slice %dma_start3A_216[%mul3A_200, %dma_start3A_217] : memref<160x128xi32, #tpu.memory_space<hbm>> -> memref<32x128xi32, #tpu.memory_space<hbm>>
        tpu.enqueue_dma source(%dma_start3A_218 : memref<32x128xi32, #tpu.memory_space<hbm>>) target(%dma_start3A_212 : memref<32x128xi32, #tpu.memory_space<vmem>>) target_semaphore(%run_scoped3A : memref<!tpu.dma_semaphore, #tpu.memory_space<semaphore_mem>>)
        %dma_wait3A_219 = arith.constant 0 : i32
        %dma_wait3A_220 = tpu.memref_slice %arg11[%mul3A_202, %dma_wait3A_219] : memref<160x128xi32, #tpu.memory_space<vmem>> -> memref<32x128xi32, #tpu.memory_space<vmem>>
        %dma_wait3A_221 = arith.constant 0 : i32
        %dma_wait3A_222 = arith.constant 0 : i32
        %dma_wait3A_223 = tpu.memref_slice %arg3[%arg1, %dma_wait3A_221, %dma_wait3A_222] : memref<16x160x128xi32, #tpu.memory_space<hbm>> -> memref<1x160x128xi32, #tpu.memory_space<hbm>>
        %dma_wait3A_224 = tpu.memref_squeeze %dma_wait3A_223 : memref<1x160x128xi32, #tpu.memory_space<hbm>> -> memref<160x128xi32, #tpu.memory_space<hbm>>
        %dma_wait3A_225 = arith.constant 0 : i32
        %dma_wait3A_226 = tpu.memref_slice %dma_wait3A_224[%mul3A_200, %dma_wait3A_225] : memref<160x128xi32, #tpu.memory_space<hbm>> -> memref<32x128xi32, #tpu.memory_space<hbm>>
        %dma_wait3A_227 = arith.constant 0 : i32
        %dma_wait3A_228 = tpu.memref_slice %arg11[%mul3A_202, %dma_wait3A_227] : memref<160x128xi32, #tpu.memory_space<vmem>> -> memref<32x128xi32, #tpu.memory_space<vmem>>
        %dma_wait3A_229 = arith.constant 0 : i32
        %dma_wait3A_230 = arith.constant 0 : i32
        %dma_wait3A_231 = tpu.memref_slice %arg3[%arg1, %dma_wait3A_229, %dma_wait3A_230] : memref<16x160x128xi32, #tpu.memory_space<hbm>> -> memref<1x160x128xi32, #tpu.memory_space<hbm>>
        %dma_wait3A_232 = tpu.memref_squeeze %dma_wait3A_231 : memref<1x160x128xi32, #tpu.memory_space<hbm>> -> memref<160x128xi32, #tpu.memory_space<hbm>>
        %dma_wait3A_233 = arith.constant 0 : i32
        %dma_wait3A_234 = tpu.memref_slice %dma_wait3A_232[%mul3A_200, %dma_wait3A_233] : memref<160x128xi32, #tpu.memory_space<hbm>> -> memref<32x128xi32, #tpu.memory_space<hbm>>
        tpu.wait_dma2 semaphore(%run_scoped3A : memref<!tpu.dma_semaphore, #tpu.memory_space<semaphore_mem>>) src(%dma_wait3A_234 : memref<32x128xi32, #tpu.memory_space<hbm>>) dst(%dma_wait3A_228 : memref<32x128xi32, #tpu.memory_space<vmem>>)
        tpu.yield
      }) : () -> ()
    }
    %scan3A_20 = arith.constant 5 : i32
    %barrier3A = arith.constant 0 : index
    tpu.barrier barrier_id(%barrier3A)
    %scan3A_21 = arith.constant 0 : i32
    %scan3A_22 = arith.constant 0 : i32
    %scan3A_23 = arith.constant 20 : i32
    %scan3A_24 = arith.addi %scan3A_22, %scan3A_23 : i32
    %scan3A_25 = arith.constant 1 : i32
    scf.for %scan3A_194 = %scan3A_22 to %scan3A_24 step %scan3A_25  : i32 {
      %mul3A_195 = arith.constant 8 : i32
      %mul3A_196 = arith.muli %scan3A_194, %mul3A_195 : i32
      %add3A = arith.constant 0 : i32
      %add3A_197 = arith.addi %mul3A_196, %add3A : i32
      %dma_start3A_198 = arith.constant 0 : i32
      %dma_start3A_199 = tpu.memref_slice %arg11[%add3A_197, %dma_start3A_198] : memref<160x128xi32, #tpu.memory_space<vmem>> -> memref<1x128xi32, #tpu.memory_space<vmem>>
      %dma_start3A_200 = tpu.memref_squeeze %dma_start3A_199 : memref<1x128xi32, #tpu.memory_space<vmem>> -> memref<128xi32, #tpu.memory_space<vmem>>
      %dma_start3A_201 = arith.constant 0 : i32
      %dma_start3A_202 = tpu.memref_slice %arg22[%dma_start3A_201] : memref<10240xf32, #tpu.memory_space<vmem_shared>> -> memref<10240xf32, #tpu.memory_space<vmem_shared>>
      tpu.enqueue_indirect_dma source(%arg13 : memref<128xf32, #tpu.memory_space<vmem>>) target(%dma_start3A_202 : memref<10240xf32, #tpu.memory_space<vmem_shared>>) offsets(%dma_start3A_200 : memref<128xi32, #tpu.memory_space<vmem>>) semaphore(%arg20 : memref<!tpu.dma_semaphore, #tpu.memory_space<semaphore_mem>>) {add = true}
      %add3A_203 = arith.constant 1 : i32
      %add3A_204 = arith.addi %mul3A_196, %add3A_203 : i32
      %dma_start3A_205 = arith.constant 0 : i32
      %dma_start3A_206 = tpu.memref_slice %arg11[%add3A_204, %dma_start3A_205] : memref<160x128xi32, #tpu.memory_space<vmem>> -> memref<1x128xi32, #tpu.memory_space<vmem>>
      %dma_start3A_207 = tpu.memref_squeeze %dma_start3A_206 : memref<1x128xi32, #tpu.memory_space<vmem>> -> memref<128xi32, #tpu.memory_space<vmem>>
      %dma_start3A_208 = arith.constant 0 : i32
      %dma_start3A_209 = tpu.memref_slice %arg22[%dma_start3A_208] : memref<10240xf32, #tpu.memory_space<vmem_shared>> -> memref<10240xf32, #tpu.memory_space<vmem_shared>>
      tpu.enqueue_indirect_dma source(%arg13 : memref<128xf32, #tpu.memory_space<vmem>>) target(%dma_start3A_209 : memref<10240xf32, #tpu.memory_space<vmem_shared>>) offsets(%dma_start3A_207 : memref<128xi32, #tpu.memory_space<vmem>>) semaphore(%arg20 : memref<!tpu.dma_semaphore, #tpu.memory_space<semaphore_mem>>) {add = true}
      %add3A_210 = arith.constant 2 : i32
      %add3A_211 = arith.addi %mul3A_196, %add3A_210 : i32
      %dma_start3A_212 = arith.constant 0 : i32
      %dma_start3A_213 = tpu.memref_slice %arg11[%add3A_211, %dma_start3A_212] : memref<160x128xi32, #tpu.memory_space<vmem>> -> memref<1x128xi32, #tpu.memory_space<vmem>>
      %dma_start3A_214 = tpu.memref_squeeze %dma_start3A_213 : memref<1x128xi32, #tpu.memory_space<vmem>> -> memref<128xi32, #tpu.memory_space<vmem>>
      %dma_start3A_215 = arith.constant 0 : i32
      %dma_start3A_216 = tpu.memref_slice %arg22[%dma_start3A_215] : memref<10240xf32, #tpu.memory_space<vmem_shared>> -> memref<10240xf32, #tpu.memory_space<vmem_shared>>
      tpu.enqueue_indirect_dma source(%arg13 : memref<128xf32, #tpu.memory_space<vmem>>) target(%dma_start3A_216 : memref<10240xf32, #tpu.memory_space<vmem_shared>>) offsets(%dma_start3A_214 : memref<128xi32, #tpu.memory_space<vmem>>) semaphore(%arg20 : memref<!tpu.dma_semaphore, #tpu.memory_space<semaphore_mem>>) {add = true}
      %add3A_217 = arith.constant 3 : i32
      %add3A_218 = arith.addi %mul3A_196, %add3A_217 : i32
      %dma_start3A_219 = arith.constant 0 : i32
      %dma_start3A_220 = tpu.memref_slice %arg11[%add3A_218, %dma_start3A_219] : memref<160x128xi32, #tpu.memory_space<vmem>> -> memref<1x128xi32, #tpu.memory_space<vmem>>
      %dma_start3A_221 = tpu.memref_squeeze %dma_start3A_220 : memref<1x128xi32, #tpu.memory_space<vmem>> -> memref<128xi32, #tpu.memory_space<vmem>>
      %dma_start3A_222 = arith.constant 0 : i32
      %dma_start3A_223 = tpu.memref_slice %arg22[%dma_start3A_222] : memref<10240xf32, #tpu.memory_space<vmem_shared>> -> memref<10240xf32, #tpu.memory_space<vmem_shared>>
      tpu.enqueue_indirect_dma source(%arg13 : memref<128xf32, #tpu.memory_space<vmem>>) target(%dma_start3A_223 : memref<10240xf32, #tpu.memory_space<vmem_shared>>) offsets(%dma_start3A_221 : memref<128xi32, #tpu.memory_space<vmem>>) semaphore(%arg20 : memref<!tpu.dma_semaphore, #tpu.memory_space<semaphore_mem>>) {add = true}
      %add3A_224 = arith.constant 4 : i32
      %add3A_225 = arith.addi %mul3A_196, %add3A_224 : i32
      %dma_start3A_226 = arith.constant 0 : i32
      %dma_start3A_227 = tpu.memref_slice %arg11[%add3A_225, %dma_start3A_226] : memref<160x128xi32, #tpu.memory_space<vmem>> -> memref<1x128xi32, #tpu.memory_space<vmem>>
      %dma_start3A_228 = tpu.memref_squeeze %dma_start3A_227 : memref<1x128xi32, #tpu.memory_space<vmem>> -> memref<128xi32, #tpu.memory_space<vmem>>
      %dma_start3A_229 = arith.constant 0 : i32
      %dma_start3A_230 = tpu.memref_slice %arg22[%dma_start3A_229] : memref<10240xf32, #tpu.memory_space<vmem_shared>> -> memref<10240xf32, #tpu.memory_space<vmem_shared>>
      tpu.enqueue_indirect_dma source(%arg13 : memref<128xf32, #tpu.memory_space<vmem>>) target(%dma_start3A_230 : memref<10240xf32, #tpu.memory_space<vmem_shared>>) offsets(%dma_start3A_228 : memref<128xi32, #tpu.memory_space<vmem>>) semaphore(%arg20 : memref<!tpu.dma_semaphore, #tpu.memory_space<semaphore_mem>>) {add = true}
      %add3A_231 = arith.constant 5 : i32
      %add3A_232 = arith.addi %mul3A_196, %add3A_231 : i32
      %dma_start3A_233 = arith.constant 0 : i32
      %dma_start3A_234 = tpu.memref_slice %arg11[%add3A_232, %dma_start3A_233] : memref<160x128xi32, #tpu.memory_space<vmem>> -> memref<1x128xi32, #tpu.memory_space<vmem>>
      %dma_start3A_235 = tpu.memref_squeeze %dma_start3A_234 : memref<1x128xi32, #tpu.memory_space<vmem>> -> memref<128xi32, #tpu.memory_space<vmem>>
      %dma_start3A_236 = arith.constant 0 : i32
      %dma_start3A_237 = tpu.memref_slice %arg22[%dma_start3A_236] : memref<10240xf32, #tpu.memory_space<vmem_shared>> -> memref<10240xf32, #tpu.memory_space<vmem_shared>>
      tpu.enqueue_indirect_dma source(%arg13 : memref<128xf32, #tpu.memory_space<vmem>>) target(%dma_start3A_237 : memref<10240xf32, #tpu.memory_space<vmem_shared>>) offsets(%dma_start3A_235 : memref<128xi32, #tpu.memory_space<vmem>>) semaphore(%arg20 : memref<!tpu.dma_semaphore, #tpu.memory_space<semaphore_mem>>) {add = true}
      %add3A_238 = arith.constant 6 : i32
      %add3A_239 = arith.addi %mul3A_196, %add3A_238 : i32
      %dma_start3A_240 = arith.constant 0 : i32
      %dma_start3A_241 = tpu.memref_slice %arg11[%add3A_239, %dma_start3A_240] : memref<160x128xi32, #tpu.memory_space<vmem>> -> memref<1x128xi32, #tpu.memory_space<vmem>>
      %dma_start3A_242 = tpu.memref_squeeze %dma_start3A_241 : memref<1x128xi32, #tpu.memory_space<vmem>> -> memref<128xi32, #tpu.memory_space<vmem>>
      %dma_start3A_243 = arith.constant 0 : i32
      %dma_start3A_244 = tpu.memref_slice %arg22[%dma_start3A_243] : memref<10240xf32, #tpu.memory_space<vmem_shared>> -> memref<10240xf32, #tpu.memory_space<vmem_shared>>
      tpu.enqueue_indirect_dma source(%arg13 : memref<128xf32, #tpu.memory_space<vmem>>) target(%dma_start3A_244 : memref<10240xf32, #tpu.memory_space<vmem_shared>>) offsets(%dma_start3A_242 : memref<128xi32, #tpu.memory_space<vmem>>) semaphore(%arg20 : memref<!tpu.dma_semaphore, #tpu.memory_space<semaphore_mem>>) {add = true}
      %add3A_245 = arith.constant 7 : i32
      %add3A_246 = arith.addi %mul3A_196, %add3A_245 : i32
      %dma_start3A_247 = arith.constant 0 : i32
      %dma_start3A_248 = tpu.memref_slice %arg11[%add3A_246, %dma_start3A_247] : memref<160x128xi32, #tpu.memory_space<vmem>> -> memref<1x128xi32, #tpu.memory_space<vmem>>
      %dma_start3A_249 = tpu.memref_squeeze %dma_start3A_248 : memref<1x128xi32, #tpu.memory_space<vmem>> -> memref<128xi32, #tpu.memory_space<vmem>>
      %dma_start3A_250 = arith.constant 0 : i32
      %dma_start3A_251 = tpu.memref_slice %arg22[%dma_start3A_250] : memref<10240xf32, #tpu.memory_space<vmem_shared>> -> memref<10240xf32, #tpu.memory_space<vmem_shared>>
      tpu.enqueue_indirect_dma source(%arg13 : memref<128xf32, #tpu.memory_space<vmem>>) target(%dma_start3A_251 : memref<10240xf32, #tpu.memory_space<vmem_shared>>) offsets(%dma_start3A_249 : memref<128xi32, #tpu.memory_space<vmem>>) semaphore(%arg20 : memref<!tpu.dma_semaphore, #tpu.memory_space<semaphore_mem>>) {add = true}
      %dma_wait3A_252 = arith.constant 0 : i32
      %dma_wait3A_253 = tpu.memref_slice %arg11[%add3A_197, %dma_wait3A_252] : memref<160x128xi32, #tpu.memory_space<vmem>> -> memref<1x128xi32, #tpu.memory_space<vmem>>
      %dma_wait3A_254 = tpu.memref_squeeze %dma_wait3A_253 : memref<1x128xi32, #tpu.memory_space<vmem>> -> memref<128xi32, #tpu.memory_space<vmem>>
      %dma_wait3A_255 = arith.constant 0 : i32
      %dma_wait3A_256 = tpu.memref_slice %arg22[%dma_wait3A_255] : memref<10240xf32, #tpu.memory_space<vmem_shared>> -> memref<10240xf32, #tpu.memory_space<vmem_shared>>
      tpu.wait_indirect_dma semaphore(%arg20 : memref<!tpu.dma_semaphore, #tpu.memory_space<semaphore_mem>>) src(%arg13 : memref<128xf32, #tpu.memory_space<vmem>>) dst(%dma_wait3A_256 : memref<10240xf32, #tpu.memory_space<vmem_shared>>)
      %dma_wait3A_257 = arith.constant 0 : i32
      %dma_wait3A_258 = tpu.memref_slice %arg11[%add3A_204, %dma_wait3A_257] : memref<160x128xi32, #tpu.memory_space<vmem>> -> memref<1x128xi32, #tpu.memory_space<vmem>>
      %dma_wait3A_259 = tpu.memref_squeeze %dma_wait3A_258 : memref<1x128xi32, #tpu.memory_space<vmem>> -> memref<128xi32, #tpu.memory_space<vmem>>
      %dma_wait3A_260 = arith.constant 0 : i32
      %dma_wait3A_261 = tpu.memref_slice %arg22[%dma_wait3A_260] : memref<10240xf32, #tpu.memory_space<vmem_shared>> -> memref<10240xf32, #tpu.memory_space<vmem_shared>>
      tpu.wait_indirect_dma semaphore(%arg20 : memref<!tpu.dma_semaphore, #tpu.memory_space<semaphore_mem>>) src(%arg13 : memref<128xf32, #tpu.memory_space<vmem>>) dst(%dma_wait3A_261 : memref<10240xf32, #tpu.memory_space<vmem_shared>>)
      %dma_wait3A_262 = arith.constant 0 : i32
      %dma_wait3A_263 = tpu.memref_slice %arg11[%add3A_211, %dma_wait3A_262] : memref<160x128xi32, #tpu.memory_space<vmem>> -> memref<1x128xi32, #tpu.memory_space<vmem>>
      %dma_wait3A_264 = tpu.memref_squeeze %dma_wait3A_263 : memref<1x128xi32, #tpu.memory_space<vmem>> -> memref<128xi32, #tpu.memory_space<vmem>>
      %dma_wait3A_265 = arith.constant 0 : i32
      %dma_wait3A_266 = tpu.memref_slice %arg22[%dma_wait3A_265] : memref<10240xf32, #tpu.memory_space<vmem_shared>> -> memref<10240xf32, #tpu.memory_space<vmem_shared>>
      tpu.wait_indirect_dma semaphore(%arg20 : memref<!tpu.dma_semaphore, #tpu.memory_space<semaphore_mem>>) src(%arg13 : memref<128xf32, #tpu.memory_space<vmem>>) dst(%dma_wait3A_266 : memref<10240xf32, #tpu.memory_space<vmem_shared>>)
      %dma_wait3A_267 = arith.constant 0 : i32
      %dma_wait3A_268 = tpu.memref_slice %arg11[%add3A_218, %dma_wait3A_267] : memref<160x128xi32, #tpu.memory_space<vmem>> -> memref<1x128xi32, #tpu.memory_space<vmem>>
      %dma_wait3A_269 = tpu.memref_squeeze %dma_wait3A_268 : memref<1x128xi32, #tpu.memory_space<vmem>> -> memref<128xi32, #tpu.memory_space<vmem>>
      %dma_wait3A_270 = arith.constant 0 : i32
      %dma_wait3A_271 = tpu.memref_slice %arg22[%dma_wait3A_270] : memref<10240xf32, #tpu.memory_space<vmem_shared>> -> memref<10240xf32, #tpu.memory_space<vmem_shared>>
      tpu.wait_indirect_dma semaphore(%arg20 : memref<!tpu.dma_semaphore, #tpu.memory_space<semaphore_mem>>) src(%arg13 : memref<128xf32, #tpu.memory_space<vmem>>) dst(%dma_wait3A_271 : memref<10240xf32, #tpu.memory_space<vmem_shared>>)
      %dma_wait3A_272 = arith.constant 0 : i32
      %dma_wait3A_273 = tpu.memref_slice %arg11[%add3A_225, %dma_wait3A_272] : memref<160x128xi32, #tpu.memory_space<vmem>> -> memref<1x128xi32, #tpu.memory_space<vmem>>
      %dma_wait3A_274 = tpu.memref_squeeze %dma_wait3A_273 : memref<1x128xi32, #tpu.memory_space<vmem>> -> memref<128xi32, #tpu.memory_space<vmem>>
      %dma_wait3A_275 = arith.constant 0 : i32
      %dma_wait3A_276 = tpu.memref_slice %arg22[%dma_wait3A_275] : memref<10240xf32, #tpu.memory_space<vmem_shared>> -> memref<10240xf32, #tpu.memory_space<vmem_shared>>
      tpu.wait_indirect_dma semaphore(%arg20 : memref<!tpu.dma_semaphore, #tpu.memory_space<semaphore_mem>>) src(%arg13 : memref<128xf32, #tpu.memory_space<vmem>>) dst(%dma_wait3A_276 : memref<10240xf32, #tpu.memory_space<vmem_shared>>)
      %dma_wait3A_277 = arith.constant 0 : i32
      %dma_wait3A_278 = tpu.memref_slice %arg11[%add3A_232, %dma_wait3A_277] : memref<160x128xi32, #tpu.memory_space<vmem>> -> memref<1x128xi32, #tpu.memory_space<vmem>>
      %dma_wait3A_279 = tpu.memref_squeeze %dma_wait3A_278 : memref<1x128xi32, #tpu.memory_space<vmem>> -> memref<128xi32, #tpu.memory_space<vmem>>
      %dma_wait3A_280 = arith.constant 0 : i32
      %dma_wait3A_281 = tpu.memref_slice %arg22[%dma_wait3A_280] : memref<10240xf32, #tpu.memory_space<vmem_shared>> -> memref<10240xf32, #tpu.memory_space<vmem_shared>>
      tpu.wait_indirect_dma semaphore(%arg20 : memref<!tpu.dma_semaphore, #tpu.memory_space<semaphore_mem>>) src(%arg13 : memref<128xf32, #tpu.memory_space<vmem>>) dst(%dma_wait3A_281 : memref<10240xf32, #tpu.memory_space<vmem_shared>>)
      %dma_wait3A_282 = arith.constant 0 : i32
      %dma_wait3A_283 = tpu.memref_slice %arg11[%add3A_239, %dma_wait3A_282] : memref<160x128xi32, #tpu.memory_space<vmem>> -> memref<1x128xi32, #tpu.memory_space<vmem>>
      %dma_wait3A_284 = tpu.memref_squeeze %dma_wait3A_283 : memref<1x128xi32, #tpu.memory_space<vmem>> -> memref<128xi32, #tpu.memory_space<vmem>>
      %dma_wait3A_285 = arith.constant 0 : i32
      %dma_wait3A_286 = tpu.memref_slice %arg22[%dma_wait3A_285] : memref<10240xf32, #tpu.memory_space<vmem_shared>> -> memref<10240xf32, #tpu.memory_space<vmem_shared>>
      tpu.wait_indirect_dma semaphore(%arg20 : memref<!tpu.dma_semaphore, #tpu.memory_space<semaphore_mem>>) src(%arg13 : memref<128xf32, #tpu.memory_space<vmem>>) dst(%dma_wait3A_286 : memref<10240xf32, #tpu.memory_space<vmem_shared>>)
      %dma_wait3A_287 = arith.constant 0 : i32
      %dma_wait3A_288 = tpu.memref_slice %arg11[%add3A_246, %dma_wait3A_287] : memref<160x128xi32, #tpu.memory_space<vmem>> -> memref<1x128xi32, #tpu.memory_space<vmem>>
      %dma_wait3A_289 = tpu.memref_squeeze %dma_wait3A_288 : memref<1x128xi32, #tpu.memory_space<vmem>> -> memref<128xi32, #tpu.memory_space<vmem>>
      %dma_wait3A_290 = arith.constant 0 : i32
      %dma_wait3A_291 = tpu.memref_slice %arg22[%dma_wait3A_290] : memref<10240xf32, #tpu.memory_space<vmem_shared>> -> memref<10240xf32, #tpu.memory_space<vmem_shared>>
      tpu.wait_indirect_dma semaphore(%arg20 : memref<!tpu.dma_semaphore, #tpu.memory_space<semaphore_mem>>) src(%arg13 : memref<128xf32, #tpu.memory_space<vmem>>) dst(%dma_wait3A_291 : memref<10240xf32, #tpu.memory_space<vmem_shared>>)
    }
    %scan3A_26 = arith.constant 20 : i32
    %barrier3A_27 = arith.constant 0 : index
    tpu.barrier barrier_id(%barrier3A_27)
    "tpu.region"() ({
      %run_scoped3A = tpu.sem_alloc : memref<!tpu.dma_semaphore, #tpu.memory_space<semaphore_mem>>
      %dma_start3A_194 = tpu.memref_slice %arg22[%mul3A_0] : memref<10240xf32, #tpu.memory_space<vmem_shared>> -> memref<640xf32, #tpu.memory_space<vmem_shared>>
      %dma_start3A_195 = tpu.memref_slice %arg22[%mul3A_0] : memref<10240xf32, #tpu.memory_space<vmem_shared>> -> memref<640xf32, #tpu.memory_space<vmem_shared>>
      tpu.enqueue_dma source(%dma_start3A_195 : memref<640xf32, #tpu.memory_space<vmem_shared>>) target(%arg19 : memref<640xf32, #tpu.memory_space<vmem>>) target_semaphore(%run_scoped3A : memref<!tpu.dma_semaphore, #tpu.memory_space<semaphore_mem>>)
      %dma_wait3A_196 = tpu.memref_slice %arg22[%mul3A_0] : memref<10240xf32, #tpu.memory_space<vmem_shared>> -> memref<640xf32, #tpu.memory_space<vmem_shared>>
      %dma_wait3A_197 = tpu.memref_slice %arg22[%mul3A_0] : memref<10240xf32, #tpu.memory_space<vmem_shared>> -> memref<640xf32, #tpu.memory_space<vmem_shared>>
      tpu.wait_dma2 semaphore(%run_scoped3A : memref<!tpu.dma_semaphore, #tpu.memory_space<semaphore_mem>>) src(%dma_wait3A_197 : memref<640xf32, #tpu.memory_space<vmem_shared>>) dst(%arg19 : memref<640xf32, #tpu.memory_space<vmem>>)
      tpu.yield
    }) : () -> ()
    %scan3A_28 = arith.constant 0 : i32
    %scan3A_29 = arith.constant 0 : i32
    %scan3A_30 = arith.constant 40 : i32
    %scan3A_31 = arith.addi %scan3A_29, %scan3A_30 : i32
    %scan3A_32 = arith.constant 1 : i32
    scf.for %scan3A_194 = %scan3A_29 to %scan3A_31 step %scan3A_32  : i32 {
      %mul3A_195 = arith.constant 16 : i32
      %mul3A_196 = arith.muli %scan3A_194, %mul3A_195 : i32
      %get3A = arith.index_cast %mul3A_196 : i32 to index
      %get3A_197 = tpu.vector_load %arg19[%get3A] {strides = array<i32>} : memref<640xf32, #tpu.memory_space<vmem>>, vector<16xf32>,
      %add3A = arith.constant 1.000000e+00 : f32
      %add3A_198 = vector.broadcast %add3A : f32 to vector<16xf32>
      %add3A_199 = arith.addf %get3A_197, %add3A_198 : vector<16xf32>
      %bitcast3A = vector.bitcast %add3A_199 : vector<16xf32> to vector<16xi32>
      %shift_right_arithmetic3A = arith.constant 1 : i32
      %shift_right_arithmetic3A_200 = vector.broadcast %shift_right_arithmetic3A : i32 to vector<16xi32>
      %shift_right_arithmetic3A_201 = arith.shrsi %bitcast3A, %shift_right_arithmetic3A_200 : vector<16xi32>
      %sub3A = arith.constant 1597463007 : i32
      %sub3A_202 = vector.broadcast %sub3A : i32 to vector<16xi32>
      %sub3A_203 = arith.subi %sub3A_202, %shift_right_arithmetic3A_201 : vector<16xi32>
      %bitcast3A_204 = vector.bitcast %sub3A_203 : vector<16xi32> to vector<16xf32>
      %mul3A_205 = arith.constant 5.000000e-01 : f32
      %mul3A_206 = vector.broadcast %mul3A_205 : f32 to vector<16xf32>
      %mul3A_207 = arith.mulf %mul3A_206, %add3A_199 : vector<16xf32>
      %mul3A_208 = arith.mulf %mul3A_207, %bitcast3A_204 : vector<16xf32>
      %mul3A_209 = arith.mulf %mul3A_208, %bitcast3A_204 : vector<16xf32>
      %sub3A_210 = arith.constant 1.500000e+00 : f32
      %sub3A_211 = vector.broadcast %sub3A_210 : f32 to vector<16xf32>
      %sub3A_212 = arith.subf %sub3A_211, %mul3A_209 : vector<16xf32>
      %mul3A_213 = arith.mulf %bitcast3A_204, %sub3A_212 : vector<16xf32>
      %mul3A_214 = arith.constant 5.000000e-01 : f32
      %mul3A_215 = vector.broadcast %mul3A_214 : f32 to vector<16xf32>
      %mul3A_216 = arith.mulf %mul3A_215, %add3A_199 : vector<16xf32>
      %mul3A_217 = arith.mulf %mul3A_216, %mul3A_213 : vector<16xf32>
      %mul3A_218 = arith.mulf %mul3A_217, %mul3A_213 : vector<16xf32>
      %sub3A_219 = arith.constant 1.500000e+00 : f32
      %sub3A_220 = vector.broadcast %sub3A_219 : f32 to vector<16xf32>
      %sub3A_221 = arith.subf %sub3A_220, %mul3A_218 : vector<16xf32>
      %mul3A_222 = arith.mulf %mul3A_213, %sub3A_221 : vector<16xf32>
      %mul3A_223 = arith.constant 5.000000e-01 : f32
      %mul3A_224 = vector.broadcast %mul3A_223 : f32 to vector<16xf32>
      %mul3A_225 = arith.mulf %mul3A_224, %add3A_199 : vector<16xf32>
      %mul3A_226 = arith.mulf %mul3A_225, %mul3A_222 : vector<16xf32>
      %mul3A_227 = arith.mulf %mul3A_226, %mul3A_222 : vector<16xf32>
      %sub3A_228 = arith.constant 1.500000e+00 : f32
      %sub3A_229 = vector.broadcast %sub3A_228 : f32 to vector<16xf32>
      %sub3A_230 = arith.subf %sub3A_229, %mul3A_227 : vector<16xf32>
      %mul3A_231 = arith.mulf %mul3A_222, %sub3A_230 : vector<16xf32>
      %mul3A_232 = arith.constant 16 : i32
      %mul3A_233 = arith.muli %scan3A_194, %mul3A_232 : i32
      %swap3A = arith.index_cast %mul3A_233 : i32 to index
      %swap3A_234 = tpu.vector_load %arg18[%swap3A] {strides = array<i32>} : memref<640xf32, #tpu.memory_space<vmem>>, vector<16xf32>,
      tpu.vector_store %arg18[%swap3A], %mul3A_231 {strides = array<i32>} : memref<640xf32, #tpu.memory_space<vmem>>, vector<16xf32>,
    }
    %scan3A_33 = arith.constant 40 : i32
    %eq3A = arith.constant 0 : i32
    %eq3A_34 = arith.cmpi eq, %arg0, %eq3A : i32
    %convert_element_type3A = arith.extui %eq3A_34 : i1 to i32
    %cond3A = arith.constant 0 : i32
    %cond3A_35 = arith.cmpi ne, %convert_element_type3A, %cond3A : i32
    scf.if %cond3A_35 {
      "tpu.region"() ({
        %run_scoped3A = tpu.sem_alloc : memref<!tpu.dma_semaphore, #tpu.memory_space<semaphore_mem>>
        %dma_start3A_194 = tpu.memref_slice %arg9[%mul3A_0] : memref<10240xf32, #tpu.memory_space<hbm>> -> memref<640xf32, #tpu.memory_space<hbm>>
        %dma_start3A_195 = tpu.memref_slice %arg9[%mul3A_0] : memref<10240xf32, #tpu.memory_space<hbm>> -> memref<640xf32, #tpu.memory_space<hbm>>
        tpu.enqueue_dma source(%arg18 : memref<640xf32, #tpu.memory_space<vmem>>) target(%dma_start3A_195 : memref<640xf32, #tpu.memory_space<hbm>>) target_semaphore(%run_scoped3A : memref<!tpu.dma_semaphore, #tpu.memory_space<semaphore_mem>>)
        %dma_wait3A_196 = tpu.memref_slice %arg9[%mul3A_0] : memref<10240xf32, #tpu.memory_space<hbm>> -> memref<640xf32, #tpu.memory_space<hbm>>
        %dma_wait3A_197 = tpu.memref_slice %arg9[%mul3A_0] : memref<10240xf32, #tpu.memory_space<hbm>> -> memref<640xf32, #tpu.memory_space<hbm>>
        tpu.wait_dma2 semaphore(%run_scoped3A : memref<!tpu.dma_semaphore, #tpu.memory_space<semaphore_mem>>) src(%arg18 : memref<640xf32, #tpu.memory_space<vmem>>) dst(%dma_wait3A_197 : memref<640xf32, #tpu.memory_space<hbm>>)
        tpu.yield
      }) : () -> ()
    } else {
    }
    %scan3A_36 = arith.constant 0 : i32
    %scan3A_37 = arith.constant 0 : i32
    %scan3A_38 = arith.constant 20 : i32
    %scan3A_39 = arith.addi %scan3A_37, %scan3A_38 : i32
    %scan3A_40 = arith.constant 1 : i32
    scf.for %scan3A_194 = %scan3A_37 to %scan3A_39 step %scan3A_40  : i32 {
      %mul3A_195 = arith.constant 32 : i32
      %mul3A_196 = arith.muli %scan3A_194, %mul3A_195 : i32
      %add3A = arith.addi %mul3A_0, %mul3A_196 : i32
      "tpu.region"() ({
        %run_scoped3A_204 = tpu.sem_alloc : memref<!tpu.dma_semaphore, #tpu.memory_space<semaphore_mem>>
        %dma_start3A_205 = arith.constant 0 : i32
        %dma_start3A_206 = tpu.memref_slice %arg4[%add3A, %dma_start3A_205] : memref<10240x128xf32, #tpu.memory_space<hbm>> -> memref<32x128xf32, #tpu.memory_space<hbm>>
        %dma_start3A_207 = arith.constant 0 : i32
        %dma_start3A_208 = tpu.memref_slice %arg4[%add3A, %dma_start3A_207] : memref<10240x128xf32, #tpu.memory_space<hbm>> -> memref<32x128xf32, #tpu.memory_space<hbm>>
        tpu.enqueue_dma source(%dma_start3A_208 : memref<32x128xf32, #tpu.memory_space<hbm>>) target(%arg15 : memref<32x128xf32, #tpu.memory_space<vmem>>) target_semaphore(%run_scoped3A_204 : memref<!tpu.dma_semaphore, #tpu.memory_space<semaphore_mem>>)
        %dma_wait3A_209 = arith.constant 0 : i32
        %dma_wait3A_210 = tpu.memref_slice %arg4[%add3A, %dma_wait3A_209] : memref<10240x128xf32, #tpu.memory_space<hbm>> -> memref<32x128xf32, #tpu.memory_space<hbm>>
        %dma_wait3A_211 = arith.constant 0 : i32
        %dma_wait3A_212 = tpu.memref_slice %arg4[%add3A, %dma_wait3A_211] : memref<10240x128xf32, #tpu.memory_space<hbm>> -> memref<32x128xf32, #tpu.memory_space<hbm>>
        tpu.wait_dma2 semaphore(%run_scoped3A_204 : memref<!tpu.dma_semaphore, #tpu.memory_space<semaphore_mem>>) src(%dma_wait3A_212 : memref<32x128xf32, #tpu.memory_space<hbm>>) dst(%arg15 : memref<32x128xf32, #tpu.memory_space<vmem>>)
        tpu.yield
      }) : () -> ()
      %scan3A_197 = arith.constant 0 : i32
      %scan3A_198 = arith.constant 0 : i32
      %scan3A_199 = arith.constant 32 : i32
      %scan3A_200 = arith.addi %scan3A_198, %scan3A_199 : i32
      %scan3A_201 = arith.constant 1 : i32
      scf.for %scan3A_204 = %scan3A_198 to %scan3A_200 step %scan3A_201  : i32 {
        %mul3A_205 = arith.constant 32 : i32
        %mul3A_206 = arith.muli %scan3A_194, %mul3A_205 : i32
        %add3A_207 = arith.addi %mul3A_206, %scan3A_204 : i32
        %broadcast_in_dim3A_208 = vector.broadcast %add3A_207 : i32 to vector<16xi32>
        %gather3A = tpu.vector_load_idx %arg18[%broadcast_in_dim3A_208] : memref<640xf32, #tpu.memory_space<vmem>>[vector<16xi32>], vector<16xf32>,
        %get3A = arith.index_cast %scan3A_204 : i32 to index
        %get3A_209 = arith.constant 0 : index
        %get3A_210 = tpu.vector_load %arg15[%get3A, %get3A_209] {strides = array<i32>} : memref<32x128xf32, #tpu.memory_space<vmem>>, vector<16xf32>,
        %mul3A_211 = arith.mulf %get3A_210, %gather3A : vector<16xf32>
        %swap3A = arith.index_cast %scan3A_204 : i32 to index
        %swap3A_212 = arith.constant 0 : index
        %swap3A_213 = tpu.vector_load %arg16[%swap3A, %swap3A_212] {strides = array<i32>} : memref<32x64xf32, #tpu.memory_space<vmem>>, vector<16xf32>,
        tpu.vector_store %arg16[%swap3A, %swap3A_212], %mul3A_211 {strides = array<i32>} : memref<32x64xf32, #tpu.memory_space<vmem>>, vector<16xf32>,
        %get3A_214 = arith.index_cast %scan3A_204 : i32 to index
        %get3A_215 = arith.constant 16 : index
        %get3A_216 = tpu.vector_load %arg15[%get3A_214, %get3A_215] {strides = array<i32>} : memref<32x128xf32, #tpu.memory_space<vmem>>, vector<16xf32>,
        %mul3A_217 = arith.mulf %get3A_216, %gather3A : vector<16xf32>
        %swap3A_218 = arith.index_cast %scan3A_204 : i32 to index
        %swap3A_219 = arith.constant 16 : index
        %swap3A_220 = tpu.vector_load %arg16[%swap3A_218, %swap3A_219] {strides = array<i32>} : memref<32x64xf32, #tpu.memory_space<vmem>>, vector<16xf32>,
        tpu.vector_store %arg16[%swap3A_218, %swap3A_219], %mul3A_217 {strides = array<i32>} : memref<32x64xf32, #tpu.memory_space<vmem>>, vector<16xf32>,
        %get3A_221 = arith.index_cast %scan3A_204 : i32 to index
        %get3A_222 = arith.constant 32 : index
        %get3A_223 = tpu.vector_load %arg15[%get3A_221, %get3A_222] {strides = array<i32>} : memref<32x128xf32, #tpu.memory_space<vmem>>, vector<16xf32>,
        %mul3A_224 = arith.mulf %get3A_223, %gather3A : vector<16xf32>
        %swap3A_225 = arith.index_cast %scan3A_204 : i32 to index
        %swap3A_226 = arith.constant 32 : index
        %swap3A_227 = tpu.vector_load %arg16[%swap3A_225, %swap3A_226] {strides = array<i32>} : memref<32x64xf32, #tpu.memory_space<vmem>>, vector<16xf32>,
        tpu.vector_store %arg16[%swap3A_225, %swap3A_226], %mul3A_224 {strides = array<i32>} : memref<32x64xf32, #tpu.memory_space<vmem>>, vector<16xf32>,
        %get3A_228 = arith.index_cast %scan3A_204 : i32 to index
        %get3A_229 = arith.constant 48 : index
        %get3A_230 = tpu.vector_load %arg15[%get3A_228, %get3A_229] {strides = array<i32>} : memref<32x128xf32, #tpu.memory_space<vmem>>, vector<16xf32>,
        %mul3A_231 = arith.mulf %get3A_230, %gather3A : vector<16xf32>
        %swap3A_232 = arith.index_cast %scan3A_204 : i32 to index
        %swap3A_233 = arith.constant 48 : index
        %swap3A_234 = tpu.vector_load %arg16[%swap3A_232, %swap3A_233] {strides = array<i32>} : memref<32x64xf32, #tpu.memory_space<vmem>>, vector<16xf32>,
        tpu.vector_store %arg16[%swap3A_232, %swap3A_233], %mul3A_231 {strides = array<i32>} : memref<32x64xf32, #tpu.memory_space<vmem>>, vector<16xf32>,
        %get3A_235 = arith.index_cast %scan3A_204 : i32 to index
        %get3A_236 = arith.constant 64 : index
        %get3A_237 = tpu.vector_load %arg15[%get3A_235, %get3A_236] {strides = array<i32>} : memref<32x128xf32, #tpu.memory_space<vmem>>, vector<16xf32>,
        %mul3A_238 = arith.mulf %get3A_237, %gather3A : vector<16xf32>
        %swap3A_239 = arith.index_cast %scan3A_204 : i32 to index
        %swap3A_240 = arith.constant 0 : index
        %swap3A_241 = tpu.vector_load %arg17[%swap3A_239, %swap3A_240] {strides = array<i32>} : memref<32x64xf32, #tpu.memory_space<vmem>>, vector<16xf32>,
        tpu.vector_store %arg17[%swap3A_239, %swap3A_240], %mul3A_238 {strides = array<i32>} : memref<32x64xf32, #tpu.memory_space<vmem>>, vector<16xf32>,
        %get3A_242 = arith.index_cast %scan3A_204 : i32 to index
        %get3A_243 = arith.constant 80 : index
        %get3A_244 = tpu.vector_load %arg15[%get3A_242, %get3A_243] {strides = array<i32>} : memref<32x128xf32, #tpu.memory_space<vmem>>, vector<16xf32>,
        %mul3A_245 = arith.mulf %get3A_244, %gather3A : vector<16xf32>
        %swap3A_246 = arith.index_cast %scan3A_204 : i32 to index
        %swap3A_247 = arith.constant 16 : index
        %swap3A_248 = tpu.vector_load %arg17[%swap3A_246, %swap3A_247] {strides = array<i32>} : memref<32x64xf32, #tpu.memory_space<vmem>>, vector<16xf32>,
        tpu.vector_store %arg17[%swap3A_246, %swap3A_247], %mul3A_245 {strides = array<i32>} : memref<32x64xf32, #tpu.memory_space<vmem>>, vector<16xf32>,
        %get3A_249 = arith.index_cast %scan3A_204 : i32 to index
        %get3A_250 = arith.constant 96 : index
        %get3A_251 = tpu.vector_load %arg15[%get3A_249, %get3A_250] {strides = array<i32>} : memref<32x128xf32, #tpu.memory_space<vmem>>, vector<16xf32>,
        %mul3A_252 = arith.mulf %get3A_251, %gather3A : vector<16xf32>
        %swap3A_253 = arith.index_cast %scan3A_204 : i32 to index
        %swap3A_254 = arith.constant 32 : index
        %swap3A_255 = tpu.vector_load %arg17[%swap3A_253, %swap3A_254] {strides = array<i32>} : memref<32x64xf32, #tpu.memory_space<vmem>>, vector<16xf32>,
        tpu.vector_store %arg17[%swap3A_253, %swap3A_254], %mul3A_252 {strides = array<i32>} : memref<32x64xf32, #tpu.memory_space<vmem>>, vector<16xf32>,
        %get3A_256 = arith.index_cast %scan3A_204 : i32 to index
        %get3A_257 = arith.constant 112 : index
        %get3A_258 = tpu.vector_load %arg15[%get3A_256, %get3A_257] {strides = array<i32>} : memref<32x128xf32, #tpu.memory_space<vmem>>, vector<16xf32>,
        %mul3A_259 = arith.mulf %get3A_258, %gather3A : vector<16xf32>
        %swap3A_260 = arith.index_cast %scan3A_204 : i32 to index
        %swap3A_261 = arith.constant 48 : index
        %swap3A_262 = tpu.vector_load %arg17[%swap3A_260, %swap3A_261] {strides = array<i32>} : memref<32x64xf32, #tpu.memory_space<vmem>>, vector<16xf32>,
        tpu.vector_store %arg17[%swap3A_260, %swap3A_261], %mul3A_259 {strides = array<i32>} : memref<32x64xf32, #tpu.memory_space<vmem>>, vector<16xf32>,
      }
      %scan3A_202 = arith.constant 32 : i32
      %run_scoped3A = arith.constant 0 : i32
      "tpu.region"() ({
        %run_scoped3A_204 = tpu.sem_alloc : memref<!tpu.dma_semaphore, #tpu.memory_space<semaphore_mem>>
        %dma_start3A_205 = arith.constant 0 : i32
        %dma_start3A_206 = arith.constant 0 : i32
        %dma_start3A_207 = arith.constant 0 : i32
        %dma_start3A_208 = tpu.memref_slice %arg8[%arg0, %dma_start3A_205, %dma_start3A_206, %dma_start3A_207] : memref<2x2x10240x64xf32, #tpu.memory_space<hbm>> -> memref<1x2x10240x64xf32, #tpu.memory_space<hbm>>
        %dma_start3A_209 = tpu.memref_squeeze %dma_start3A_208 : memref<1x2x10240x64xf32, #tpu.memory_space<hbm>> -> memref<2x10240x64xf32, #tpu.memory_space<hbm>>
        %dma_start3A_210 = arith.constant 0 : i32
        %dma_start3A_211 = arith.constant 0 : i32
        %dma_start3A_212 = tpu.memref_slice %dma_start3A_209[%run_scoped3A, %dma_start3A_210, %dma_start3A_211] : memref<2x10240x64xf32, #tpu.memory_space<hbm>> -> memref<1x10240x64xf32, #tpu.memory_space<hbm>>
        %dma_start3A_213 = tpu.memref_squeeze %dma_start3A_212 : memref<1x10240x64xf32, #tpu.memory_space<hbm>> -> memref<10240x64xf32, #tpu.memory_space<hbm>>
        %dma_start3A_214 = arith.constant 0 : i32
        %dma_start3A_215 = tpu.memref_slice %dma_start3A_213[%add3A, %dma_start3A_214] : memref<10240x64xf32, #tpu.memory_space<hbm>> -> memref<32x64xf32, #tpu.memory_space<hbm>>
        %dma_start3A_216 = arith.constant 0 : i32
        %dma_start3A_217 = arith.constant 0 : i32
        %dma_start3A_218 = arith.constant 0 : i32
        %dma_start3A_219 = tpu.memref_slice %arg8[%arg0, %dma_start3A_216, %dma_start3A_217, %dma_start3A_218] : memref<2x2x10240x64xf32, #tpu.memory_space<hbm>> -> memref<1x2x10240x64xf32, #tpu.memory_space<hbm>>
        %dma_start3A_220 = tpu.memref_squeeze %dma_start3A_219 : memref<1x2x10240x64xf32, #tpu.memory_space<hbm>> -> memref<2x10240x64xf32, #tpu.memory_space<hbm>>
        %dma_start3A_221 = arith.constant 0 : i32
        %dma_start3A_222 = arith.constant 0 : i32
        %dma_start3A_223 = tpu.memref_slice %dma_start3A_220[%run_scoped3A, %dma_start3A_221, %dma_start3A_222] : memref<2x10240x64xf32, #tpu.memory_space<hbm>> -> memref<1x10240x64xf32, #tpu.memory_space<hbm>>
        %dma_start3A_224 = tpu.memref_squeeze %dma_start3A_223 : memref<1x10240x64xf32, #tpu.memory_space<hbm>> -> memref<10240x64xf32, #tpu.memory_space<hbm>>
        %dma_start3A_225 = arith.constant 0 : i32
        %dma_start3A_226 = tpu.memref_slice %dma_start3A_224[%add3A, %dma_start3A_225] : memref<10240x64xf32, #tpu.memory_space<hbm>> -> memref<32x64xf32, #tpu.memory_space<hbm>>
        tpu.enqueue_dma source(%arg16 : memref<32x64xf32, #tpu.memory_space<vmem>>) target(%dma_start3A_226 : memref<32x64xf32, #tpu.memory_space<hbm>>) target_semaphore(%run_scoped3A_204 : memref<!tpu.dma_semaphore, #tpu.memory_space<semaphore_mem>>)
        %dma_wait3A_227 = arith.constant 0 : i32
        %dma_wait3A_228 = arith.constant 0 : i32
        %dma_wait3A_229 = arith.constant 0 : i32
        %dma_wait3A_230 = tpu.memref_slice %arg8[%arg0, %dma_wait3A_227, %dma_wait3A_228, %dma_wait3A_229] : memref<2x2x10240x64xf32, #tpu.memory_space<hbm>> -> memref<1x2x10240x64xf32, #tpu.memory_space<hbm>>
        %dma_wait3A_231 = tpu.memref_squeeze %dma_wait3A_230 : memref<1x2x10240x64xf32, #tpu.memory_space<hbm>> -> memref<2x10240x64xf32, #tpu.memory_space<hbm>>
        %dma_wait3A_232 = arith.constant 0 : i32
        %dma_wait3A_233 = arith.constant 0 : i32
        %dma_wait3A_234 = tpu.memref_slice %dma_wait3A_231[%run_scoped3A, %dma_wait3A_232, %dma_wait3A_233] : memref<2x10240x64xf32, #tpu.memory_space<hbm>> -> memref<1x10240x64xf32, #tpu.memory_space<hbm>>
        %dma_wait3A_235 = tpu.memref_squeeze %dma_wait3A_234 : memref<1x10240x64xf32, #tpu.memory_space<hbm>> -> memref<10240x64xf32, #tpu.memory_space<hbm>>
        %dma_wait3A_236 = arith.constant 0 : i32
        %dma_wait3A_237 = tpu.memref_slice %dma_wait3A_235[%add3A, %dma_wait3A_236] : memref<10240x64xf32, #tpu.memory_space<hbm>> -> memref<32x64xf32, #tpu.memory_space<hbm>>
        %dma_wait3A_238 = arith.constant 0 : i32
        %dma_wait3A_239 = arith.constant 0 : i32
        %dma_wait3A_240 = arith.constant 0 : i32
        %dma_wait3A_241 = tpu.memref_slice %arg8[%arg0, %dma_wait3A_238, %dma_wait3A_239, %dma_wait3A_240] : memref<2x2x10240x64xf32, #tpu.memory_space<hbm>> -> memref<1x2x10240x64xf32, #tpu.memory_space<hbm>>
        %dma_wait3A_242 = tpu.memref_squeeze %dma_wait3A_241 : memref<1x2x10240x64xf32, #tpu.memory_space<hbm>> -> memref<2x10240x64xf32, #tpu.memory_space<hbm>>
        %dma_wait3A_243 = arith.constant 0 : i32
        %dma_wait3A_244 = arith.constant 0 : i32
        %dma_wait3A_245 = tpu.memref_slice %dma_wait3A_242[%run_scoped3A, %dma_wait3A_243, %dma_wait3A_244] : memref<2x10240x64xf32, #tpu.memory_space<hbm>> -> memref<1x10240x64xf32, #tpu.memory_space<hbm>>
        %dma_wait3A_246 = tpu.memref_squeeze %dma_wait3A_245 : memref<1x10240x64xf32, #tpu.memory_space<hbm>> -> memref<10240x64xf32, #tpu.memory_space<hbm>>
        %dma_wait3A_247 = arith.constant 0 : i32
        %dma_wait3A_248 = tpu.memref_slice %dma_wait3A_246[%add3A, %dma_wait3A_247] : memref<10240x64xf32, #tpu.memory_space<hbm>> -> memref<32x64xf32, #tpu.memory_space<hbm>>
        tpu.wait_dma2 semaphore(%run_scoped3A_204 : memref<!tpu.dma_semaphore, #tpu.memory_space<semaphore_mem>>) src(%arg16 : memref<32x64xf32, #tpu.memory_space<vmem>>) dst(%dma_wait3A_248 : memref<32x64xf32, #tpu.memory_space<hbm>>)
        tpu.yield
      }) : () -> ()
      %run_scoped3A_203 = arith.constant 1 : i32
      "tpu.region"() ({
        %run_scoped3A_204 = tpu.sem_alloc : memref<!tpu.dma_semaphore, #tpu.memory_space<semaphore_mem>>
        %dma_start3A_205 = arith.constant 0 : i32
        %dma_start3A_206 = arith.constant 0 : i32
        %dma_start3A_207 = arith.constant 0 : i32
        %dma_start3A_208 = tpu.memref_slice %arg8[%arg0, %dma_start3A_205, %dma_start3A_206, %dma_start3A_207] : memref<2x2x10240x64xf32, #tpu.memory_space<hbm>> -> memref<1x2x10240x64xf32, #tpu.memory_space<hbm>>
        %dma_start3A_209 = tpu.memref_squeeze %dma_start3A_208 : memref<1x2x10240x64xf32, #tpu.memory_space<hbm>> -> memref<2x10240x64xf32, #tpu.memory_space<hbm>>
        %dma_start3A_210 = arith.constant 0 : i32
        %dma_start3A_211 = arith.constant 0 : i32
        %dma_start3A_212 = tpu.memref_slice %dma_start3A_209[%run_scoped3A_203, %dma_start3A_210, %dma_start3A_211] : memref<2x10240x64xf32, #tpu.memory_space<hbm>> -> memref<1x10240x64xf32, #tpu.memory_space<hbm>>
        %dma_start3A_213 = tpu.memref_squeeze %dma_start3A_212 : memref<1x10240x64xf32, #tpu.memory_space<hbm>> -> memref<10240x64xf32, #tpu.memory_space<hbm>>
        %dma_start3A_214 = arith.constant 0 : i32
        %dma_start3A_215 = tpu.memref_slice %dma_start3A_213[%add3A, %dma_start3A_214] : memref<10240x64xf32, #tpu.memory_space<hbm>> -> memref<32x64xf32, #tpu.memory_space<hbm>>
        %dma_start3A_216 = arith.constant 0 : i32
        %dma_start3A_217 = arith.constant 0 : i32
        %dma_start3A_218 = arith.constant 0 : i32
        %dma_start3A_219 = tpu.memref_slice %arg8[%arg0, %dma_start3A_216, %dma_start3A_217, %dma_start3A_218] : memref<2x2x10240x64xf32, #tpu.memory_space<hbm>> -> memref<1x2x10240x64xf32, #tpu.memory_space<hbm>>
        %dma_start3A_220 = tpu.memref_squeeze %dma_start3A_219 : memref<1x2x10240x64xf32, #tpu.memory_space<hbm>> -> memref<2x10240x64xf32, #tpu.memory_space<hbm>>
        %dma_start3A_221 = arith.constant 0 : i32
        %dma_start3A_222 = arith.constant 0 : i32
        %dma_start3A_223 = tpu.memref_slice %dma_start3A_220[%run_scoped3A_203, %dma_start3A_221, %dma_start3A_222] : memref<2x10240x64xf32, #tpu.memory_space<hbm>> -> memref<1x10240x64xf32, #tpu.memory_space<hbm>>
        %dma_start3A_224 = tpu.memref_squeeze %dma_start3A_223 : memref<1x10240x64xf32, #tpu.memory_space<hbm>> -> memref<10240x64xf32, #tpu.memory_space<hbm>>
        %dma_start3A_225 = arith.constant 0 : i32
        %dma_start3A_226 = tpu.memref_slice %dma_start3A_224[%add3A, %dma_start3A_225] : memref<10240x64xf32, #tpu.memory_space<hbm>> -> memref<32x64xf32, #tpu.memory_space<hbm>>
        tpu.enqueue_dma source(%arg17 : memref<32x64xf32, #tpu.memory_space<vmem>>) target(%dma_start3A_226 : memref<32x64xf32, #tpu.memory_space<hbm>>) target_semaphore(%run_scoped3A_204 : memref<!tpu.dma_semaphore, #tpu.memory_space<semaphore_mem>>)
        %dma_wait3A_227 = arith.constant 0 : i32
        %dma_wait3A_228 = arith.constant 0 : i32
        %dma_wait3A_229 = arith.constant 0 : i32
        %dma_wait3A_230 = tpu.memref_slice %arg8[%arg0, %dma_wait3A_227, %dma_wait3A_228, %dma_wait3A_229] : memref<2x2x10240x64xf32, #tpu.memory_space<hbm>> -> memref<1x2x10240x64xf32, #tpu.memory_space<hbm>>
        %dma_wait3A_231 = tpu.memref_squeeze %dma_wait3A_230 : memref<1x2x10240x64xf32, #tpu.memory_space<hbm>> -> memref<2x10240x64xf32, #tpu.memory_space<hbm>>
        %dma_wait3A_232 = arith.constant 0 : i32
        %dma_wait3A_233 = arith.constant 0 : i32
        %dma_wait3A_234 = tpu.memref_slice %dma_wait3A_231[%run_scoped3A_203, %dma_wait3A_232, %dma_wait3A_233] : memref<2x10240x64xf32, #tpu.memory_space<hbm>> -> memref<1x10240x64xf32, #tpu.memory_space<hbm>>
        %dma_wait3A_235 = tpu.memref_squeeze %dma_wait3A_234 : memref<1x10240x64xf32, #tpu.memory_space<hbm>> -> memref<10240x64xf32, #tpu.memory_space<hbm>>
        %dma_wait3A_236 = arith.constant 0 : i32
        %dma_wait3A_237 = tpu.memref_slice %dma_wait3A_235[%add3A, %dma_wait3A_236] : memref<10240x64xf32, #tpu.memory_space<hbm>> -> memref<32x64xf32, #tpu.memory_space<hbm>>
        %dma_wait3A_238 = arith.constant 0 : i32
        %dma_wait3A_239 = arith.constant 0 : i32
        %dma_wait3A_240 = arith.constant 0 : i32
        %dma_wait3A_241 = tpu.memref_slice %arg8[%arg0, %dma_wait3A_238, %dma_wait3A_239, %dma_wait3A_240] : memref<2x2x10240x64xf32, #tpu.memory_space<hbm>> -> memref<1x2x10240x64xf32, #tpu.memory_space<hbm>>
        %dma_wait3A_242 = tpu.memref_squeeze %dma_wait3A_241 : memref<1x2x10240x64xf32, #tpu.memory_space<hbm>> -> memref<2x10240x64xf32, #tpu.memory_space<hbm>>
        %dma_wait3A_243 = arith.constant 0 : i32
        %dma_wait3A_244 = arith.constant 0 : i32
        %dma_wait3A_245 = tpu.memref_slice %dma_wait3A_242[%run_scoped3A_203, %dma_wait3A_243, %dma_wait3A_244] : memref<2x10240x64xf32, #tpu.memory_space<hbm>> -> memref<1x10240x64xf32, #tpu.memory_space<hbm>>
        %dma_wait3A_246 = tpu.memref_squeeze %dma_wait3A_245 : memref<1x10240x64xf32, #tpu.memory_space<hbm>> -> memref<10240x64xf32, #tpu.memory_space<hbm>>
        %dma_wait3A_247 = arith.constant 0 : i32
        %dma_wait3A_248 = tpu.memref_slice %dma_wait3A_246[%add3A, %dma_wait3A_247] : memref<10240x64xf32, #tpu.memory_space<hbm>> -> memref<32x64xf32, #tpu.memory_space<hbm>>
        tpu.wait_dma2 semaphore(%run_scoped3A_204 : memref<!tpu.dma_semaphore, #tpu.memory_space<semaphore_mem>>) src(%arg17 : memref<32x64xf32, #tpu.memory_space<vmem>>) dst(%dma_wait3A_248 : memref<32x64xf32, #tpu.memory_space<hbm>>)
        tpu.yield
      }) : () -> ()
    }
    %scan3A_41 = arith.constant 20 : i32
    %barrier3A_42 = arith.constant 0 : index
    tpu.barrier barrier_id(%barrier3A_42)
    %mul3A_43 = arith.constant 5120 : i32
    %mul3A_44 = arith.muli %arg0, %mul3A_43 : i32
    %dma_start3A = arith.constant 0 : i32
    %dma_start3A_45 = arith.constant 0 : i32
    %dma_start3A_46 = arith.constant 0 : i32
    %dma_start3A_47 = arith.constant 0 : i32
    %dma_start3A_48 = arith.constant 0 : i32
    %dma_start3A_49 = tpu.memref_slice %arg14[%dma_start3A_46, %dma_start3A_47, %dma_start3A_48] : memref<2x128x64xf32, #tpu.memory_space<vmem>> -> memref<1x128x64xf32, #tpu.memory_space<vmem>>
    %dma_start3A_50 = tpu.memref_squeeze %dma_start3A_49 : memref<1x128x64xf32, #tpu.memory_space<vmem>> -> memref<128x64xf32, #tpu.memory_space<vmem>>
    %dma_start3A_51 = arith.constant 0 : i32
    %dma_start3A_52 = tpu.memref_slice %arg10[%dma_start3A_45, %dma_start3A_51] : memref<160x128xi32, #tpu.memory_space<vmem>> -> memref<1x128xi32, #tpu.memory_space<vmem>>
    %dma_start3A_53 = tpu.memref_squeeze %dma_start3A_52 : memref<1x128xi32, #tpu.memory_space<vmem>> -> memref<128xi32, #tpu.memory_space<vmem>>
    %dma_start3A_54 = arith.constant 0 : i32
    %dma_start3A_55 = arith.constant 0 : i32
    %dma_start3A_56 = arith.constant 0 : i32
    %dma_start3A_57 = tpu.memref_slice %arg8[%arg0, %dma_start3A_54, %dma_start3A_55, %dma_start3A_56] : memref<2x2x10240x64xf32, #tpu.memory_space<hbm>> -> memref<1x2x10240x64xf32, #tpu.memory_space<hbm>>
    %dma_start3A_58 = tpu.memref_squeeze %dma_start3A_57 : memref<1x2x10240x64xf32, #tpu.memory_space<hbm>> -> memref<2x10240x64xf32, #tpu.memory_space<hbm>>
    %dma_start3A_59 = arith.constant 0 : i32
    %dma_start3A_60 = arith.constant 0 : i32
    %dma_start3A_61 = tpu.memref_slice %dma_start3A_58[%dma_start3A, %dma_start3A_59, %dma_start3A_60] : memref<2x10240x64xf32, #tpu.memory_space<hbm>> -> memref<1x10240x64xf32, #tpu.memory_space<hbm>>
    %dma_start3A_62 = tpu.memref_squeeze %dma_start3A_61 : memref<1x10240x64xf32, #tpu.memory_space<hbm>> -> memref<10240x64xf32, #tpu.memory_space<hbm>>
    %dma_start3A_63 = arith.constant 0 : i32
    %dma_start3A_64 = arith.constant 0 : i32
    %dma_start3A_65 = tpu.memref_slice %dma_start3A_62[%dma_start3A_63, %dma_start3A_64] : memref<10240x64xf32, #tpu.memory_space<hbm>> -> memref<10240x64xf32, #tpu.memory_space<hbm>>
    tpu.enqueue_indirect_dma source(%dma_start3A_65 : memref<10240x64xf32, #tpu.memory_space<hbm>>) target(%dma_start3A_50 : memref<128x64xf32, #tpu.memory_space<vmem>>) offsets(%dma_start3A_53 : memref<128xi32, #tpu.memory_space<vmem>>) semaphore(%arg20 : memref<!tpu.dma_semaphore, #tpu.memory_space<semaphore_mem>>)
    %scan3A_66 = arith.constant 0 : i32
    %scan3A_67 = arith.constant 0 : i32
    %scan3A_68 = arith.constant 160 : i32
    %scan3A_69 = arith.addi %scan3A_67, %scan3A_68 : i32
    %scan3A_70 = arith.constant 1 : i32
    scf.for %scan3A_194 = %scan3A_67 to %scan3A_69 step %scan3A_70  : i32 {
      %rem3A = arith.constant 2 : i32
      %rem3A_195 = arith.remsi %scan3A_194, %rem3A : i32
      %gt3A = arith.constant 0 : i32
      %gt3A_196 = arith.cmpi sgt, %scan3A_194, %gt3A : i32
      %convert_element_type3A_197 = arith.extui %gt3A_196 : i1 to i32
      %cond3A_198 = arith.constant 0 : i32
      %cond3A_199 = arith.cmpi ne, %convert_element_type3A_197, %cond3A_198 : i32
      scf.if %cond3A_199 {
        %dma_wait3A_393 = arith.constant 0 : i32
        %dma_wait3A_394 = arith.constant 0 : i32
        %dma_wait3A_395 = arith.constant 0 : i32
        %dma_wait3A_396 = arith.constant 0 : i32
        %dma_wait3A_397 = tpu.memref_slice %arg14[%dma_wait3A_394, %dma_wait3A_395, %dma_wait3A_396] : memref<2x128x64xf32, #tpu.memory_space<vmem>> -> memref<1x128x64xf32, #tpu.memory_space<vmem>>
        %dma_wait3A_398 = tpu.memref_squeeze %dma_wait3A_397 : memref<1x128x64xf32, #tpu.memory_space<vmem>> -> memref<128x64xf32, #tpu.memory_space<vmem>>
        %dma_wait3A_399 = arith.constant 0 : i32
        %dma_wait3A_400 = arith.constant 0 : i32
        %dma_wait3A_401 = arith.constant 0 : i32
        %dma_wait3A_402 = tpu.memref_slice %arg8[%arg0, %dma_wait3A_399, %dma_wait3A_400, %dma_wait3A_401] : memref<2x2x10240x64xf32, #tpu.memory_space<hbm>> -> memref<1x2x10240x64xf32, #tpu.memory_space<hbm>>
        %dma_wait3A_403 = tpu.memref_squeeze %dma_wait3A_402 : memref<1x2x10240x64xf32, #tpu.memory_space<hbm>> -> memref<2x10240x64xf32, #tpu.memory_space<hbm>>
        %dma_wait3A_404 = arith.constant 0 : i32
        %dma_wait3A_405 = arith.constant 0 : i32
        %dma_wait3A_406 = tpu.memref_slice %dma_wait3A_403[%dma_wait3A_393, %dma_wait3A_404, %dma_wait3A_405] : memref<2x10240x64xf32, #tpu.memory_space<hbm>> -> memref<1x10240x64xf32, #tpu.memory_space<hbm>>
        %dma_wait3A_407 = tpu.memref_squeeze %dma_wait3A_406 : memref<1x10240x64xf32, #tpu.memory_space<hbm>> -> memref<10240x64xf32, #tpu.memory_space<hbm>>
        %dma_wait3A_408 = arith.constant 0 : i32
        %dma_wait3A_409 = arith.constant 0 : i32
        %dma_wait3A_410 = tpu.memref_slice %dma_wait3A_407[%dma_wait3A_408, %dma_wait3A_409] : memref<10240x64xf32, #tpu.memory_space<hbm>> -> memref<128x64xf32, #tpu.memory_space<hbm>>
        %dma_wait3A_411 = arith.constant 0 : i32
        %dma_wait3A_412 = arith.constant 0 : i32
        %dma_wait3A_413 = tpu.memref_slice %arg14[%dma_wait3A_394, %dma_wait3A_411, %dma_wait3A_412] : memref<2x128x64xf32, #tpu.memory_space<vmem>> -> memref<1x128x64xf32, #tpu.memory_space<vmem>>
        %dma_wait3A_414 = tpu.memref_squeeze %dma_wait3A_413 : memref<1x128x64xf32, #tpu.memory_space<vmem>> -> memref<128x64xf32, #tpu.memory_space<vmem>>
        %dma_wait3A_415 = arith.constant 0 : i32
        %dma_wait3A_416 = arith.constant 0 : i32
        %dma_wait3A_417 = arith.constant 0 : i32
        %dma_wait3A_418 = tpu.memref_slice %arg8[%arg0, %dma_wait3A_415, %dma_wait3A_416, %dma_wait3A_417] : memref<2x2x10240x64xf32, #tpu.memory_space<hbm>> -> memref<1x2x10240x64xf32, #tpu.memory_space<hbm>>
        %dma_wait3A_419 = tpu.memref_squeeze %dma_wait3A_418 : memref<1x2x10240x64xf32, #tpu.memory_space<hbm>> -> memref<2x10240x64xf32, #tpu.memory_space<hbm>>
        %dma_wait3A_420 = arith.constant 0 : i32
        %dma_wait3A_421 = arith.constant 0 : i32
        %dma_wait3A_422 = tpu.memref_slice %dma_wait3A_419[%dma_wait3A_393, %dma_wait3A_420, %dma_wait3A_421] : memref<2x10240x64xf32, #tpu.memory_space<hbm>> -> memref<1x10240x64xf32, #tpu.memory_space<hbm>>
        %dma_wait3A_423 = tpu.memref_squeeze %dma_wait3A_422 : memref<1x10240x64xf32, #tpu.memory_space<hbm>> -> memref<10240x64xf32, #tpu.memory_space<hbm>>
        %dma_wait3A_424 = arith.constant 0 : i32
        %dma_wait3A_425 = arith.constant 0 : i32
        %dma_wait3A_426 = tpu.memref_slice %dma_wait3A_423[%dma_wait3A_424, %dma_wait3A_425] : memref<10240x64xf32, #tpu.memory_space<hbm>> -> memref<128x64xf32, #tpu.memory_space<hbm>>
        tpu.wait_dma2 semaphore(%arg21 : memref<!tpu.dma_semaphore, #tpu.memory_space<semaphore_mem>>) src(%dma_wait3A_426 : memref<128x64xf32, #tpu.memory_space<hbm>>) dst(%dma_wait3A_414 : memref<128x64xf32, #tpu.memory_space<vmem>>)
      } else {
      }
      %lt3A = arith.constant 159 : i32
      %lt3A_200 = arith.cmpi slt, %scan3A_194, %lt3A : i32
      %convert_element_type3A_201 = arith.extui %lt3A_200 : i1 to i32
      %cond3A_202 = arith.constant 0 : i32
      %cond3A_203 = arith.cmpi ne, %convert_element_type3A_201, %cond3A_202 : i32
      scf.if %cond3A_203 {
        %add3A_393 = arith.constant 1 : i32
        %add3A_394 = arith.addi %scan3A_194, %add3A_393 : i32
        %add3A_395 = arith.constant 1 : i32
        %add3A_396 = arith.addi %scan3A_194, %add3A_395 : i32
        %rem3A_397 = arith.constant 2 : i32
        %rem3A_398 = arith.remsi %add3A_396, %rem3A_397 : i32
        %dma_start3A_399 = arith.constant 0 : i32
        %dma_start3A_400 = arith.constant 0 : i32
        %dma_start3A_401 = arith.constant 0 : i32
        %dma_start3A_402 = tpu.memref_slice %arg14[%rem3A_398, %dma_start3A_400, %dma_start3A_401] : memref<2x128x64xf32, #tpu.memory_space<vmem>> -> memref<1x128x64xf32, #tpu.memory_space<vmem>>
        %dma_start3A_403 = tpu.memref_squeeze %dma_start3A_402 : memref<1x128x64xf32, #tpu.memory_space<vmem>> -> memref<128x64xf32, #tpu.memory_space<vmem>>
        %dma_start3A_404 = arith.constant 0 : i32
        %dma_start3A_405 = tpu.memref_slice %arg10[%add3A_394, %dma_start3A_404] : memref<160x128xi32, #tpu.memory_space<vmem>> -> memref<1x128xi32, #tpu.memory_space<vmem>>
        %dma_start3A_406 = tpu.memref_squeeze %dma_start3A_405 : memref<1x128xi32, #tpu.memory_space<vmem>> -> memref<128xi32, #tpu.memory_space<vmem>>
        %dma_start3A_407 = arith.constant 0 : i32
        %dma_start3A_408 = arith.constant 0 : i32
        %dma_start3A_409 = arith.constant 0 : i32
        %dma_start3A_410 = tpu.memref_slice %arg8[%arg0, %dma_start3A_407, %dma_start3A_408, %dma_start3A_409] : memref<2x2x10240x64xf32, #tpu.memory_space<hbm>> -> memref<1x2x10240x64xf32, #tpu.memory_space<hbm>>
        %dma_start3A_411 = tpu.memref_squeeze %dma_start3A_410 : memref<1x2x10240x64xf32, #tpu.memory_space<hbm>> -> memref<2x10240x64xf32, #tpu.memory_space<hbm>>
        %dma_start3A_412 = arith.constant 0 : i32
        %dma_start3A_413 = arith.constant 0 : i32
        %dma_start3A_414 = tpu.memref_slice %dma_start3A_411[%dma_start3A_399, %dma_start3A_412, %dma_start3A_413] : memref<2x10240x64xf32, #tpu.memory_space<hbm>> -> memref<1x10240x64xf32, #tpu.memory_space<hbm>>
        %dma_start3A_415 = tpu.memref_squeeze %dma_start3A_414 : memref<1x10240x64xf32, #tpu.memory_space<hbm>> -> memref<10240x64xf32, #tpu.memory_space<hbm>>
        %dma_start3A_416 = arith.constant 0 : i32
        %dma_start3A_417 = arith.constant 0 : i32
        %dma_start3A_418 = tpu.memref_slice %dma_start3A_415[%dma_start3A_416, %dma_start3A_417] : memref<10240x64xf32, #tpu.memory_space<hbm>> -> memref<10240x64xf32, #tpu.memory_space<hbm>>
        tpu.enqueue_indirect_dma source(%dma_start3A_418 : memref<10240x64xf32, #tpu.memory_space<hbm>>) target(%dma_start3A_403 : memref<128x64xf32, #tpu.memory_space<vmem>>) offsets(%dma_start3A_406 : memref<128xi32, #tpu.memory_space<vmem>>) semaphore(%arg20 : memref<!tpu.dma_semaphore, #tpu.memory_space<semaphore_mem>>)
      } else {
      }
      %dma_wait3A_204 = arith.constant 0 : i32
      %dma_wait3A_205 = arith.constant 0 : i32
      %dma_wait3A_206 = arith.constant 0 : i32
      %dma_wait3A_207 = arith.constant 0 : i32
      %dma_wait3A_208 = tpu.memref_slice %arg14[%dma_wait3A_205, %dma_wait3A_206, %dma_wait3A_207] : memref<2x128x64xf32, #tpu.memory_space<vmem>> -> memref<1x128x64xf32, #tpu.memory_space<vmem>>
      %dma_wait3A_209 = tpu.memref_squeeze %dma_wait3A_208 : memref<1x128x64xf32, #tpu.memory_space<vmem>> -> memref<128x64xf32, #tpu.memory_space<vmem>>
      %dma_wait3A_210 = arith.constant 0 : i32
      %dma_wait3A_211 = arith.constant 0 : i32
      %dma_wait3A_212 = arith.constant 0 : i32
      %dma_wait3A_213 = tpu.memref_slice %arg8[%arg0, %dma_wait3A_210, %dma_wait3A_211, %dma_wait3A_212] : memref<2x2x10240x64xf32, #tpu.memory_space<hbm>> -> memref<1x2x10240x64xf32, #tpu.memory_space<hbm>>
      %dma_wait3A_214 = tpu.memref_squeeze %dma_wait3A_213 : memref<1x2x10240x64xf32, #tpu.memory_space<hbm>> -> memref<2x10240x64xf32, #tpu.memory_space<hbm>>
      %dma_wait3A_215 = arith.constant 0 : i32
      %dma_wait3A_216 = arith.constant 0 : i32
      %dma_wait3A_217 = tpu.memref_slice %dma_wait3A_214[%dma_wait3A_204, %dma_wait3A_215, %dma_wait3A_216] : memref<2x10240x64xf32, #tpu.memory_space<hbm>> -> memref<1x10240x64xf32, #tpu.memory_space<hbm>>
      %dma_wait3A_218 = tpu.memref_squeeze %dma_wait3A_217 : memref<1x10240x64xf32, #tpu.memory_space<hbm>> -> memref<10240x64xf32, #tpu.memory_space<hbm>>
      %dma_wait3A_219 = arith.constant 0 : i32
      %dma_wait3A_220 = arith.constant 0 : i32
      %dma_wait3A_221 = tpu.memref_slice %dma_wait3A_218[%dma_wait3A_219, %dma_wait3A_220] : memref<10240x64xf32, #tpu.memory_space<hbm>> -> memref<128x64xf32, #tpu.memory_space<hbm>>
      %dma_wait3A_222 = arith.constant 0 : i32
      %dma_wait3A_223 = arith.constant 0 : i32
      %dma_wait3A_224 = tpu.memref_slice %arg14[%dma_wait3A_205, %dma_wait3A_222, %dma_wait3A_223] : memref<2x128x64xf32, #tpu.memory_space<vmem>> -> memref<1x128x64xf32, #tpu.memory_space<vmem>>
      %dma_wait3A_225 = tpu.memref_squeeze %dma_wait3A_224 : memref<1x128x64xf32, #tpu.memory_space<vmem>> -> memref<128x64xf32, #tpu.memory_space<vmem>>
      %dma_wait3A_226 = arith.constant 0 : i32
      %dma_wait3A_227 = arith.constant 0 : i32
      %dma_wait3A_228 = arith.constant 0 : i32
      %dma_wait3A_229 = tpu.memref_slice %arg8[%arg0, %dma_wait3A_226, %dma_wait3A_227, %dma_wait3A_228] : memref<2x2x10240x64xf32, #tpu.memory_space<hbm>> -> memref<1x2x10240x64xf32, #tpu.memory_space<hbm>>
      %dma_wait3A_230 = tpu.memref_squeeze %dma_wait3A_229 : memref<1x2x10240x64xf32, #tpu.memory_space<hbm>> -> memref<2x10240x64xf32, #tpu.memory_space<hbm>>
      %dma_wait3A_231 = arith.constant 0 : i32
      %dma_wait3A_232 = arith.constant 0 : i32
      %dma_wait3A_233 = tpu.memref_slice %dma_wait3A_230[%dma_wait3A_204, %dma_wait3A_231, %dma_wait3A_232] : memref<2x10240x64xf32, #tpu.memory_space<hbm>> -> memref<1x10240x64xf32, #tpu.memory_space<hbm>>
      %dma_wait3A_234 = tpu.memref_squeeze %dma_wait3A_233 : memref<1x10240x64xf32, #tpu.memory_space<hbm>> -> memref<10240x64xf32, #tpu.memory_space<hbm>>
      %dma_wait3A_235 = arith.constant 0 : i32
      %dma_wait3A_236 = arith.constant 0 : i32
      %dma_wait3A_237 = tpu.memref_slice %dma_wait3A_234[%dma_wait3A_235, %dma_wait3A_236] : memref<10240x64xf32, #tpu.memory_space<hbm>> -> memref<128x64xf32, #tpu.memory_space<hbm>>
      tpu.wait_dma2 semaphore(%arg20 : memref<!tpu.dma_semaphore, #tpu.memory_space<semaphore_mem>>) src(%dma_wait3A_237 : memref<128x64xf32, #tpu.memory_space<hbm>>) dst(%dma_wait3A_225 : memref<128x64xf32, #tpu.memory_space<vmem>>)
      %get3A = arith.index_cast %scan3A_194 : i32 to index
      %get3A_238 = arith.constant 0 : index
      %get3A_239 = tpu.vector_load %arg11[%get3A, %get3A_238] {strides = array<i32>} : memref<160x128xi32, #tpu.memory_space<vmem>>, vector<16xi32>,
      %ge3A = vector.broadcast %mul3A_44 : i32 to vector<16xi32>
      %ge3A_240 = arith.cmpi sge, %get3A_239, %ge3A : vector<16xi32>
      %add3A = arith.constant 5120 : i32
      %add3A_241 = arith.addi %mul3A_44, %add3A : i32
      %lt3A_242 = vector.broadcast %add3A_241 : i32 to vector<16xi32>
      %lt3A_243 = arith.cmpi slt, %get3A_239, %lt3A_242 : vector<16xi32>
      %and3A = arith.andi %ge3A_240, %lt3A_243 : vector<16xi1>
      %sub3A = vector.broadcast %mul3A_44 : i32 to vector<16xi32>
      %sub3A_244 = arith.subi %get3A_239, %sub3A : vector<16xi32>
      %jit3A = arith.constant 5120 : i32
      %broadcast_in_dim3A_245 = vector.broadcast %jit3A : i32 to vector<16xi32>
      %select_n3A = arith.select %and3A, %sub3A_244, %broadcast_in_dim3A_245 : vector<16xi1>, vector<16xi32>
      %swap3A = arith.constant 0 : i32
      %swap3A_246 = arith.index_cast %swap3A : i32 to index
      %swap3A_247 = arith.constant 0 : index
      %swap3A_248 = tpu.vector_load %arg12[%swap3A_246, %swap3A_247] {strides = array<i32>} : memref<1x128xi32, #tpu.memory_space<vmem>>, vector<16xi32>,
      tpu.vector_store %arg12[%swap3A_246, %swap3A_247], %select_n3A {strides = array<i32>} : memref<1x128xi32, #tpu.memory_space<vmem>>, vector<16xi32>,
      %get3A_249 = arith.index_cast %scan3A_194 : i32 to index
      %get3A_250 = arith.constant 16 : index
      %get3A_251 = tpu.vector_load %arg11[%get3A_249, %get3A_250] {strides = array<i32>} : memref<160x128xi32, #tpu.memory_space<vmem>>, vector<16xi32>,
      %ge3A_252 = vector.broadcast %mul3A_44 : i32 to vector<16xi32>
      %ge3A_253 = arith.cmpi sge, %get3A_251, %ge3A_252 : vector<16xi32>
      %add3A_254 = arith.constant 5120 : i32
      %add3A_255 = arith.addi %mul3A_44, %add3A_254 : i32
      %lt3A_256 = vector.broadcast %add3A_255 : i32 to vector<16xi32>
      %lt3A_257 = arith.cmpi slt, %get3A_251, %lt3A_256 : vector<16xi32>
      %and3A_258 = arith.andi %ge3A_253, %lt3A_257 : vector<16xi1>
      %sub3A_259 = vector.broadcast %mul3A_44 : i32 to vector<16xi32>
      %sub3A_260 = arith.subi %get3A_251, %sub3A_259 : vector<16xi32>
      %jit3A_261 = arith.constant 5120 : i32
      %broadcast_in_dim3A_262 = vector.broadcast %jit3A_261 : i32 to vector<16xi32>
      %select_n3A_263 = arith.select %and3A_258, %sub3A_260, %broadcast_in_dim3A_262 : vector<16xi1>, vector<16xi32>
      %swap3A_264 = arith.constant 0 : i32
      %swap3A_265 = arith.index_cast %swap3A_264 : i32 to index
      %swap3A_266 = arith.constant 16 : index
      %swap3A_267 = tpu.vector_load %arg12[%swap3A_265, %swap3A_266] {strides = array<i32>} : memref<1x128xi32, #tpu.memory_space<vmem>>, vector<16xi32>,
      tpu.vector_store %arg12[%swap3A_265, %swap3A_266], %select_n3A_263 {strides = array<i32>} : memref<1x128xi32, #tpu.memory_space<vmem>>, vector<16xi32>,
      %get3A_268 = arith.index_cast %scan3A_194 : i32 to index
      %get3A_269 = arith.constant 32 : index
      %get3A_270 = tpu.vector_load %arg11[%get3A_268, %get3A_269] {strides = array<i32>} : memref<160x128xi32, #tpu.memory_space<vmem>>, vector<16xi32>,
      %ge3A_271 = vector.broadcast %mul3A_44 : i32 to vector<16xi32>
      %ge3A_272 = arith.cmpi sge, %get3A_270, %ge3A_271 : vector<16xi32>
      %add3A_273 = arith.constant 5120 : i32
      %add3A_274 = arith.addi %mul3A_44, %add3A_273 : i32
      %lt3A_275 = vector.broadcast %add3A_274 : i32 to vector<16xi32>
      %lt3A_276 = arith.cmpi slt, %get3A_270, %lt3A_275 : vector<16xi32>
      %and3A_277 = arith.andi %ge3A_272, %lt3A_276 : vector<16xi1>
      %sub3A_278 = vector.broadcast %mul3A_44 : i32 to vector<16xi32>
      %sub3A_279 = arith.subi %get3A_270, %sub3A_278 : vector<16xi32>
      %jit3A_280 = arith.constant 5120 : i32
      %broadcast_in_dim3A_281 = vector.broadcast %jit3A_280 : i32 to vector<16xi32>
      %select_n3A_282 = arith.select %and3A_277, %sub3A_279, %broadcast_in_dim3A_281 : vector<16xi1>, vector<16xi32>
      %swap3A_283 = arith.constant 0 : i32
      %swap3A_284 = arith.index_cast %swap3A_283 : i32 to index
      %swap3A_285 = arith.constant 32 : index
      %swap3A_286 = tpu.vector_load %arg12[%swap3A_284, %swap3A_285] {strides = array<i32>} : memref<1x128xi32, #tpu.memory_space<vmem>>, vector<16xi32>,
      tpu.vector_store %arg12[%swap3A_284, %swap3A_285], %select_n3A_282 {strides = array<i32>} : memref<1x128xi32, #tpu.memory_space<vmem>>, vector<16xi32>,
      %get3A_287 = arith.index_cast %scan3A_194 : i32 to index
      %get3A_288 = arith.constant 48 : index
      %get3A_289 = tpu.vector_load %arg11[%get3A_287, %get3A_288] {strides = array<i32>} : memref<160x128xi32, #tpu.memory_space<vmem>>, vector<16xi32>,
      %ge3A_290 = vector.broadcast %mul3A_44 : i32 to vector<16xi32>
      %ge3A_291 = arith.cmpi sge, %get3A_289, %ge3A_290 : vector<16xi32>
      %add3A_292 = arith.constant 5120 : i32
      %add3A_293 = arith.addi %mul3A_44, %add3A_292 : i32
      %lt3A_294 = vector.broadcast %add3A_293 : i32 to vector<16xi32>
      %lt3A_295 = arith.cmpi slt, %get3A_289, %lt3A_294 : vector<16xi32>
      %and3A_296 = arith.andi %ge3A_291, %lt3A_295 : vector<16xi1>
      %sub3A_297 = vector.broadcast %mul3A_44 : i32 to vector<16xi32>
      %sub3A_298 = arith.subi %get3A_289, %sub3A_297 : vector<16xi32>
      %jit3A_299 = arith.constant 5120 : i32
      %broadcast_in_dim3A_300 = vector.broadcast %jit3A_299 : i32 to vector<16xi32>
      %select_n3A_301 = arith.select %and3A_296, %sub3A_298, %broadcast_in_dim3A_300 : vector<16xi1>, vector<16xi32>
      %swap3A_302 = arith.constant 0 : i32
      %swap3A_303 = arith.index_cast %swap3A_302 : i32 to index
      %swap3A_304 = arith.constant 48 : index
      %swap3A_305 = tpu.vector_load %arg12[%swap3A_303, %swap3A_304] {strides = array<i32>} : memref<1x128xi32, #tpu.memory_space<vmem>>, vector<16xi32>,
      tpu.vector_store %arg12[%swap3A_303, %swap3A_304], %select_n3A_301 {strides = array<i32>} : memref<1x128xi32, #tpu.memory_space<vmem>>, vector<16xi32>,
      %get3A_306 = arith.index_cast %scan3A_194 : i32 to index
      %get3A_307 = arith.constant 64 : index
      %get3A_308 = tpu.vector_load %arg11[%get3A_306, %get3A_307] {strides = array<i32>} : memref<160x128xi32, #tpu.memory_space<vmem>>, vector<16xi32>,
      %ge3A_309 = vector.broadcast %mul3A_44 : i32 to vector<16xi32>
      %ge3A_310 = arith.cmpi sge, %get3A_308, %ge3A_309 : vector<16xi32>
      %add3A_311 = arith.constant 5120 : i32
      %add3A_312 = arith.addi %mul3A_44, %add3A_311 : i32
      %lt3A_313 = vector.broadcast %add3A_312 : i32 to vector<16xi32>
      %lt3A_314 = arith.cmpi slt, %get3A_308, %lt3A_313 : vector<16xi32>
      %and3A_315 = arith.andi %ge3A_310, %lt3A_314 : vector<16xi1>
      %sub3A_316 = vector.broadcast %mul3A_44 : i32 to vector<16xi32>
      %sub3A_317 = arith.subi %get3A_308, %sub3A_316 : vector<16xi32>
      %jit3A_318 = arith.constant 5120 : i32
      %broadcast_in_dim3A_319 = vector.broadcast %jit3A_318 : i32 to vector<16xi32>
      %select_n3A_320 = arith.select %and3A_315, %sub3A_317, %broadcast_in_dim3A_319 : vector<16xi1>, vector<16xi32>
      %swap3A_321 = arith.constant 0 : i32
      %swap3A_322 = arith.index_cast %swap3A_321 : i32 to index
      %swap3A_323 = arith.constant 64 : index
      %swap3A_324 = tpu.vector_load %arg12[%swap3A_322, %swap3A_323] {strides = array<i32>} : memref<1x128xi32, #tpu.memory_space<vmem>>, vector<16xi32>,
      tpu.vector_store %arg12[%swap3A_322, %swap3A_323], %select_n3A_320 {strides = array<i32>} : memref<1x128xi32, #tpu.memory_space<vmem>>, vector<16xi32>,
      %get3A_325 = arith.index_cast %scan3A_194 : i32 to index
      %get3A_326 = arith.constant 80 : index
      %get3A_327 = tpu.vector_load %arg11[%get3A_325, %get3A_326] {strides = array<i32>} : memref<160x128xi32, #tpu.memory_space<vmem>>, vector<16xi32>,
      %ge3A_328 = vector.broadcast %mul3A_44 : i32 to vector<16xi32>
      %ge3A_329 = arith.cmpi sge, %get3A_327, %ge3A_328 : vector<16xi32>
      %add3A_330 = arith.constant 5120 : i32
      %add3A_331 = arith.addi %mul3A_44, %add3A_330 : i32
      %lt3A_332 = vector.broadcast %add3A_331 : i32 to vector<16xi32>
      %lt3A_333 = arith.cmpi slt, %get3A_327, %lt3A_332 : vector<16xi32>
      %and3A_334 = arith.andi %ge3A_329, %lt3A_333 : vector<16xi1>
      %sub3A_335 = vector.broadcast %mul3A_44 : i32 to vector<16xi32>
      %sub3A_336 = arith.subi %get3A_327, %sub3A_335 : vector<16xi32>
      %jit3A_337 = arith.constant 5120 : i32
      %broadcast_in_dim3A_338 = vector.broadcast %jit3A_337 : i32 to vector<16xi32>
      %select_n3A_339 = arith.select %and3A_334, %sub3A_336, %broadcast_in_dim3A_338 : vector<16xi1>, vector<16xi32>
      %swap3A_340 = arith.constant 0 : i32
      %swap3A_341 = arith.index_cast %swap3A_340 : i32 to index
      %swap3A_342 = arith.constant 80 : index
      %swap3A_343 = tpu.vector_load %arg12[%swap3A_341, %swap3A_342] {strides = array<i32>} : memref<1x128xi32, #tpu.memory_space<vmem>>, vector<16xi32>,
      tpu.vector_store %arg12[%swap3A_341, %swap3A_342], %select_n3A_339 {strides = array<i32>} : memref<1x128xi32, #tpu.memory_space<vmem>>, vector<16xi32>,
      %get3A_344 = arith.index_cast %scan3A_194 : i32 to index
      %get3A_345 = arith.constant 96 : index
      %get3A_346 = tpu.vector_load %arg11[%get3A_344, %get3A_345] {strides = array<i32>} : memref<160x128xi32, #tpu.memory_space<vmem>>, vector<16xi32>,
      %ge3A_347 = vector.broadcast %mul3A_44 : i32 to vector<16xi32>
      %ge3A_348 = arith.cmpi sge, %get3A_346, %ge3A_347 : vector<16xi32>
      %add3A_349 = arith.constant 5120 : i32
      %add3A_350 = arith.addi %mul3A_44, %add3A_349 : i32
      %lt3A_351 = vector.broadcast %add3A_350 : i32 to vector<16xi32>
      %lt3A_352 = arith.cmpi slt, %get3A_346, %lt3A_351 : vector<16xi32>
      %and3A_353 = arith.andi %ge3A_348, %lt3A_352 : vector<16xi1>
      %sub3A_354 = vector.broadcast %mul3A_44 : i32 to vector<16xi32>
      %sub3A_355 = arith.subi %get3A_346, %sub3A_354 : vector<16xi32>
      %jit3A_356 = arith.constant 5120 : i32
      %broadcast_in_dim3A_357 = vector.broadcast %jit3A_356 : i32 to vector<16xi32>
      %select_n3A_358 = arith.select %and3A_353, %sub3A_355, %broadcast_in_dim3A_357 : vector<16xi1>, vector<16xi32>
      %swap3A_359 = arith.constant 0 : i32
      %swap3A_360 = arith.index_cast %swap3A_359 : i32 to index
      %swap3A_361 = arith.constant 96 : index
      %swap3A_362 = tpu.vector_load %arg12[%swap3A_360, %swap3A_361] {strides = array<i32>} : memref<1x128xi32, #tpu.memory_space<vmem>>, vector<16xi32>,
      tpu.vector_store %arg12[%swap3A_360, %swap3A_361], %select_n3A_358 {strides = array<i32>} : memref<1x128xi32, #tpu.memory_space<vmem>>, vector<16xi32>,
      %get3A_363 = arith.index_cast %scan3A_194 : i32 to index
      %get3A_364 = arith.constant 112 : index
      %get3A_365 = tpu.vector_load %arg11[%get3A_363, %get3A_364] {strides = array<i32>} : memref<160x128xi32, #tpu.memory_space<vmem>>, vector<16xi32>,
      %ge3A_366 = vector.broadcast %mul3A_44 : i32 to vector<16xi32>
      %ge3A_367 = arith.cmpi sge, %get3A_365, %ge3A_366 : vector<16xi32>
      %add3A_368 = arith.constant 5120 : i32
      %add3A_369 = arith.addi %mul3A_44, %add3A_368 : i32
      %lt3A_370 = vector.broadcast %add3A_369 : i32 to vector<16xi32>
      %lt3A_371 = arith.cmpi slt, %get3A_365, %lt3A_370 : vector<16xi32>
      %and3A_372 = arith.andi %ge3A_367, %lt3A_371 : vector<16xi1>
      %sub3A_373 = vector.broadcast %mul3A_44 : i32 to vector<16xi32>
      %sub3A_374 = arith.subi %get3A_365, %sub3A_373 : vector<16xi32>
      %jit3A_375 = arith.constant 5120 : i32
      %broadcast_in_dim3A_376 = vector.broadcast %jit3A_375 : i32 to vector<16xi32>
      %select_n3A_377 = arith.select %and3A_372, %sub3A_374, %broadcast_in_dim3A_376 : vector<16xi1>, vector<16xi32>
      %swap3A_378 = arith.constant 0 : i32
      %swap3A_379 = arith.index_cast %swap3A_378 : i32 to index
      %swap3A_380 = arith.constant 112 : index
      %swap3A_381 = tpu.vector_load %arg12[%swap3A_379, %swap3A_380] {strides = array<i32>} : memref<1x128xi32, #tpu.memory_space<vmem>>, vector<16xi32>,
      tpu.vector_store %arg12[%swap3A_379, %swap3A_380], %select_n3A_377 {strides = array<i32>} : memref<1x128xi32, #tpu.memory_space<vmem>>, vector<16xi32>,
      %dma_start3A_382 = arith.constant 0 : i32
      %dma_start3A_383 = arith.constant 0 : i32
      %dma_start3A_384 = arith.constant 0 : i32
      %dma_start3A_385 = tpu.memref_slice %arg14[%rem3A_195, %dma_start3A_383, %dma_start3A_384] : memref<2x128x64xf32, #tpu.memory_space<vmem>> -> memref<1x128x64xf32, #tpu.memory_space<vmem>>
      %dma_start3A_386 = tpu.memref_squeeze %dma_start3A_385 : memref<1x128x64xf32, #tpu.memory_space<vmem>> -> memref<128x64xf32, #tpu.memory_space<vmem>>
      %dma_start3A_387 = arith.constant 0 : i32
      %dma_start3A_388 = tpu.memref_slice %arg12[%dma_start3A_382, %dma_start3A_387] : memref<1x128xi32, #tpu.memory_space<vmem>> -> memref<1x128xi32, #tpu.memory_space<vmem>>
      %dma_start3A_389 = tpu.memref_squeeze %dma_start3A_388 : memref<1x128xi32, #tpu.memory_space<vmem>> -> memref<128xi32, #tpu.memory_space<vmem>>
      %dma_start3A_390 = arith.constant 0 : i32
      %dma_start3A_391 = arith.constant 0 : i32
      %dma_start3A_392 = tpu.memref_slice %arg23[%dma_start3A_390, %dma_start3A_391] : memref<5121x64xf32, #tpu.memory_space<vmem_shared>> -> memref<5121x64xf32, #tpu.memory_space<vmem_shared>>
      tpu.enqueue_indirect_dma source(%dma_start3A_386 : memref<128x64xf32, #tpu.memory_space<vmem>>) target(%dma_start3A_392 : memref<5121x64xf32, #tpu.memory_space<vmem_shared>>) offsets(%dma_start3A_389 : memref<128xi32, #tpu.memory_space<vmem>>) semaphore(%arg21 : memref<!tpu.dma_semaphore, #tpu.memory_space<semaphore_mem>>) {add = true}
    }
    %scan3A_71 = arith.constant 160 : i32
    %dma_wait3A = arith.constant 0 : i32
    %dma_wait3A_72 = arith.constant 0 : i32
    %dma_wait3A_73 = arith.constant 0 : i32
    %dma_wait3A_74 = arith.constant 0 : i32
    %dma_wait3A_75 = tpu.memref_slice %arg14[%dma_wait3A_72, %dma_wait3A_73, %dma_wait3A_74] : memref<2x128x64xf32, #tpu.memory_space<vmem>> -> memref<1x128x64xf32, #tpu.memory_space<vmem>>
    %dma_wait3A_76 = tpu.memref_squeeze %dma_wait3A_75 : memref<1x128x64xf32, #tpu.memory_space<vmem>> -> memref<128x64xf32, #tpu.memory_space<vmem>>
    %dma_wait3A_77 = arith.constant 0 : i32
    %dma_wait3A_78 = arith.constant 0 : i32
    %dma_wait3A_79 = arith.constant 0 : i32
    %dma_wait3A_80 = tpu.memref_slice %arg8[%arg0, %dma_wait3A_77, %dma_wait3A_78, %dma_wait3A_79] : memref<2x2x10240x64xf32, #tpu.memory_space<hbm>> -> memref<1x2x10240x64xf32, #tpu.memory_space<hbm>>
    %dma_wait3A_81 = tpu.memref_squeeze %dma_wait3A_80 : memref<1x2x10240x64xf32, #tpu.memory_space<hbm>> -> memref<2x10240x64xf32, #tpu.memory_space<hbm>>
    %dma_wait3A_82 = arith.constant 0 : i32
    %dma_wait3A_83 = arith.constant 0 : i32
    %dma_wait3A_84 = tpu.memref_slice %dma_wait3A_81[%dma_wait3A, %dma_wait3A_82, %dma_wait3A_83] : memref<2x10240x64xf32, #tpu.memory_space<hbm>> -> memref<1x10240x64xf32, #tpu.memory_space<hbm>>
    %dma_wait3A_85 = tpu.memref_squeeze %dma_wait3A_84 : memref<1x10240x64xf32, #tpu.memory_space<hbm>> -> memref<10240x64xf32, #tpu.memory_space<hbm>>
    %dma_wait3A_86 = arith.constant 0 : i32
    %dma_wait3A_87 = arith.constant 0 : i32
    %dma_wait3A_88 = tpu.memref_slice %dma_wait3A_85[%dma_wait3A_86, %dma_wait3A_87] : memref<10240x64xf32, #tpu.memory_space<hbm>> -> memref<128x64xf32, #tpu.memory_space<hbm>>
    %dma_wait3A_89 = arith.constant 0 : i32
    %dma_wait3A_90 = arith.constant 0 : i32
    %dma_wait3A_91 = tpu.memref_slice %arg14[%dma_wait3A_72, %dma_wait3A_89, %dma_wait3A_90] : memref<2x128x64xf32, #tpu.memory_space<vmem>> -> memref<1x128x64xf32, #tpu.memory_space<vmem>>
    %dma_wait3A_92 = tpu.memref_squeeze %dma_wait3A_91 : memref<1x128x64xf32, #tpu.memory_space<vmem>> -> memref<128x64xf32, #tpu.memory_space<vmem>>
    %dma_wait3A_93 = arith.constant 0 : i32
    %dma_wait3A_94 = arith.constant 0 : i32
    %dma_wait3A_95 = arith.constant 0 : i32
    %dma_wait3A_96 = tpu.memref_slice %arg8[%arg0, %dma_wait3A_93, %dma_wait3A_94, %dma_wait3A_95] : memref<2x2x10240x64xf32, #tpu.memory_space<hbm>> -> memref<1x2x10240x64xf32, #tpu.memory_space<hbm>>
    %dma_wait3A_97 = tpu.memref_squeeze %dma_wait3A_96 : memref<1x2x10240x64xf32, #tpu.memory_space<hbm>> -> memref<2x10240x64xf32, #tpu.memory_space<hbm>>
    %dma_wait3A_98 = arith.constant 0 : i32
    %dma_wait3A_99 = arith.constant 0 : i32
    %dma_wait3A_100 = tpu.memref_slice %dma_wait3A_97[%dma_wait3A, %dma_wait3A_98, %dma_wait3A_99] : memref<2x10240x64xf32, #tpu.memory_space<hbm>> -> memref<1x10240x64xf32, #tpu.memory_space<hbm>>
    %dma_wait3A_101 = tpu.memref_squeeze %dma_wait3A_100 : memref<1x10240x64xf32, #tpu.memory_space<hbm>> -> memref<10240x64xf32, #tpu.memory_space<hbm>>
    %dma_wait3A_102 = arith.constant 0 : i32
    %dma_wait3A_103 = arith.constant 0 : i32
    %dma_wait3A_104 = tpu.memref_slice %dma_wait3A_101[%dma_wait3A_102, %dma_wait3A_103] : memref<10240x64xf32, #tpu.memory_space<hbm>> -> memref<128x64xf32, #tpu.memory_space<hbm>>
    tpu.wait_dma2 semaphore(%arg21 : memref<!tpu.dma_semaphore, #tpu.memory_space<semaphore_mem>>) src(%dma_wait3A_104 : memref<128x64xf32, #tpu.memory_space<hbm>>) dst(%dma_wait3A_92 : memref<128x64xf32, #tpu.memory_space<vmem>>)
    %barrier3A_105 = arith.constant 0 : index
    tpu.barrier barrier_id(%barrier3A_105)
    %scan3A_106 = arith.constant 0 : i32
    %scan3A_107 = arith.constant 0 : i32
    %scan3A_108 = arith.constant 10 : i32
    %scan3A_109 = arith.addi %scan3A_107, %scan3A_108 : i32
    %scan3A_110 = arith.constant 1 : i32
    scf.for %scan3A_194 = %scan3A_107 to %scan3A_109 step %scan3A_110  : i32 {
      %mul3A_195 = arith.constant 32 : i32
      %mul3A_196 = arith.muli %scan3A_194, %mul3A_195 : i32
      %add3A = arith.addi %mul3A_2, %mul3A_196 : i32
      %mul3A_197 = arith.constant 32 : i32
      %mul3A_198 = arith.muli %scan3A_194, %mul3A_197 : i32
      %add3A_199 = arith.addi %mul3A_2, %mul3A_198 : i32
      %run_scoped3A = arith.constant 0 : i32
      "tpu.region"() ({
        %run_scoped3A_200 = tpu.sem_alloc : memref<!tpu.dma_semaphore, #tpu.memory_space<semaphore_mem>>
        %dma_start3A_201 = arith.constant 0 : i32
        %dma_start3A_202 = arith.constant 0 : i32
        %dma_start3A_203 = arith.constant 0 : i32
        %dma_start3A_204 = tpu.memref_slice %arg7[%arg0, %dma_start3A_201, %dma_start3A_202, %dma_start3A_203] : memref<2x2x5120x64xf32, #tpu.memory_space<hbm>> -> memref<1x2x5120x64xf32, #tpu.memory_space<hbm>>
        %dma_start3A_205 = tpu.memref_squeeze %dma_start3A_204 : memref<1x2x5120x64xf32, #tpu.memory_space<hbm>> -> memref<2x5120x64xf32, #tpu.memory_space<hbm>>
        %dma_start3A_206 = arith.constant 0 : i32
        %dma_start3A_207 = arith.constant 0 : i32
        %dma_start3A_208 = tpu.memref_slice %dma_start3A_205[%run_scoped3A, %dma_start3A_206, %dma_start3A_207] : memref<2x5120x64xf32, #tpu.memory_space<hbm>> -> memref<1x5120x64xf32, #tpu.memory_space<hbm>>
        %dma_start3A_209 = tpu.memref_squeeze %dma_start3A_208 : memref<1x5120x64xf32, #tpu.memory_space<hbm>> -> memref<5120x64xf32, #tpu.memory_space<hbm>>
        %dma_start3A_210 = arith.constant 0 : i32
        %dma_start3A_211 = tpu.memref_slice %dma_start3A_209[%add3A_199, %dma_start3A_210] : memref<5120x64xf32, #tpu.memory_space<hbm>> -> memref<32x64xf32, #tpu.memory_space<hbm>>
        %dma_start3A_212 = arith.constant 0 : i32
        %dma_start3A_213 = tpu.memref_slice %arg23[%add3A, %dma_start3A_212] : memref<5121x64xf32, #tpu.memory_space<vmem_shared>> -> memref<32x64xf32, #tpu.memory_space<vmem_shared>>
        tpu.enqueue_dma source(%dma_start3A_213 : memref<32x64xf32, #tpu.memory_space<vmem_shared>>) target(%dma_start3A_211 : memref<32x64xf32, #tpu.memory_space<hbm>>) target_semaphore(%run_scoped3A_200 : memref<!tpu.dma_semaphore, #tpu.memory_space<semaphore_mem>>)
        %dma_wait3A_214 = arith.constant 0 : i32
        %dma_wait3A_215 = arith.constant 0 : i32
        %dma_wait3A_216 = arith.constant 0 : i32
        %dma_wait3A_217 = tpu.memref_slice %arg7[%arg0, %dma_wait3A_214, %dma_wait3A_215, %dma_wait3A_216] : memref<2x2x5120x64xf32, #tpu.memory_space<hbm>> -> memref<1x2x5120x64xf32, #tpu.memory_space<hbm>>
        %dma_wait3A_218 = tpu.memref_squeeze %dma_wait3A_217 : memref<1x2x5120x64xf32, #tpu.memory_space<hbm>> -> memref<2x5120x64xf32, #tpu.memory_space<hbm>>
        %dma_wait3A_219 = arith.constant 0 : i32
        %dma_wait3A_220 = arith.constant 0 : i32
        %dma_wait3A_221 = tpu.memref_slice %dma_wait3A_218[%run_scoped3A, %dma_wait3A_219, %dma_wait3A_220] : memref<2x5120x64xf32, #tpu.memory_space<hbm>> -> memref<1x5120x64xf32, #tpu.memory_space<hbm>>
        %dma_wait3A_222 = tpu.memref_squeeze %dma_wait3A_221 : memref<1x5120x64xf32, #tpu.memory_space<hbm>> -> memref<5120x64xf32, #tpu.memory_space<hbm>>
        %dma_wait3A_223 = arith.constant 0 : i32
        %dma_wait3A_224 = tpu.memref_slice %dma_wait3A_222[%add3A_199, %dma_wait3A_223] : memref<5120x64xf32, #tpu.memory_space<hbm>> -> memref<32x64xf32, #tpu.memory_space<hbm>>
        %dma_wait3A_225 = arith.constant 0 : i32
        %dma_wait3A_226 = tpu.memref_slice %arg23[%add3A, %dma_wait3A_225] : memref<5121x64xf32, #tpu.memory_space<vmem_shared>> -> memref<32x64xf32, #tpu.memory_space<vmem_shared>>
        tpu.wait_dma2 semaphore(%run_scoped3A_200 : memref<!tpu.dma_semaphore, #tpu.memory_space<semaphore_mem>>) src(%dma_wait3A_226 : memref<32x64xf32, #tpu.memory_space<vmem_shared>>) dst(%dma_wait3A_224 : memref<32x64xf32, #tpu.memory_space<hbm>>)
        tpu.yield
      }) : () -> ()
    }
    %scan3A_111 = arith.constant 10 : i32
    %scan3A_112 = arith.constant 0 : i32
    %scan3A_113 = arith.constant 0 : i32
    %scan3A_114 = arith.constant 32 : i32
    %scan3A_115 = arith.addi %scan3A_113, %scan3A_114 : i32
    %scan3A_116 = arith.constant 1 : i32
    scf.for %scan3A_194 = %scan3A_113 to %scan3A_115 step %scan3A_116  : i32 {
      %broadcast_in_dim3A_195 = arith.constant 0.000000e+00 : f32
      %broadcast_in_dim3A_196 = vector.broadcast %broadcast_in_dim3A_195 : f32 to vector<16xf32>
      %swap3A = arith.index_cast %scan3A_194 : i32 to index
      %swap3A_197 = arith.constant 0 : index
      %swap3A_198 = tpu.vector_load %arg16[%swap3A, %swap3A_197] {strides = array<i32>} : memref<32x64xf32, #tpu.memory_space<vmem>>, vector<16xf32>,
      tpu.vector_store %arg16[%swap3A, %swap3A_197], %broadcast_in_dim3A_196 {strides = array<i32>} : memref<32x64xf32, #tpu.memory_space<vmem>>, vector<16xf32>,
      %broadcast_in_dim3A_199 = arith.constant 0.000000e+00 : f32
      %broadcast_in_dim3A_200 = vector.broadcast %broadcast_in_dim3A_199 : f32 to vector<16xf32>
      %swap3A_201 = arith.index_cast %scan3A_194 : i32 to index
      %swap3A_202 = arith.constant 16 : index
      %swap3A_203 = tpu.vector_load %arg16[%swap3A_201, %swap3A_202] {strides = array<i32>} : memref<32x64xf32, #tpu.memory_space<vmem>>, vector<16xf32>,
      tpu.vector_store %arg16[%swap3A_201, %swap3A_202], %broadcast_in_dim3A_200 {strides = array<i32>} : memref<32x64xf32, #tpu.memory_space<vmem>>, vector<16xf32>,
      %broadcast_in_dim3A_204 = arith.constant 0.000000e+00 : f32
      %broadcast_in_dim3A_205 = vector.broadcast %broadcast_in_dim3A_204 : f32 to vector<16xf32>
      %swap3A_206 = arith.index_cast %scan3A_194 : i32 to index
      %swap3A_207 = arith.constant 32 : index
      %swap3A_208 = tpu.vector_load %arg16[%swap3A_206, %swap3A_207] {strides = array<i32>} : memref<32x64xf32, #tpu.memory_space<vmem>>, vector<16xf32>,
      tpu.vector_store %arg16[%swap3A_206, %swap3A_207], %broadcast_in_dim3A_205 {strides = array<i32>} : memref<32x64xf32, #tpu.memory_space<vmem>>, vector<16xf32>,
      %broadcast_in_dim3A_209 = arith.constant 0.000000e+00 : f32
      %broadcast_in_dim3A_210 = vector.broadcast %broadcast_in_dim3A_209 : f32 to vector<16xf32>
      %swap3A_211 = arith.index_cast %scan3A_194 : i32 to index
      %swap3A_212 = arith.constant 48 : index
      %swap3A_213 = tpu.vector_load %arg16[%swap3A_211, %swap3A_212] {strides = array<i32>} : memref<32x64xf32, #tpu.memory_space<vmem>>, vector<16xf32>,
      tpu.vector_store %arg16[%swap3A_211, %swap3A_212], %broadcast_in_dim3A_210 {strides = array<i32>} : memref<32x64xf32, #tpu.memory_space<vmem>>, vector<16xf32>,
    }
    %scan3A_117 = arith.constant 32 : i32
    %scan3A_118 = arith.constant 0 : i32
    %scan3A_119 = arith.constant 0 : i32
    %scan3A_120 = arith.constant 10 : i32
    %scan3A_121 = arith.addi %scan3A_119, %scan3A_120 : i32
    %scan3A_122 = arith.constant 1 : i32
    scf.for %scan3A_194 = %scan3A_119 to %scan3A_121 step %scan3A_122  : i32 {
      %mul3A_195 = arith.constant 32 : i32
      %mul3A_196 = arith.muli %scan3A_194, %mul3A_195 : i32
      %add3A = arith.addi %mul3A_2, %mul3A_196 : i32
      "tpu.region"() ({
        %run_scoped3A = tpu.sem_alloc : memref<!tpu.dma_semaphore, #tpu.memory_space<semaphore_mem>>
        %dma_start3A_197 = arith.constant 0 : i32
        %dma_start3A_198 = tpu.memref_slice %arg23[%add3A, %dma_start3A_197] : memref<5121x64xf32, #tpu.memory_space<vmem_shared>> -> memref<32x64xf32, #tpu.memory_space<vmem_shared>>
        %dma_start3A_199 = arith.constant 0 : i32
        %dma_start3A_200 = tpu.memref_slice %arg23[%add3A, %dma_start3A_199] : memref<5121x64xf32, #tpu.memory_space<vmem_shared>> -> memref<32x64xf32, #tpu.memory_space<vmem_shared>>
        tpu.enqueue_dma source(%arg16 : memref<32x64xf32, #tpu.memory_space<vmem>>) target(%dma_start3A_200 : memref<32x64xf32, #tpu.memory_space<vmem_shared>>) target_semaphore(%run_scoped3A : memref<!tpu.dma_semaphore, #tpu.memory_space<semaphore_mem>>)
        %dma_wait3A_201 = arith.constant 0 : i32
        %dma_wait3A_202 = tpu.memref_slice %arg23[%add3A, %dma_wait3A_201] : memref<5121x64xf32, #tpu.memory_space<vmem_shared>> -> memref<32x64xf32, #tpu.memory_space<vmem_shared>>
        %dma_wait3A_203 = arith.constant 0 : i32
        %dma_wait3A_204 = tpu.memref_slice %arg23[%add3A, %dma_wait3A_203] : memref<5121x64xf32, #tpu.memory_space<vmem_shared>> -> memref<32x64xf32, #tpu.memory_space<vmem_shared>>
        tpu.wait_dma2 semaphore(%run_scoped3A : memref<!tpu.dma_semaphore, #tpu.memory_space<semaphore_mem>>) src(%arg16 : memref<32x64xf32, #tpu.memory_space<vmem>>) dst(%dma_wait3A_204 : memref<32x64xf32, #tpu.memory_space<vmem_shared>>)
        tpu.yield
      }) : () -> ()
    }
    %scan3A_123 = arith.constant 10 : i32
    %barrier3A_124 = arith.constant 0 : index
    tpu.barrier barrier_id(%barrier3A_124)
    %dma_start3A_125 = arith.constant 1 : i32
    %dma_start3A_126 = arith.constant 0 : i32
    %dma_start3A_127 = arith.constant 0 : i32
    %dma_start3A_128 = arith.constant 0 : i32
    %dma_start3A_129 = arith.constant 0 : i32
    %dma_start3A_130 = tpu.memref_slice %arg14[%dma_start3A_127, %dma_start3A_128, %dma_start3A_129] : memref<2x128x64xf32, #tpu.memory_space<vmem>> -> memref<1x128x64xf32, #tpu.memory_space<vmem>>
    %dma_start3A_131 = tpu.memref_squeeze %dma_start3A_130 : memref<1x128x64xf32, #tpu.memory_space<vmem>> -> memref<128x64xf32, #tpu.memory_space<vmem>>
    %dma_start3A_132 = arith.constant 0 : i32
    %dma_start3A_133 = tpu.memref_slice %arg10[%dma_start3A_126, %dma_start3A_132] : memref<160x128xi32, #tpu.memory_space<vmem>> -> memref<1x128xi32, #tpu.memory_space<vmem>>
    %dma_start3A_134 = tpu.memref_squeeze %dma_start3A_133 : memref<1x128xi32, #tpu.memory_space<vmem>> -> memref<128xi32, #tpu.memory_space<vmem>>
    %dma_start3A_135 = arith.constant 0 : i32
    %dma_start3A_136 = arith.constant 0 : i32
    %dma_start3A_137 = arith.constant 0 : i32
    %dma_start3A_138 = tpu.memref_slice %arg8[%arg0, %dma_start3A_135, %dma_start3A_136, %dma_start3A_137] : memref<2x2x10240x64xf32, #tpu.memory_space<hbm>> -> memref<1x2x10240x64xf32, #tpu.memory_space<hbm>>
    %dma_start3A_139 = tpu.memref_squeeze %dma_start3A_138 : memref<1x2x10240x64xf32, #tpu.memory_space<hbm>> -> memref<2x10240x64xf32, #tpu.memory_space<hbm>>
    %dma_start3A_140 = arith.constant 0 : i32
    %dma_start3A_141 = arith.constant 0 : i32
    %dma_start3A_142 = tpu.memref_slice %dma_start3A_139[%dma_start3A_125, %dma_start3A_140, %dma_start3A_141] : memref<2x10240x64xf32, #tpu.memory_space<hbm>> -> memref<1x10240x64xf32, #tpu.memory_space<hbm>>
    %dma_start3A_143 = tpu.memref_squeeze %dma_start3A_142 : memref<1x10240x64xf32, #tpu.memory_space<hbm>> -> memref<10240x64xf32, #tpu.memory_space<hbm>>
    %dma_start3A_144 = arith.constant 0 : i32
    %dma_start3A_145 = arith.constant 0 : i32
    %dma_start3A_146 = tpu.memref_slice %dma_start3A_143[%dma_start3A_144, %dma_start3A_145] : memref<10240x64xf32, #tpu.memory_space<hbm>> -> memref<10240x64xf32, #tpu.memory_space<hbm>>
    tpu.enqueue_indirect_dma source(%dma_start3A_146 : memref<10240x64xf32, #tpu.memory_space<hbm>>) target(%dma_start3A_131 : memref<128x64xf32, #tpu.memory_space<vmem>>) offsets(%dma_start3A_134 : memref<128xi32, #tpu.memory_space<vmem>>) semaphore(%arg20 : memref<!tpu.dma_semaphore, #tpu.memory_space<semaphore_mem>>)
    %scan3A_147 = arith.constant 0 : i32
    %scan3A_148 = arith.constant 0 : i32
    %scan3A_149 = arith.constant 160 : i32
    %scan3A_150 = arith.addi %scan3A_148, %scan3A_149 : i32
    %scan3A_151 = arith.constant 1 : i32
    scf.for %scan3A_194 = %scan3A_148 to %scan3A_150 step %scan3A_151  : i32 {
      %rem3A = arith.constant 2 : i32
      %rem3A_195 = arith.remsi %scan3A_194, %rem3A : i32
      %gt3A = arith.constant 0 : i32
      %gt3A_196 = arith.cmpi sgt, %scan3A_194, %gt3A : i32
      %convert_element_type3A_197 = arith.extui %gt3A_196 : i1 to i32
      %cond3A_198 = arith.constant 0 : i32
      %cond3A_199 = arith.cmpi ne, %convert_element_type3A_197, %cond3A_198 : i32
      scf.if %cond3A_199 {
        %dma_wait3A_393 = arith.constant 1 : i32
        %dma_wait3A_394 = arith.constant 0 : i32
        %dma_wait3A_395 = arith.constant 0 : i32
        %dma_wait3A_396 = arith.constant 0 : i32
        %dma_wait3A_397 = tpu.memref_slice %arg14[%dma_wait3A_394, %dma_wait3A_395, %dma_wait3A_396] : memref<2x128x64xf32, #tpu.memory_space<vmem>> -> memref<1x128x64xf32, #tpu.memory_space<vmem>>
        %dma_wait3A_398 = tpu.memref_squeeze %dma_wait3A_397 : memref<1x128x64xf32, #tpu.memory_space<vmem>> -> memref<128x64xf32, #tpu.memory_space<vmem>>
        %dma_wait3A_399 = arith.constant 0 : i32
        %dma_wait3A_400 = arith.constant 0 : i32
        %dma_wait3A_401 = arith.constant 0 : i32
        %dma_wait3A_402 = tpu.memref_slice %arg8[%arg0, %dma_wait3A_399, %dma_wait3A_400, %dma_wait3A_401] : memref<2x2x10240x64xf32, #tpu.memory_space<hbm>> -> memref<1x2x10240x64xf32, #tpu.memory_space<hbm>>
        %dma_wait3A_403 = tpu.memref_squeeze %dma_wait3A_402 : memref<1x2x10240x64xf32, #tpu.memory_space<hbm>> -> memref<2x10240x64xf32, #tpu.memory_space<hbm>>
        %dma_wait3A_404 = arith.constant 0 : i32
        %dma_wait3A_405 = arith.constant 0 : i32
        %dma_wait3A_406 = tpu.memref_slice %dma_wait3A_403[%dma_wait3A_393, %dma_wait3A_404, %dma_wait3A_405] : memref<2x10240x64xf32, #tpu.memory_space<hbm>> -> memref<1x10240x64xf32, #tpu.memory_space<hbm>>
        %dma_wait3A_407 = tpu.memref_squeeze %dma_wait3A_406 : memref<1x10240x64xf32, #tpu.memory_space<hbm>> -> memref<10240x64xf32, #tpu.memory_space<hbm>>
        %dma_wait3A_408 = arith.constant 0 : i32
        %dma_wait3A_409 = arith.constant 0 : i32
        %dma_wait3A_410 = tpu.memref_slice %dma_wait3A_407[%dma_wait3A_408, %dma_wait3A_409] : memref<10240x64xf32, #tpu.memory_space<hbm>> -> memref<128x64xf32, #tpu.memory_space<hbm>>
        %dma_wait3A_411 = arith.constant 0 : i32
        %dma_wait3A_412 = arith.constant 0 : i32
        %dma_wait3A_413 = tpu.memref_slice %arg14[%dma_wait3A_394, %dma_wait3A_411, %dma_wait3A_412] : memref<2x128x64xf32, #tpu.memory_space<vmem>> -> memref<1x128x64xf32, #tpu.memory_space<vmem>>
        %dma_wait3A_414 = tpu.memref_squeeze %dma_wait3A_413 : memref<1x128x64xf32, #tpu.memory_space<vmem>> -> memref<128x64xf32, #tpu.memory_space<vmem>>
        %dma_wait3A_415 = arith.constant 0 : i32
        %dma_wait3A_416 = arith.constant 0 : i32
        %dma_wait3A_417 = arith.constant 0 : i32
        %dma_wait3A_418 = tpu.memref_slice %arg8[%arg0, %dma_wait3A_415, %dma_wait3A_416, %dma_wait3A_417] : memref<2x2x10240x64xf32, #tpu.memory_space<hbm>> -> memref<1x2x10240x64xf32, #tpu.memory_space<hbm>>
        %dma_wait3A_419 = tpu.memref_squeeze %dma_wait3A_418 : memref<1x2x10240x64xf32, #tpu.memory_space<hbm>> -> memref<2x10240x64xf32, #tpu.memory_space<hbm>>
        %dma_wait3A_420 = arith.constant 0 : i32
        %dma_wait3A_421 = arith.constant 0 : i32
        %dma_wait3A_422 = tpu.memref_slice %dma_wait3A_419[%dma_wait3A_393, %dma_wait3A_420, %dma_wait3A_421] : memref<2x10240x64xf32, #tpu.memory_space<hbm>> -> memref<1x10240x64xf32, #tpu.memory_space<hbm>>
        %dma_wait3A_423 = tpu.memref_squeeze %dma_wait3A_422 : memref<1x10240x64xf32, #tpu.memory_space<hbm>> -> memref<10240x64xf32, #tpu.memory_space<hbm>>
        %dma_wait3A_424 = arith.constant 0 : i32
        %dma_wait3A_425 = arith.constant 0 : i32
        %dma_wait3A_426 = tpu.memref_slice %dma_wait3A_423[%dma_wait3A_424, %dma_wait3A_425] : memref<10240x64xf32, #tpu.memory_space<hbm>> -> memref<128x64xf32, #tpu.memory_space<hbm>>
        tpu.wait_dma2 semaphore(%arg21 : memref<!tpu.dma_semaphore, #tpu.memory_space<semaphore_mem>>) src(%dma_wait3A_426 : memref<128x64xf32, #tpu.memory_space<hbm>>) dst(%dma_wait3A_414 : memref<128x64xf32, #tpu.memory_space<vmem>>)
      } else {
      }
      %lt3A = arith.constant 159 : i32
      %lt3A_200 = arith.cmpi slt, %scan3A_194, %lt3A : i32
      %convert_element_type3A_201 = arith.extui %lt3A_200 : i1 to i32
      %cond3A_202 = arith.constant 0 : i32
      %cond3A_203 = arith.cmpi ne, %convert_element_type3A_201, %cond3A_202 : i32
      scf.if %cond3A_203 {
        %add3A_393 = arith.constant 1 : i32
        %add3A_394 = arith.addi %scan3A_194, %add3A_393 : i32
        %add3A_395 = arith.constant 1 : i32
        %add3A_396 = arith.addi %scan3A_194, %add3A_395 : i32
        %rem3A_397 = arith.constant 2 : i32
        %rem3A_398 = arith.remsi %add3A_396, %rem3A_397 : i32
        %dma_start3A_399 = arith.constant 1 : i32
        %dma_start3A_400 = arith.constant 0 : i32
        %dma_start3A_401 = arith.constant 0 : i32
        %dma_start3A_402 = tpu.memref_slice %arg14[%rem3A_398, %dma_start3A_400, %dma_start3A_401] : memref<2x128x64xf32, #tpu.memory_space<vmem>> -> memref<1x128x64xf32, #tpu.memory_space<vmem>>
        %dma_start3A_403 = tpu.memref_squeeze %dma_start3A_402 : memref<1x128x64xf32, #tpu.memory_space<vmem>> -> memref<128x64xf32, #tpu.memory_space<vmem>>
        %dma_start3A_404 = arith.constant 0 : i32
        %dma_start3A_405 = tpu.memref_slice %arg10[%add3A_394, %dma_start3A_404] : memref<160x128xi32, #tpu.memory_space<vmem>> -> memref<1x128xi32, #tpu.memory_space<vmem>>
        %dma_start3A_406 = tpu.memref_squeeze %dma_start3A_405 : memref<1x128xi32, #tpu.memory_space<vmem>> -> memref<128xi32, #tpu.memory_space<vmem>>
        %dma_start3A_407 = arith.constant 0 : i32
        %dma_start3A_408 = arith.constant 0 : i32
        %dma_start3A_409 = arith.constant 0 : i32
        %dma_start3A_410 = tpu.memref_slice %arg8[%arg0, %dma_start3A_407, %dma_start3A_408, %dma_start3A_409] : memref<2x2x10240x64xf32, #tpu.memory_space<hbm>> -> memref<1x2x10240x64xf32, #tpu.memory_space<hbm>>
        %dma_start3A_411 = tpu.memref_squeeze %dma_start3A_410 : memref<1x2x10240x64xf32, #tpu.memory_space<hbm>> -> memref<2x10240x64xf32, #tpu.memory_space<hbm>>
        %dma_start3A_412 = arith.constant 0 : i32
        %dma_start3A_413 = arith.constant 0 : i32
        %dma_start3A_414 = tpu.memref_slice %dma_start3A_411[%dma_start3A_399, %dma_start3A_412, %dma_start3A_413] : memref<2x10240x64xf32, #tpu.memory_space<hbm>> -> memref<1x10240x64xf32, #tpu.memory_space<hbm>>
        %dma_start3A_415 = tpu.memref_squeeze %dma_start3A_414 : memref<1x10240x64xf32, #tpu.memory_space<hbm>> -> memref<10240x64xf32, #tpu.memory_space<hbm>>
        %dma_start3A_416 = arith.constant 0 : i32
        %dma_start3A_417 = arith.constant 0 : i32
        %dma_start3A_418 = tpu.memref_slice %dma_start3A_415[%dma_start3A_416, %dma_start3A_417] : memref<10240x64xf32, #tpu.memory_space<hbm>> -> memref<10240x64xf32, #tpu.memory_space<hbm>>
        tpu.enqueue_indirect_dma source(%dma_start3A_418 : memref<10240x64xf32, #tpu.memory_space<hbm>>) target(%dma_start3A_403 : memref<128x64xf32, #tpu.memory_space<vmem>>) offsets(%dma_start3A_406 : memref<128xi32, #tpu.memory_space<vmem>>) semaphore(%arg20 : memref<!tpu.dma_semaphore, #tpu.memory_space<semaphore_mem>>)
      } else {
      }
      %dma_wait3A_204 = arith.constant 1 : i32
      %dma_wait3A_205 = arith.constant 0 : i32
      %dma_wait3A_206 = arith.constant 0 : i32
      %dma_wait3A_207 = arith.constant 0 : i32
      %dma_wait3A_208 = tpu.memref_slice %arg14[%dma_wait3A_205, %dma_wait3A_206, %dma_wait3A_207] : memref<2x128x64xf32, #tpu.memory_space<vmem>> -> memref<1x128x64xf32, #tpu.memory_space<vmem>>
      %dma_wait3A_209 = tpu.memref_squeeze %dma_wait3A_208 : memref<1x128x64xf32, #tpu.memory_space<vmem>> -> memref<128x64xf32, #tpu.memory_space<vmem>>
      %dma_wait3A_210 = arith.constant 0 : i32
      %dma_wait3A_211 = arith.constant 0 : i32
      %dma_wait3A_212 = arith.constant 0 : i32
      %dma_wait3A_213 = tpu.memref_slice %arg8[%arg0, %dma_wait3A_210, %dma_wait3A_211, %dma_wait3A_212] : memref<2x2x10240x64xf32, #tpu.memory_space<hbm>> -> memref<1x2x10240x64xf32, #tpu.memory_space<hbm>>
      %dma_wait3A_214 = tpu.memref_squeeze %dma_wait3A_213 : memref<1x2x10240x64xf32, #tpu.memory_space<hbm>> -> memref<2x10240x64xf32, #tpu.memory_space<hbm>>
      %dma_wait3A_215 = arith.constant 0 : i32
      %dma_wait3A_216 = arith.constant 0 : i32
      %dma_wait3A_217 = tpu.memref_slice %dma_wait3A_214[%dma_wait3A_204, %dma_wait3A_215, %dma_wait3A_216] : memref<2x10240x64xf32, #tpu.memory_space<hbm>> -> memref<1x10240x64xf32, #tpu.memory_space<hbm>>
      %dma_wait3A_218 = tpu.memref_squeeze %dma_wait3A_217 : memref<1x10240x64xf32, #tpu.memory_space<hbm>> -> memref<10240x64xf32, #tpu.memory_space<hbm>>
      %dma_wait3A_219 = arith.constant 0 : i32
      %dma_wait3A_220 = arith.constant 0 : i32
      %dma_wait3A_221 = tpu.memref_slice %dma_wait3A_218[%dma_wait3A_219, %dma_wait3A_220] : memref<10240x64xf32, #tpu.memory_space<hbm>> -> memref<128x64xf32, #tpu.memory_space<hbm>>
      %dma_wait3A_222 = arith.constant 0 : i32
      %dma_wait3A_223 = arith.constant 0 : i32
      %dma_wait3A_224 = tpu.memref_slice %arg14[%dma_wait3A_205, %dma_wait3A_222, %dma_wait3A_223] : memref<2x128x64xf32, #tpu.memory_space<vmem>> -> memref<1x128x64xf32, #tpu.memory_space<vmem>>
      %dma_wait3A_225 = tpu.memref_squeeze %dma_wait3A_224 : memref<1x128x64xf32, #tpu.memory_space<vmem>> -> memref<128x64xf32, #tpu.memory_space<vmem>>
      %dma_wait3A_226 = arith.constant 0 : i32
      %dma_wait3A_227 = arith.constant 0 : i32
      %dma_wait3A_228 = arith.constant 0 : i32
      %dma_wait3A_229 = tpu.memref_slice %arg8[%arg0, %dma_wait3A_226, %dma_wait3A_227, %dma_wait3A_228] : memref<2x2x10240x64xf32, #tpu.memory_space<hbm>> -> memref<1x2x10240x64xf32, #tpu.memory_space<hbm>>
      %dma_wait3A_230 = tpu.memref_squeeze %dma_wait3A_229 : memref<1x2x10240x64xf32, #tpu.memory_space<hbm>> -> memref<2x10240x64xf32, #tpu.memory_space<hbm>>
      %dma_wait3A_231 = arith.constant 0 : i32
      %dma_wait3A_232 = arith.constant 0 : i32
      %dma_wait3A_233 = tpu.memref_slice %dma_wait3A_230[%dma_wait3A_204, %dma_wait3A_231, %dma_wait3A_232] : memref<2x10240x64xf32, #tpu.memory_space<hbm>> -> memref<1x10240x64xf32, #tpu.memory_space<hbm>>
      %dma_wait3A_234 = tpu.memref_squeeze %dma_wait3A_233 : memref<1x10240x64xf32, #tpu.memory_space<hbm>> -> memref<10240x64xf32, #tpu.memory_space<hbm>>
      %dma_wait3A_235 = arith.constant 0 : i32
      %dma_wait3A_236 = arith.constant 0 : i32
      %dma_wait3A_237 = tpu.memref_slice %dma_wait3A_234[%dma_wait3A_235, %dma_wait3A_236] : memref<10240x64xf32, #tpu.memory_space<hbm>> -> memref<128x64xf32, #tpu.memory_space<hbm>>
      tpu.wait_dma2 semaphore(%arg20 : memref<!tpu.dma_semaphore, #tpu.memory_space<semaphore_mem>>) src(%dma_wait3A_237 : memref<128x64xf32, #tpu.memory_space<hbm>>) dst(%dma_wait3A_225 : memref<128x64xf32, #tpu.memory_space<vmem>>)
      %get3A = arith.index_cast %scan3A_194 : i32 to index
      %get3A_238 = arith.constant 0 : index
      %get3A_239 = tpu.vector_load %arg11[%get3A, %get3A_238] {strides = array<i32>} : memref<160x128xi32, #tpu.memory_space<vmem>>, vector<16xi32>,
      %ge3A = vector.broadcast %mul3A_44 : i32 to vector<16xi32>
      %ge3A_240 = arith.cmpi sge, %get3A_239, %ge3A : vector<16xi32>
      %add3A = arith.constant 5120 : i32
      %add3A_241 = arith.addi %mul3A_44, %add3A : i32
      %lt3A_242 = vector.broadcast %add3A_241 : i32 to vector<16xi32>
      %lt3A_243 = arith.cmpi slt, %get3A_239, %lt3A_242 : vector<16xi32>
      %and3A = arith.andi %ge3A_240, %lt3A_243 : vector<16xi1>
      %sub3A = vector.broadcast %mul3A_44 : i32 to vector<16xi32>
      %sub3A_244 = arith.subi %get3A_239, %sub3A : vector<16xi32>
      %jit3A = arith.constant 5120 : i32
      %broadcast_in_dim3A_245 = vector.broadcast %jit3A : i32 to vector<16xi32>
      %select_n3A = arith.select %and3A, %sub3A_244, %broadcast_in_dim3A_245 : vector<16xi1>, vector<16xi32>
      %swap3A = arith.constant 0 : i32
      %swap3A_246 = arith.index_cast %swap3A : i32 to index
      %swap3A_247 = arith.constant 0 : index
      %swap3A_248 = tpu.vector_load %arg12[%swap3A_246, %swap3A_247] {strides = array<i32>} : memref<1x128xi32, #tpu.memory_space<vmem>>, vector<16xi32>,
      tpu.vector_store %arg12[%swap3A_246, %swap3A_247], %select_n3A {strides = array<i32>} : memref<1x128xi32, #tpu.memory_space<vmem>>, vector<16xi32>,
      %get3A_249 = arith.index_cast %scan3A_194 : i32 to index
      %get3A_250 = arith.constant 16 : index
      %get3A_251 = tpu.vector_load %arg11[%get3A_249, %get3A_250] {strides = array<i32>} : memref<160x128xi32, #tpu.memory_space<vmem>>, vector<16xi32>,
      %ge3A_252 = vector.broadcast %mul3A_44 : i32 to vector<16xi32>
      %ge3A_253 = arith.cmpi sge, %get3A_251, %ge3A_252 : vector<16xi32>
      %add3A_254 = arith.constant 5120 : i32
      %add3A_255 = arith.addi %mul3A_44, %add3A_254 : i32
      %lt3A_256 = vector.broadcast %add3A_255 : i32 to vector<16xi32>
      %lt3A_257 = arith.cmpi slt, %get3A_251, %lt3A_256 : vector<16xi32>
      %and3A_258 = arith.andi %ge3A_253, %lt3A_257 : vector<16xi1>
      %sub3A_259 = vector.broadcast %mul3A_44 : i32 to vector<16xi32>
      %sub3A_260 = arith.subi %get3A_251, %sub3A_259 : vector<16xi32>
      %jit3A_261 = arith.constant 5120 : i32
      %broadcast_in_dim3A_262 = vector.broadcast %jit3A_261 : i32 to vector<16xi32>
      %select_n3A_263 = arith.select %and3A_258, %sub3A_260, %broadcast_in_dim3A_262 : vector<16xi1>, vector<16xi32>
      %swap3A_264 = arith.constant 0 : i32
      %swap3A_265 = arith.index_cast %swap3A_264 : i32 to index
      %swap3A_266 = arith.constant 16 : index
      %swap3A_267 = tpu.vector_load %arg12[%swap3A_265, %swap3A_266] {strides = array<i32>} : memref<1x128xi32, #tpu.memory_space<vmem>>, vector<16xi32>,
      tpu.vector_store %arg12[%swap3A_265, %swap3A_266], %select_n3A_263 {strides = array<i32>} : memref<1x128xi32, #tpu.memory_space<vmem>>, vector<16xi32>,
      %get3A_268 = arith.index_cast %scan3A_194 : i32 to index
      %get3A_269 = arith.constant 32 : index
      %get3A_270 = tpu.vector_load %arg11[%get3A_268, %get3A_269] {strides = array<i32>} : memref<160x128xi32, #tpu.memory_space<vmem>>, vector<16xi32>,
      %ge3A_271 = vector.broadcast %mul3A_44 : i32 to vector<16xi32>
      %ge3A_272 = arith.cmpi sge, %get3A_270, %ge3A_271 : vector<16xi32>
      %add3A_273 = arith.constant 5120 : i32
      %add3A_274 = arith.addi %mul3A_44, %add3A_273 : i32
      %lt3A_275 = vector.broadcast %add3A_274 : i32 to vector<16xi32>
      %lt3A_276 = arith.cmpi slt, %get3A_270, %lt3A_275 : vector<16xi32>
      %and3A_277 = arith.andi %ge3A_272, %lt3A_276 : vector<16xi1>
      %sub3A_278 = vector.broadcast %mul3A_44 : i32 to vector<16xi32>
      %sub3A_279 = arith.subi %get3A_270, %sub3A_278 : vector<16xi32>
      %jit3A_280 = arith.constant 5120 : i32
      %broadcast_in_dim3A_281 = vector.broadcast %jit3A_280 : i32 to vector<16xi32>
      %select_n3A_282 = arith.select %and3A_277, %sub3A_279, %broadcast_in_dim3A_281 : vector<16xi1>, vector<16xi32>
      %swap3A_283 = arith.constant 0 : i32
      %swap3A_284 = arith.index_cast %swap3A_283 : i32 to index
      %swap3A_285 = arith.constant 32 : index
      %swap3A_286 = tpu.vector_load %arg12[%swap3A_284, %swap3A_285] {strides = array<i32>} : memref<1x128xi32, #tpu.memory_space<vmem>>, vector<16xi32>,
      tpu.vector_store %arg12[%swap3A_284, %swap3A_285], %select_n3A_282 {strides = array<i32>} : memref<1x128xi32, #tpu.memory_space<vmem>>, vector<16xi32>,
      %get3A_287 = arith.index_cast %scan3A_194 : i32 to index
      %get3A_288 = arith.constant 48 : index
      %get3A_289 = tpu.vector_load %arg11[%get3A_287, %get3A_288] {strides = array<i32>} : memref<160x128xi32, #tpu.memory_space<vmem>>, vector<16xi32>,
      %ge3A_290 = vector.broadcast %mul3A_44 : i32 to vector<16xi32>
      %ge3A_291 = arith.cmpi sge, %get3A_289, %ge3A_290 : vector<16xi32>
      %add3A_292 = arith.constant 5120 : i32
      %add3A_293 = arith.addi %mul3A_44, %add3A_292 : i32
      %lt3A_294 = vector.broadcast %add3A_293 : i32 to vector<16xi32>
      %lt3A_295 = arith.cmpi slt, %get3A_289, %lt3A_294 : vector<16xi32>
      %and3A_296 = arith.andi %ge3A_291, %lt3A_295 : vector<16xi1>
      %sub3A_297 = vector.broadcast %mul3A_44 : i32 to vector<16xi32>
      %sub3A_298 = arith.subi %get3A_289, %sub3A_297 : vector<16xi32>
      %jit3A_299 = arith.constant 5120 : i32
      %broadcast_in_dim3A_300 = vector.broadcast %jit3A_299 : i32 to vector<16xi32>
      %select_n3A_301 = arith.select %and3A_296, %sub3A_298, %broadcast_in_dim3A_300 : vector<16xi1>, vector<16xi32>
      %swap3A_302 = arith.constant 0 : i32
      %swap3A_303 = arith.index_cast %swap3A_302 : i32 to index
      %swap3A_304 = arith.constant 48 : index
      %swap3A_305 = tpu.vector_load %arg12[%swap3A_303, %swap3A_304] {strides = array<i32>} : memref<1x128xi32, #tpu.memory_space<vmem>>, vector<16xi32>,
      tpu.vector_store %arg12[%swap3A_303, %swap3A_304], %select_n3A_301 {strides = array<i32>} : memref<1x128xi32, #tpu.memory_space<vmem>>, vector<16xi32>,
      %get3A_306 = arith.index_cast %scan3A_194 : i32 to index
      %get3A_307 = arith.constant 64 : index
      %get3A_308 = tpu.vector_load %arg11[%get3A_306, %get3A_307] {strides = array<i32>} : memref<160x128xi32, #tpu.memory_space<vmem>>, vector<16xi32>,
      %ge3A_309 = vector.broadcast %mul3A_44 : i32 to vector<16xi32>
      %ge3A_310 = arith.cmpi sge, %get3A_308, %ge3A_309 : vector<16xi32>
      %add3A_311 = arith.constant 5120 : i32
      %add3A_312 = arith.addi %mul3A_44, %add3A_311 : i32
      %lt3A_313 = vector.broadcast %add3A_312 : i32 to vector<16xi32>
      %lt3A_314 = arith.cmpi slt, %get3A_308, %lt3A_313 : vector<16xi32>
      %and3A_315 = arith.andi %ge3A_310, %lt3A_314 : vector<16xi1>
      %sub3A_316 = vector.broadcast %mul3A_44 : i32 to vector<16xi32>
      %sub3A_317 = arith.subi %get3A_308, %sub3A_316 : vector<16xi32>
      %jit3A_318 = arith.constant 5120 : i32
      %broadcast_in_dim3A_319 = vector.broadcast %jit3A_318 : i32 to vector<16xi32>
      %select_n3A_320 = arith.select %and3A_315, %sub3A_317, %broadcast_in_dim3A_319 : vector<16xi1>, vector<16xi32>
      %swap3A_321 = arith.constant 0 : i32
      %swap3A_322 = arith.index_cast %swap3A_321 : i32 to index
      %swap3A_323 = arith.constant 64 : index
      %swap3A_324 = tpu.vector_load %arg12[%swap3A_322, %swap3A_323] {strides = array<i32>} : memref<1x128xi32, #tpu.memory_space<vmem>>, vector<16xi32>,
      tpu.vector_store %arg12[%swap3A_322, %swap3A_323], %select_n3A_320 {strides = array<i32>} : memref<1x128xi32, #tpu.memory_space<vmem>>, vector<16xi32>,
      %get3A_325 = arith.index_cast %scan3A_194 : i32 to index
      %get3A_326 = arith.constant 80 : index
      %get3A_327 = tpu.vector_load %arg11[%get3A_325, %get3A_326] {strides = array<i32>} : memref<160x128xi32, #tpu.memory_space<vmem>>, vector<16xi32>,
      %ge3A_328 = vector.broadcast %mul3A_44 : i32 to vector<16xi32>
      %ge3A_329 = arith.cmpi sge, %get3A_327, %ge3A_328 : vector<16xi32>
      %add3A_330 = arith.constant 5120 : i32
      %add3A_331 = arith.addi %mul3A_44, %add3A_330 : i32
      %lt3A_332 = vector.broadcast %add3A_331 : i32 to vector<16xi32>
      %lt3A_333 = arith.cmpi slt, %get3A_327, %lt3A_332 : vector<16xi32>
      %and3A_334 = arith.andi %ge3A_329, %lt3A_333 : vector<16xi1>
      %sub3A_335 = vector.broadcast %mul3A_44 : i32 to vector<16xi32>
      %sub3A_336 = arith.subi %get3A_327, %sub3A_335 : vector<16xi32>
      %jit3A_337 = arith.constant 5120 : i32
      %broadcast_in_dim3A_338 = vector.broadcast %jit3A_337 : i32 to vector<16xi32>
      %select_n3A_339 = arith.select %and3A_334, %sub3A_336, %broadcast_in_dim3A_338 : vector<16xi1>, vector<16xi32>
      %swap3A_340 = arith.constant 0 : i32
      %swap3A_341 = arith.index_cast %swap3A_340 : i32 to index
      %swap3A_342 = arith.constant 80 : index
      %swap3A_343 = tpu.vector_load %arg12[%swap3A_341, %swap3A_342] {strides = array<i32>} : memref<1x128xi32, #tpu.memory_space<vmem>>, vector<16xi32>,
      tpu.vector_store %arg12[%swap3A_341, %swap3A_342], %select_n3A_339 {strides = array<i32>} : memref<1x128xi32, #tpu.memory_space<vmem>>, vector<16xi32>,
      %get3A_344 = arith.index_cast %scan3A_194 : i32 to index
      %get3A_345 = arith.constant 96 : index
      %get3A_346 = tpu.vector_load %arg11[%get3A_344, %get3A_345] {strides = array<i32>} : memref<160x128xi32, #tpu.memory_space<vmem>>, vector<16xi32>,
      %ge3A_347 = vector.broadcast %mul3A_44 : i32 to vector<16xi32>
      %ge3A_348 = arith.cmpi sge, %get3A_346, %ge3A_347 : vector<16xi32>
      %add3A_349 = arith.constant 5120 : i32
      %add3A_350 = arith.addi %mul3A_44, %add3A_349 : i32
      %lt3A_351 = vector.broadcast %add3A_350 : i32 to vector<16xi32>
      %lt3A_352 = arith.cmpi slt, %get3A_346, %lt3A_351 : vector<16xi32>
      %and3A_353 = arith.andi %ge3A_348, %lt3A_352 : vector<16xi1>
      %sub3A_354 = vector.broadcast %mul3A_44 : i32 to vector<16xi32>
      %sub3A_355 = arith.subi %get3A_346, %sub3A_354 : vector<16xi32>
      %jit3A_356 = arith.constant 5120 : i32
      %broadcast_in_dim3A_357 = vector.broadcast %jit3A_356 : i32 to vector<16xi32>
      %select_n3A_358 = arith.select %and3A_353, %sub3A_355, %broadcast_in_dim3A_357 : vector<16xi1>, vector<16xi32>
      %swap3A_359 = arith.constant 0 : i32
      %swap3A_360 = arith.index_cast %swap3A_359 : i32 to index
      %swap3A_361 = arith.constant 96 : index
      %swap3A_362 = tpu.vector_load %arg12[%swap3A_360, %swap3A_361] {strides = array<i32>} : memref<1x128xi32, #tpu.memory_space<vmem>>, vector<16xi32>,
      tpu.vector_store %arg12[%swap3A_360, %swap3A_361], %select_n3A_358 {strides = array<i32>} : memref<1x128xi32, #tpu.memory_space<vmem>>, vector<16xi32>,
      %get3A_363 = arith.index_cast %scan3A_194 : i32 to index
      %get3A_364 = arith.constant 112 : index
      %get3A_365 = tpu.vector_load %arg11[%get3A_363, %get3A_364] {strides = array<i32>} : memref<160x128xi32, #tpu.memory_space<vmem>>, vector<16xi32>,
      %ge3A_366 = vector.broadcast %mul3A_44 : i32 to vector<16xi32>
      %ge3A_367 = arith.cmpi sge, %get3A_365, %ge3A_366 : vector<16xi32>
      %add3A_368 = arith.constant 5120 : i32
      %add3A_369 = arith.addi %mul3A_44, %add3A_368 : i32
      %lt3A_370 = vector.broadcast %add3A_369 : i32 to vector<16xi32>
      %lt3A_371 = arith.cmpi slt, %get3A_365, %lt3A_370 : vector<16xi32>
      %and3A_372 = arith.andi %ge3A_367, %lt3A_371 : vector<16xi1>
      %sub3A_373 = vector.broadcast %mul3A_44 : i32 to vector<16xi32>
      %sub3A_374 = arith.subi %get3A_365, %sub3A_373 : vector<16xi32>
      %jit3A_375 = arith.constant 5120 : i32
      %broadcast_in_dim3A_376 = vector.broadcast %jit3A_375 : i32 to vector<16xi32>
      %select_n3A_377 = arith.select %and3A_372, %sub3A_374, %broadcast_in_dim3A_376 : vector<16xi1>, vector<16xi32>
      %swap3A_378 = arith.constant 0 : i32
      %swap3A_379 = arith.index_cast %swap3A_378 : i32 to index
      %swap3A_380 = arith.constant 112 : index
      %swap3A_381 = tpu.vector_load %arg12[%swap3A_379, %swap3A_380] {strides = array<i32>} : memref<1x128xi32, #tpu.memory_space<vmem>>, vector<16xi32>,
      tpu.vector_store %arg12[%swap3A_379, %swap3A_380], %select_n3A_377 {strides = array<i32>} : memref<1x128xi32, #tpu.memory_space<vmem>>, vector<16xi32>,
      %dma_start3A_382 = arith.constant 0 : i32
      %dma_start3A_383 = arith.constant 0 : i32
      %dma_start3A_384 = arith.constant 0 : i32
      %dma_start3A_385 = tpu.memref_slice %arg14[%rem3A_195, %dma_start3A_383, %dma_start3A_384] : memref<2x128x64xf32, #tpu.memory_space<vmem>> -> memref<1x128x64xf32, #tpu.memory_space<vmem>>
      %dma_start3A_386 = tpu.memref_squeeze %dma_start3A_385 : memref<1x128x64xf32, #tpu.memory_space<vmem>> -> memref<128x64xf32, #tpu.memory_space<vmem>>
      %dma_start3A_387 = arith.constant 0 : i32
      %dma_start3A_388 = tpu.memref_slice %arg12[%dma_start3A_382, %dma_start3A_387] : memref<1x128xi32, #tpu.memory_space<vmem>> -> memref<1x128xi32, #tpu.memory_space<vmem>>
      %dma_start3A_389 = tpu.memref_squeeze %dma_start3A_388 : memref<1x128xi32, #tpu.memory_space<vmem>> -> memref<128xi32, #tpu.memory_space<vmem>>
      %dma_start3A_390 = arith.constant 0 : i32
      %dma_start3A_391 = arith.constant 0 : i32
      %dma_start3A_392 = tpu.memref_slice %arg23[%dma_start3A_390, %dma_start3A_391] : memref<5121x64xf32, #tpu.memory_space<vmem_shared>> -> memref<5121x64xf32, #tpu.memory_space<vmem_shared>>
      tpu.enqueue_indirect_dma source(%dma_start3A_386 : memref<128x64xf32, #tpu.memory_space<vmem>>) target(%dma_start3A_392 : memref<5121x64xf32, #tpu.memory_space<vmem_shared>>) offsets(%dma_start3A_389 : memref<128xi32, #tpu.memory_space<vmem>>) semaphore(%arg21 : memref<!tpu.dma_semaphore, #tpu.memory_space<semaphore_mem>>) {add = true}
    }
    %scan3A_152 = arith.constant 160 : i32
    %dma_wait3A_153 = arith.constant 1 : i32
    %dma_wait3A_154 = arith.constant 0 : i32
    %dma_wait3A_155 = arith.constant 0 : i32
    %dma_wait3A_156 = arith.constant 0 : i32
    %dma_wait3A_157 = tpu.memref_slice %arg14[%dma_wait3A_154, %dma_wait3A_155, %dma_wait3A_156] : memref<2x128x64xf32, #tpu.memory_space<vmem>> -> memref<1x128x64xf32, #tpu.memory_space<vmem>>
    %dma_wait3A_158 = tpu.memref_squeeze %dma_wait3A_157 : memref<1x128x64xf32, #tpu.memory_space<vmem>> -> memref<128x64xf32, #tpu.memory_space<vmem>>
    %dma_wait3A_159 = arith.constant 0 : i32
    %dma_wait3A_160 = arith.constant 0 : i32
    %dma_wait3A_161 = arith.constant 0 : i32
    %dma_wait3A_162 = tpu.memref_slice %arg8[%arg0, %dma_wait3A_159, %dma_wait3A_160, %dma_wait3A_161] : memref<2x2x10240x64xf32, #tpu.memory_space<hbm>> -> memref<1x2x10240x64xf32, #tpu.memory_space<hbm>>
    %dma_wait3A_163 = tpu.memref_squeeze %dma_wait3A_162 : memref<1x2x10240x64xf32, #tpu.memory_space<hbm>> -> memref<2x10240x64xf32, #tpu.memory_space<hbm>>
    %dma_wait3A_164 = arith.constant 0 : i32
    %dma_wait3A_165 = arith.constant 0 : i32
    %dma_wait3A_166 = tpu.memref_slice %dma_wait3A_163[%dma_wait3A_153, %dma_wait3A_164, %dma_wait3A_165] : memref<2x10240x64xf32, #tpu.memory_space<hbm>> -> memref<1x10240x64xf32, #tpu.memory_space<hbm>>
    %dma_wait3A_167 = tpu.memref_squeeze %dma_wait3A_166 : memref<1x10240x64xf32, #tpu.memory_space<hbm>> -> memref<10240x64xf32, #tpu.memory_space<hbm>>
    %dma_wait3A_168 = arith.constant 0 : i32
    %dma_wait3A_169 = arith.constant 0 : i32
    %dma_wait3A_170 = tpu.memref_slice %dma_wait3A_167[%dma_wait3A_168, %dma_wait3A_169] : memref<10240x64xf32, #tpu.memory_space<hbm>> -> memref<128x64xf32, #tpu.memory_space<hbm>>
    %dma_wait3A_171 = arith.constant 0 : i32
    %dma_wait3A_172 = arith.constant 0 : i32
    %dma_wait3A_173 = tpu.memref_slice %arg14[%dma_wait3A_154, %dma_wait3A_171, %dma_wait3A_172] : memref<2x128x64xf32, #tpu.memory_space<vmem>> -> memref<1x128x64xf32, #tpu.memory_space<vmem>>
    %dma_wait3A_174 = tpu.memref_squeeze %dma_wait3A_173 : memref<1x128x64xf32, #tpu.memory_space<vmem>> -> memref<128x64xf32, #tpu.memory_space<vmem>>
    %dma_wait3A_175 = arith.constant 0 : i32
    %dma_wait3A_176 = arith.constant 0 : i32
    %dma_wait3A_177 = arith.constant 0 : i32
    %dma_wait3A_178 = tpu.memref_slice %arg8[%arg0, %dma_wait3A_175, %dma_wait3A_176, %dma_wait3A_177] : memref<2x2x10240x64xf32, #tpu.memory_space<hbm>> -> memref<1x2x10240x64xf32, #tpu.memory_space<hbm>>
    %dma_wait3A_179 = tpu.memref_squeeze %dma_wait3A_178 : memref<1x2x10240x64xf32, #tpu.memory_space<hbm>> -> memref<2x10240x64xf32, #tpu.memory_space<hbm>>
    %dma_wait3A_180 = arith.constant 0 : i32
    %dma_wait3A_181 = arith.constant 0 : i32
    %dma_wait3A_182 = tpu.memref_slice %dma_wait3A_179[%dma_wait3A_153, %dma_wait3A_180, %dma_wait3A_181] : memref<2x10240x64xf32, #tpu.memory_space<hbm>> -> memref<1x10240x64xf32, #tpu.memory_space<hbm>>
    %dma_wait3A_183 = tpu.memref_squeeze %dma_wait3A_182 : memref<1x10240x64xf32, #tpu.memory_space<hbm>> -> memref<10240x64xf32, #tpu.memory_space<hbm>>
    %dma_wait3A_184 = arith.constant 0 : i32
    %dma_wait3A_185 = arith.constant 0 : i32
    %dma_wait3A_186 = tpu.memref_slice %dma_wait3A_183[%dma_wait3A_184, %dma_wait3A_185] : memref<10240x64xf32, #tpu.memory_space<hbm>> -> memref<128x64xf32, #tpu.memory_space<hbm>>
    tpu.wait_dma2 semaphore(%arg21 : memref<!tpu.dma_semaphore, #tpu.memory_space<semaphore_mem>>) src(%dma_wait3A_186 : memref<128x64xf32, #tpu.memory_space<hbm>>) dst(%dma_wait3A_174 : memref<128x64xf32, #tpu.memory_space<vmem>>)
    %barrier3A_187 = arith.constant 0 : index
    tpu.barrier barrier_id(%barrier3A_187)
    %scan3A_188 = arith.constant 0 : i32
    %scan3A_189 = arith.constant 0 : i32
    %scan3A_190 = arith.constant 10 : i32
    %scan3A_191 = arith.addi %scan3A_189, %scan3A_190 : i32
    %scan3A_192 = arith.constant 1 : i32
    scf.for %scan3A_194 = %scan3A_189 to %scan3A_191 step %scan3A_192  : i32 {
      %mul3A_195 = arith.constant 32 : i32
      %mul3A_196 = arith.muli %scan3A_194, %mul3A_195 : i32
      %add3A = arith.addi %mul3A_2, %mul3A_196 : i32
      %mul3A_197 = arith.constant 32 : i32
      %mul3A_198 = arith.muli %scan3A_194, %mul3A_197 : i32
      %add3A_199 = arith.addi %mul3A_2, %mul3A_198 : i32
      %run_scoped3A = arith.constant 1 : i32
      "tpu.region"() ({
        %run_scoped3A_200 = tpu.sem_alloc : memref<!tpu.dma_semaphore, #tpu.memory_space<semaphore_mem>>
        %dma_start3A_201 = arith.constant 0 : i32
        %dma_start3A_202 = arith.constant 0 : i32
        %dma_start3A_203 = arith.constant 0 : i32
        %dma_start3A_204 = tpu.memref_slice %arg7[%arg0, %dma_start3A_201, %dma_start3A_202, %dma_start3A_203] : memref<2x2x5120x64xf32, #tpu.memory_space<hbm>> -> memref<1x2x5120x64xf32, #tpu.memory_space<hbm>>
        %dma_start3A_205 = tpu.memref_squeeze %dma_start3A_204 : memref<1x2x5120x64xf32, #tpu.memory_space<hbm>> -> memref<2x5120x64xf32, #tpu.memory_space<hbm>>
        %dma_start3A_206 = arith.constant 0 : i32
        %dma_start3A_207 = arith.constant 0 : i32
        %dma_start3A_208 = tpu.memref_slice %dma_start3A_205[%run_scoped3A, %dma_start3A_206, %dma_start3A_207] : memref<2x5120x64xf32, #tpu.memory_space<hbm>> -> memref<1x5120x64xf32, #tpu.memory_space<hbm>>
        %dma_start3A_209 = tpu.memref_squeeze %dma_start3A_208 : memref<1x5120x64xf32, #tpu.memory_space<hbm>> -> memref<5120x64xf32, #tpu.memory_space<hbm>>
        %dma_start3A_210 = arith.constant 0 : i32
        %dma_start3A_211 = tpu.memref_slice %dma_start3A_209[%add3A_199, %dma_start3A_210] : memref<5120x64xf32, #tpu.memory_space<hbm>> -> memref<32x64xf32, #tpu.memory_space<hbm>>
        %dma_start3A_212 = arith.constant 0 : i32
        %dma_start3A_213 = tpu.memref_slice %arg23[%add3A, %dma_start3A_212] : memref<5121x64xf32, #tpu.memory_space<vmem_shared>> -> memref<32x64xf32, #tpu.memory_space<vmem_shared>>
        tpu.enqueue_dma source(%dma_start3A_213 : memref<32x64xf32, #tpu.memory_space<vmem_shared>>) target(%dma_start3A_211 : memref<32x64xf32, #tpu.memory_space<hbm>>) target_semaphore(%run_scoped3A_200 : memref<!tpu.dma_semaphore, #tpu.memory_space<semaphore_mem>>)
        %dma_wait3A_214 = arith.constant 0 : i32
        %dma_wait3A_215 = arith.constant 0 : i32
        %dma_wait3A_216 = arith.constant 0 : i32
        %dma_wait3A_217 = tpu.memref_slice %arg7[%arg0, %dma_wait3A_214, %dma_wait3A_215, %dma_wait3A_216] : memref<2x2x5120x64xf32, #tpu.memory_space<hbm>> -> memref<1x2x5120x64xf32, #tpu.memory_space<hbm>>
        %dma_wait3A_218 = tpu.memref_squeeze %dma_wait3A_217 : memref<1x2x5120x64xf32, #tpu.memory_space<hbm>> -> memref<2x5120x64xf32, #tpu.memory_space<hbm>>
        %dma_wait3A_219 = arith.constant 0 : i32
        %dma_wait3A_220 = arith.constant 0 : i32
        %dma_wait3A_221 = tpu.memref_slice %dma_wait3A_218[%run_scoped3A, %dma_wait3A_219, %dma_wait3A_220] : memref<2x5120x64xf32, #tpu.memory_space<hbm>> -> memref<1x5120x64xf32, #tpu.memory_space<hbm>>
        %dma_wait3A_222 = tpu.memref_squeeze %dma_wait3A_221 : memref<1x5120x64xf32, #tpu.memory_space<hbm>> -> memref<5120x64xf32, #tpu.memory_space<hbm>>
        %dma_wait3A_223 = arith.constant 0 : i32
        %dma_wait3A_224 = tpu.memref_slice %dma_wait3A_222[%add3A_199, %dma_wait3A_223] : memref<5120x64xf32, #tpu.memory_space<hbm>> -> memref<32x64xf32, #tpu.memory_space<hbm>>
        %dma_wait3A_225 = arith.constant 0 : i32
        %dma_wait3A_226 = tpu.memref_slice %arg23[%add3A, %dma_wait3A_225] : memref<5121x64xf32, #tpu.memory_space<vmem_shared>> -> memref<32x64xf32, #tpu.memory_space<vmem_shared>>
        tpu.wait_dma2 semaphore(%run_scoped3A_200 : memref<!tpu.dma_semaphore, #tpu.memory_space<semaphore_mem>>) src(%dma_wait3A_226 : memref<32x64xf32, #tpu.memory_space<vmem_shared>>) dst(%dma_wait3A_224 : memref<32x64xf32, #tpu.memory_space<hbm>>)
        tpu.yield
      }) : () -> ()
    }
    %scan3A_193 = arith.constant 10 : i32
    return
  }
}

module attributes {stable_mosaic.version = 14 : i64} {
  func.func @_prep_body(%arg0: i32, %arg1: memref<1024x128xf32, #tpu.memory_space<vmem>>, %arg2: memref<1024x128xf32, #tpu.memory_space<vmem>>, %arg3: memref<128x128xf32, #tpu.memory_space<vmem>>, %arg4: memref<128x128xf32, #tpu.memory_space<vmem>>, %arg5: memref<1024x128xf32, #tpu.memory_space<vmem>>, %arg6: memref<1024x128xf32, #tpu.memory_space<vmem>>) attributes {dimension_semantics = [#tpu.dimension_semantics<arbitrary>], iteration_bounds = array<i64: 10>, scalar_prefetch = 0 : i64, scratch_operands = 0 : i64, tpu.core_type = #tpu.core_type<tc>, window_params = [{transform_indices = @transform_0, window_bounds = array<i64: 1024, 128>}, {transform_indices = @transform_1, window_bounds = array<i64: 1024, 128>}, {pipeline_mode = #tpu.pipeline_mode<synchronous>, transform_indices = @transform_2, window_bounds = array<i64: 128, 128>}, {pipeline_mode = #tpu.pipeline_mode<synchronous>, transform_indices = @transform_3, window_bounds = array<i64: 128, 128>}, {transform_indices = @transform_4, window_bounds = array<i64: 1024, 128>}, {transform_indices = @transform_5, window_bounds = array<i64: 1024, 128>}]} {
    %get3A = arith.constant 0 : index
    %get3A_0 = arith.constant 0 : index
    %get3A_1 = vector.load %arg1[%get3A, %get3A_0] : memref<1024x128xf32, #tpu.memory_space<vmem>>, vector<1024x128xf32>
    %get3A_2 = arith.constant 0 : index
    %get3A_3 = arith.constant 0 : index
    %get3A_4 = vector.load %arg3[%get3A_2, %get3A_3] : memref<128x128xf32, #tpu.memory_space<vmem>>, vector<128x128xf32>
    %dot_general3A = arith.constant dense<0.000000e+00> : vector<1024x128xf32>
    %dot_general3A_5 = tpu.matmul %get3A_1, %get3A_4, %dot_general3A {dimension_numbers = #tpu.dot_dimension_numbers<[1], [1], [0], [0], [0, 0, 1, 0], [], []>, transpose_lhs_hint = false} : vector<1024x128xf32>, vector<128x128xf32>, vector<1024x128xf32> -> vector<1024x128xf32>
    %swap3A = arith.constant 0 : index
    %swap3A_6 = arith.constant 0 : index
    %swap3A_7 = vector.load %arg5[%swap3A, %swap3A_6] : memref<1024x128xf32, #tpu.memory_space<vmem>>, vector<1024x128xf32>
    tpu.vector_store %arg5[%swap3A, %swap3A_6], %dot_general3A_5 {strides = array<i32>} : memref<1024x128xf32, #tpu.memory_space<vmem>>, vector<1024x128xf32>,
    %get3A_8 = arith.constant 0 : index
    %get3A_9 = arith.constant 0 : index
    %get3A_10 = vector.load %arg2[%get3A_8, %get3A_9] : memref<1024x128xf32, #tpu.memory_space<vmem>>, vector<1024x128xf32>
    %get3A_11 = arith.constant 0 : index
    %get3A_12 = arith.constant 0 : index
    %get3A_13 = vector.load %arg4[%get3A_11, %get3A_12] : memref<128x128xf32, #tpu.memory_space<vmem>>, vector<128x128xf32>
    %dot_general3A_14 = arith.constant dense<0.000000e+00> : vector<1024x128xf32>
    %dot_general3A_15 = tpu.matmul %get3A_10, %get3A_13, %dot_general3A_14 {dimension_numbers = #tpu.dot_dimension_numbers<[1], [1], [0], [0], [0, 0, 1, 0], [], []>, transpose_lhs_hint = false} : vector<1024x128xf32>, vector<128x128xf32>, vector<1024x128xf32> -> vector<1024x128xf32>
    %swap3A_16 = arith.constant 0 : index
    %swap3A_17 = arith.constant 0 : index
    %swap3A_18 = vector.load %arg6[%swap3A_16, %swap3A_17] : memref<1024x128xf32, #tpu.memory_space<vmem>>, vector<1024x128xf32>
    tpu.vector_store %arg6[%swap3A_16, %swap3A_17], %dot_general3A_15 {strides = array<i32>} : memref<1024x128xf32, #tpu.memory_space<vmem>>, vector<1024x128xf32>,
    return
  }
  func.func @transform_0(%arg0: i32) -> (i32, i32) {
    %c0_i32 = arith.constant 0 : i32
    %c0_i32_0 = arith.constant 0 : i32
    return %arg0, %c0_i32 : i32, i32
  }
  func.func @transform_1(%arg0: i32) -> (i32, i32) {
    %c0_i32 = arith.constant 0 : i32
    %c0_i32_0 = arith.constant 0 : i32
    return %arg0, %c0_i32 : i32, i32
  }
  func.func @transform_2(%arg0: i32) -> (i32, i32) {
    %c0_i32 = arith.constant 0 : i32
    %c0_i32_0 = arith.constant 0 : i32
    %c0_i32_1 = arith.constant 0 : i32
    return %c0_i32, %c0_i32_0 : i32, i32
  }
  func.func @transform_3(%arg0: i32) -> (i32, i32) {
    %c0_i32 = arith.constant 0 : i32
    %c0_i32_0 = arith.constant 0 : i32
    %c0_i32_1 = arith.constant 0 : i32
    return %c0_i32, %c0_i32_0 : i32, i32
  }
  func.func @transform_4(%arg0: i32) -> (i32, i32) {
    %c0_i32 = arith.constant 0 : i32
    %c0_i32_0 = arith.constant 0 : i32
    return %arg0, %c0_i32 : i32, i32
  }
  func.func @transform_5(%arg0: i32) -> (i32, i32) {
    %c0_i32 = arith.constant 0 : i32
    %c0_i32_0 = arith.constant 0 : i32
    return %arg0, %c0_i32 : i32, i32
  }
}

module attributes {stable_mosaic.version = 14 : i64} {
  func.func @_final_body(%arg0: i32, %arg1: memref<1x1x80x64xf32, #tpu.memory_space<vmem>>, %arg2: memref<1x1x80x64xf32, #tpu.memory_space<vmem>>, %arg3: memref<80x128xf32, #tpu.memory_space<vmem>>, %arg4: memref<80x128xf32, #tpu.memory_space<vmem>>, %arg5: memref<80x1xf32, #tpu.memory_space<vmem>>, %arg6: memref<80x128xf32, #tpu.memory_space<vmem>>) attributes {dimension_semantics = [#tpu.dimension_semantics<arbitrary>], iteration_bounds = array<i64: 125>, scalar_prefetch = 0 : i64, scratch_operands = 0 : i64, tpu.core_type = #tpu.core_type<tc>, window_params = [{transform_indices = @transform_0, window_bounds = array<i64: 1, 1, 80, 64>}, {transform_indices = @transform_1, window_bounds = array<i64: 1, 1, 80, 64>}, {transform_indices = @transform_2, window_bounds = array<i64: 80, 128>}, {transform_indices = @transform_3, window_bounds = array<i64: 80, 128>}, {transform_indices = @transform_4, window_bounds = array<i64: 80, 1>}, {transform_indices = @transform_5, window_bounds = array<i64: 80, 128>}]} {
    %get3A = arith.constant 0 : index
    %get3A_0 = arith.constant 0 : index
    %get3A_1 = vector.load %arg5[%get3A, %get3A_0] : memref<80x1xf32, #tpu.memory_space<vmem>>, vector<80x1xf32>
    %get3A_2 = arith.constant 0 : index
    %get3A_3 = arith.constant 0 : index
    %get3A_4 = arith.constant 0 : index
    %get3A_5 = arith.constant 0 : index
    %get3A_6 = vector.load %arg1[%get3A_2, %get3A_3, %get3A_4, %get3A_5] : memref<1x1x80x64xf32, #tpu.memory_space<vmem>>, vector<1x1x80x64xf32>
    %get3A_7 = vector.shape_cast %get3A_6 : vector<1x1x80x64xf32> to vector<80x64xf32>
    %get3A_8 = arith.constant 0 : index
    %get3A_9 = arith.constant 0 : index
    %get3A_10 = arith.constant 0 : index
    %get3A_11 = arith.constant 0 : index
    %get3A_12 = vector.load %arg2[%get3A_8, %get3A_9, %get3A_10, %get3A_11] : memref<1x1x80x64xf32, #tpu.memory_space<vmem>>, vector<1x1x80x64xf32>
    %get3A_13 = vector.shape_cast %get3A_12 : vector<1x1x80x64xf32> to vector<80x64xf32>
    %concatenate3A = tpu.concatenate %get3A_7, %get3A_13 in 1 : vector<80x64xf32>, vector<80x64xf32> -> vector<80x128xf32>
    %mul3A = vector.broadcast %get3A_1 : vector<80x1xf32> to vector<80x128xf32>
    %mul3A_14 = arith.mulf %concatenate3A, %mul3A : vector<80x128xf32>
    %get3A_15 = arith.constant 0 : index
    %get3A_16 = arith.constant 0 : index
    %get3A_17 = vector.load %arg3[%get3A_15, %get3A_16] : memref<80x128xf32, #tpu.memory_space<vmem>>, vector<80x128xf32>
    %mul3A_18 = arith.mulf %get3A_1, %get3A_1 : vector<80x1xf32>
    %mul3A_19 = vector.broadcast %mul3A_18 : vector<80x1xf32> to vector<80x128xf32>
    %mul3A_20 = arith.mulf %get3A_17, %mul3A_19 : vector<80x128xf32>
    %add3A = arith.addf %mul3A_14, %mul3A_20 : vector<80x128xf32>
    %get3A_21 = arith.constant 0 : index
    %get3A_22 = arith.constant 0 : index
    %get3A_23 = vector.load %arg4[%get3A_21, %get3A_22] : memref<80x128xf32, #tpu.memory_space<vmem>>, vector<80x128xf32>
    %add3A_24 = arith.addf %add3A, %get3A_23 : vector<80x128xf32>
    %max3A = arith.constant 0.000000e+00 : f32
    %max3A_25 = vector.broadcast %max3A : f32 to vector<80x128xf32>
    %max3A_26 = arith.maximumf %add3A_24, %max3A_25 : vector<80x128xf32>
    %swap3A = arith.constant 0 : index
    %swap3A_27 = arith.constant 0 : index
    %swap3A_28 = vector.load %arg6[%swap3A, %swap3A_27] : memref<80x128xf32, #tpu.memory_space<vmem>>, vector<80x128xf32>
    tpu.vector_store %arg6[%swap3A, %swap3A_27], %max3A_26 {strides = array<i32>} : memref<80x128xf32, #tpu.memory_space<vmem>>, vector<80x128xf32>,
    return
  }
  func.func @transform_0(%arg0: i32) -> (i32, i32, i32, i32) {
    %mul3A = arith.constant 80 : i32
    %mul3A_0 = arith.muli %arg0, %mul3A : i32
    %jit3A = arith.constant 5120 : i32
    %div3A = arith.divsi %mul3A_0, %jit3A : i32
    %sign3A = arith.constant 0 : i32
    %sign3A_1 = arith.cmpi sgt, %mul3A_0, %sign3A : i32
    %sign3A_2 = arith.extui %sign3A_1 : i1 to i32
    %sign3A_3 = arith.constant 0 : i32
    %sign3A_4 = arith.cmpi slt, %mul3A_0, %sign3A_3 : i32
    %sign3A_5 = arith.extui %sign3A_4 : i1 to i32
    %sign3A_6 = arith.subi %sign3A_2, %sign3A_5 : i32
    %sign3A_7 = arith.constant 0 : i32
    %sign3A_8 = arith.cmpi sgt, %jit3A, %sign3A_7 : i32
    %sign3A_9 = arith.extui %sign3A_8 : i1 to i32
    %sign3A_10 = arith.constant 0 : i32
    %sign3A_11 = arith.cmpi slt, %jit3A, %sign3A_10 : i32
    %sign3A_12 = arith.extui %sign3A_11 : i1 to i32
    %sign3A_13 = arith.subi %sign3A_9, %sign3A_12 : i32
    %ne3A = arith.cmpi ne, %sign3A_6, %sign3A_13 : i32
    %rem3A = arith.remsi %mul3A_0, %jit3A : i32
    %ne3A_14 = arith.constant 0 : i32
    %ne3A_15 = arith.cmpi ne, %rem3A, %ne3A_14 : i32
    %and3A = arith.andi %ne3A, %ne3A_15 : i1
    %sub3A = arith.constant 1 : i32
    %sub3A_16 = arith.subi %div3A, %sub3A : i32
    %select_n3A = arith.select %and3A, %sub3A_16, %div3A : i32
    %mul3A_17 = arith.constant 80 : i32
    %mul3A_18 = arith.muli %arg0, %mul3A_17 : i32
    %jit3A_19 = arith.constant 5120 : i32
    %eq3A = arith.constant 0 : i32
    %eq3A_20 = arith.cmpi eq, %jit3A_19, %eq3A : i32
    %jit3A_21 = arith.constant 1 : i32
    %select_n3A_22 = arith.select %eq3A_20, %jit3A_21, %jit3A_19 : i32
    %rem3A_23 = arith.remsi %mul3A_18, %select_n3A_22 : i32
    %ne3A_24 = arith.constant 0 : i32
    %ne3A_25 = arith.cmpi ne, %rem3A_23, %ne3A_24 : i32
    %lt3A = arith.constant 0 : i32
    %lt3A_26 = arith.cmpi slt, %rem3A_23, %lt3A : i32
    %lt3A_27 = arith.constant 0 : i32
    %lt3A_28 = arith.cmpi slt, %select_n3A_22, %lt3A_27 : i32
    %ne3A_29 = arith.xori %lt3A_26, %lt3A_28 : i1
    %and3A_30 = arith.andi %ne3A_29, %ne3A_25 : i1
    %add3A = arith.addi %rem3A_23, %select_n3A_22 : i32
    %select_n3A_31 = arith.select %and3A_30, %add3A, %rem3A_23 : i32
    %jit3A_32 = arith.constant 80 : i32
    %div3A_33 = arith.divsi %select_n3A_31, %jit3A_32 : i32
    %sign3A_34 = arith.constant 0 : i32
    %sign3A_35 = arith.cmpi sgt, %select_n3A_31, %sign3A_34 : i32
    %sign3A_36 = arith.extui %sign3A_35 : i1 to i32
    %sign3A_37 = arith.constant 0 : i32
    %sign3A_38 = arith.cmpi slt, %select_n3A_31, %sign3A_37 : i32
    %sign3A_39 = arith.extui %sign3A_38 : i1 to i32
    %sign3A_40 = arith.subi %sign3A_36, %sign3A_39 : i32
    %sign3A_41 = arith.constant 0 : i32
    %sign3A_42 = arith.cmpi sgt, %jit3A_32, %sign3A_41 : i32
    %sign3A_43 = arith.extui %sign3A_42 : i1 to i32
    %sign3A_44 = arith.constant 0 : i32
    %sign3A_45 = arith.cmpi slt, %jit3A_32, %sign3A_44 : i32
    %sign3A_46 = arith.extui %sign3A_45 : i1 to i32
    %sign3A_47 = arith.subi %sign3A_43, %sign3A_46 : i32
    %ne3A_48 = arith.cmpi ne, %sign3A_40, %sign3A_47 : i32
    %rem3A_49 = arith.remsi %select_n3A_31, %jit3A_32 : i32
    %ne3A_50 = arith.constant 0 : i32
    %ne3A_51 = arith.cmpi ne, %rem3A_49, %ne3A_50 : i32
    %and3A_52 = arith.andi %ne3A_48, %ne3A_51 : i1
    %sub3A_53 = arith.constant 1 : i32
    %sub3A_54 = arith.subi %div3A_33, %sub3A_53 : i32
    %select_n3A_55 = arith.select %and3A_52, %sub3A_54, %div3A_33 : i32
    %c0_i32 = arith.constant 0 : i32
    %c0_i32_56 = arith.constant 0 : i32
    %c0_i32_57 = arith.constant 0 : i32
    return %select_n3A, %c0_i32, %select_n3A_55, %c0_i32_56 : i32, i32, i32, i32
  }
  func.func @transform_1(%arg0: i32) -> (i32, i32, i32, i32) {
    %mul3A = arith.constant 80 : i32
    %mul3A_0 = arith.muli %arg0, %mul3A : i32
    %jit3A = arith.constant 5120 : i32
    %div3A = arith.divsi %mul3A_0, %jit3A : i32
    %sign3A = arith.constant 0 : i32
    %sign3A_1 = arith.cmpi sgt, %mul3A_0, %sign3A : i32
    %sign3A_2 = arith.extui %sign3A_1 : i1 to i32
    %sign3A_3 = arith.constant 0 : i32
    %sign3A_4 = arith.cmpi slt, %mul3A_0, %sign3A_3 : i32
    %sign3A_5 = arith.extui %sign3A_4 : i1 to i32
    %sign3A_6 = arith.subi %sign3A_2, %sign3A_5 : i32
    %sign3A_7 = arith.constant 0 : i32
    %sign3A_8 = arith.cmpi sgt, %jit3A, %sign3A_7 : i32
    %sign3A_9 = arith.extui %sign3A_8 : i1 to i32
    %sign3A_10 = arith.constant 0 : i32
    %sign3A_11 = arith.cmpi slt, %jit3A, %sign3A_10 : i32
    %sign3A_12 = arith.extui %sign3A_11 : i1 to i32
    %sign3A_13 = arith.subi %sign3A_9, %sign3A_12 : i32
    %ne3A = arith.cmpi ne, %sign3A_6, %sign3A_13 : i32
    %rem3A = arith.remsi %mul3A_0, %jit3A : i32
    %ne3A_14 = arith.constant 0 : i32
    %ne3A_15 = arith.cmpi ne, %rem3A, %ne3A_14 : i32
    %and3A = arith.andi %ne3A, %ne3A_15 : i1
    %sub3A = arith.constant 1 : i32
    %sub3A_16 = arith.subi %div3A, %sub3A : i32
    %select_n3A = arith.select %and3A, %sub3A_16, %div3A : i32
    %mul3A_17 = arith.constant 80 : i32
    %mul3A_18 = arith.muli %arg0, %mul3A_17 : i32
    %jit3A_19 = arith.constant 5120 : i32
    %eq3A = arith.constant 0 : i32
    %eq3A_20 = arith.cmpi eq, %jit3A_19, %eq3A : i32
    %jit3A_21 = arith.constant 1 : i32
    %select_n3A_22 = arith.select %eq3A_20, %jit3A_21, %jit3A_19 : i32
    %rem3A_23 = arith.remsi %mul3A_18, %select_n3A_22 : i32
    %ne3A_24 = arith.constant 0 : i32
    %ne3A_25 = arith.cmpi ne, %rem3A_23, %ne3A_24 : i32
    %lt3A = arith.constant 0 : i32
    %lt3A_26 = arith.cmpi slt, %rem3A_23, %lt3A : i32
    %lt3A_27 = arith.constant 0 : i32
    %lt3A_28 = arith.cmpi slt, %select_n3A_22, %lt3A_27 : i32
    %ne3A_29 = arith.xori %lt3A_26, %lt3A_28 : i1
    %and3A_30 = arith.andi %ne3A_29, %ne3A_25 : i1
    %add3A = arith.addi %rem3A_23, %select_n3A_22 : i32
    %select_n3A_31 = arith.select %and3A_30, %add3A, %rem3A_23 : i32
    %jit3A_32 = arith.constant 80 : i32
    %div3A_33 = arith.divsi %select_n3A_31, %jit3A_32 : i32
    %sign3A_34 = arith.constant 0 : i32
    %sign3A_35 = arith.cmpi sgt, %select_n3A_31, %sign3A_34 : i32
    %sign3A_36 = arith.extui %sign3A_35 : i1 to i32
    %sign3A_37 = arith.constant 0 : i32
    %sign3A_38 = arith.cmpi slt, %select_n3A_31, %sign3A_37 : i32
    %sign3A_39 = arith.extui %sign3A_38 : i1 to i32
    %sign3A_40 = arith.subi %sign3A_36, %sign3A_39 : i32
    %sign3A_41 = arith.constant 0 : i32
    %sign3A_42 = arith.cmpi sgt, %jit3A_32, %sign3A_41 : i32
    %sign3A_43 = arith.extui %sign3A_42 : i1 to i32
    %sign3A_44 = arith.constant 0 : i32
    %sign3A_45 = arith.cmpi slt, %jit3A_32, %sign3A_44 : i32
    %sign3A_46 = arith.extui %sign3A_45 : i1 to i32
    %sign3A_47 = arith.subi %sign3A_43, %sign3A_46 : i32
    %ne3A_48 = arith.cmpi ne, %sign3A_40, %sign3A_47 : i32
    %rem3A_49 = arith.remsi %select_n3A_31, %jit3A_32 : i32
    %ne3A_50 = arith.constant 0 : i32
    %ne3A_51 = arith.cmpi ne, %rem3A_49, %ne3A_50 : i32
    %and3A_52 = arith.andi %ne3A_48, %ne3A_51 : i1
    %sub3A_53 = arith.constant 1 : i32
    %sub3A_54 = arith.subi %div3A_33, %sub3A_53 : i32
    %select_n3A_55 = arith.select %and3A_52, %sub3A_54, %div3A_33 : i32
    %c1_i32 = arith.constant 1 : i32
    %c0_i32 = arith.constant 0 : i32
    %c0_i32_56 = arith.constant 0 : i32
    return %select_n3A, %c1_i32, %select_n3A_55, %c0_i32 : i32, i32, i32, i32
  }
  func.func @transform_2(%arg0: i32) -> (i32, i32) {
    %c0_i32 = arith.constant 0 : i32
    %c0_i32_0 = arith.constant 0 : i32
    return %arg0, %c0_i32 : i32, i32
  }
  func.func @transform_3(%arg0: i32) -> (i32, i32) {
    %c0_i32 = arith.constant 0 : i32
    %c0_i32_0 = arith.constant 0 : i32
    return %arg0, %c0_i32 : i32, i32
  }
  func.func @transform_4(%arg0: i32) -> (i32, i32) {
    %c0_i32 = arith.constant 0 : i32
    %c0_i32_0 = arith.constant 0 : i32
    return %arg0, %c0_i32 : i32, i32
  }
  func.func @transform_5(%arg0: i32) -> (i32, i32) {
    %c0_i32 = arith.constant 0 : i32
    %c0_i32_0 = arith.constant 0 : i32
    return %arg0, %c0_i32 : i32, i32
  }
}

</mosaic_0001>

<sc_bundles>
// kernel: kernel.5.cloned.1.call-start
scs
__scs_entry_jumppad:
0x0: {  	(pc) =	sbr.rel $0x88, $3  }
0x1: {  	(tag) =	ssettag $0x0;
	lr =	simm.s32 $0x1  }
0x2: {  	[smem:$0x3F9C] =	sst lr;
	_ =	strace $0xD0000000  }
0x3: {  	_ = 	snop  }
0x4: {  	_ = 	snop  }
0x5: {  	_ = 	snop  }
0x6: {  	_ = 	snop  }
0x7: {  	_ = 	snop  }
__scs_overlays_trampoline_lowered:
0x8: {  	[smem:$0x3FAB] =	sst s0  }
0x9: {  	[smem:$0x3FAC] =	sst s1  }
0xa: {  	[smem:$0x3FAD] =	sst s2  }
0xb: {  	[smem:$0x3FAE] =	sst s3  }
0xc: {  	[smem:$0x3FAF] =	sst s4  }
0xd: {  	[smem:$0x3FB0] =	sst s5  }
0xe: {  	[smem:$0x3FB1] =	sst s6  }
0xf: {  	[smem:$0x3FB2] =	sst s7  }
0x10: {  	[smem:$0x3FB3] =	sst s8  }
0x11: {  	[smem:$0x3FB4] =	sst s9;
	s0 =	simm.s32 @!p0 $0x0  }
0x12: {  	s1 =	sld [smem:$0x3F9A];
	s0 =	simm.s32 @p0 $0x1  }
0x13: {  	[smem:$0x3FB5] =	sst s0;
	s0 =	simm.s32 @!p1 $0x0  }
0x14: {  	s2 =	sld [smem:$0x3F99];
	s0 =	simm.s32 @p1 $0x1  }
0x15: {  	[smem:$0x3FB6] =	sst s0;
	s0 =	simm.s32 @!p2 $0x0  }
0x16: {  	s3 =	sld [smem:$0x3FDB];
	s0 =	simm.s32 @p2 $0x1  }
0x17: {  	s4 =	simm.s32 $0x1BF5;
	[smem:$0x3FB8] =	sst s0  }
0x18: {  	s0 =	sld [smem:$0x3F9B];
	_ =	swait.ge [sflag:s4], $0x0  }
0x19: {  	s7 =	sld [smem:$0x3F9C]  }
0x1a: {  	s8 =	sadd.s32 $0xFFFFE003, lr  }
0x1b: {  	s9 =	sadd.s32 $0xFFFFFEF7, lr;
	s5 =	simm.s32 $0xFFFFFFFF;
	p2 =	slt.u32 s8, $0xFFFFF086  }
0x1c: {  	p1 =	slt.u32 s9, $0xF7A;
	s5 =	simm.s32 @!p2 $0x0  }
0x1d: {  	s5 =	simm.s32 @p1 $0x1;
	p0 =	seq.s32 s7, s2  }
0x1e: {  	s7 =	smul.u32 @!p0 $0xF7A, s2;
	p2 =	seq.s32 @!p0 s5, $0x0  }
0x1f: {  	s9 =	smul.u32 $0xF7A, s1;
	s8 =	simm.s32 @!p0 $0x1BF5;
	p2 =	por !p2, p0  }
0x20: {  	[sflag:s8] =	ssyncset.s32 @!p0 $0xFFFFF086;
	s6 =	sadd.s32 @!p0 s3, s7;
	s7 =	simm.s32 @!p0 $0x108  }
0x21: {  	s3 =	sadd.s32 s3, s9;
	s6 =	sadd.s32 @!p0 $0x88, s6;
	s7 =	simm.s32 @p2 $0x1082  }
0x22: {  	[simem:s7], [sflag:s8] =	dma.local @!p0 [hbm:s6], $0xF7A  }
0x23: {  	s9 =	sor.u32 $0xD0000000, s2;
	s6 =	simm.s32 $0x108;
	_ =	swait.ge @!p0 [sflag:s8], $0x0  }
0x24: {  	s3 =	sadd.s32 $0x88, s3;
	s6 =	simm.s32 @!p1 $0x1082;
	[sflag:s4] =	ssyncset.s32 $0xFFFFF086  }
0x25: {  	[simem:s6], [sflag:s4] =	dma.local [hbm:s3], $0xF7A  }
0x26: {  	[smem:$0x3F9C] =	sst s1;
	(tag) =	ssettag s2;
	_ =	strace s9  }
0x27: {  	s1 =	sld [smem:$0x3FAC]  }
0x28: {  	s2 =	sld [smem:$0x3FAD]  }
0x29: {  	s4 =	sld [smem:$0x3FAF]  }
0x2a: {  	p0 =	seq.s32 s5, $0x0;
	s5 =	sld [smem:$0x3FB0]  }
0x2b: {  	s6 =	sld [smem:$0x3FB1]  }
0x2c: {  	s7 =	sld [smem:$0x3FB2]  }
0x2d: {  	s3 =	simm.s32 $0x108;
	s8 =	sld [smem:$0x3FB3]  }
0x2e: {  	s3 =	simm.s32 @!p0 $0x1082;
	s9 =	sld [smem:$0x3FB4]  }
0x2f: {  	lr =	sadd.s32 s0, s3;
	s0 =	sld [smem:$0x3FAB]  }
0x30: {  	s3 =	sld [smem:$0x3FAE]  }
0x31: {  	[smem:$0x3FB7] =	sst s10  }
0x32: {  	s10 =	sld [smem:$0x3FB5];
	_ =	sdelay $0x3  }
0x33: {  	p0 =	seq.s32 s10, $0x1;
	s10 =	sld [smem:$0x3FB7];
	_ =	sdelay $0x3  }
0x34: {  	[smem:$0x3FB7] =	sst s10  }
0x35: {  	s10 =	sld [smem:$0x3FB6];
	_ =	sdelay $0x3  }
0x36: {  	p1 =	seq.s32 s10, $0x1;
	s10 =	sld [smem:$0x3FB7];
	_ =	sdelay $0x3  }
0x37: {  	[smem:$0x3FB7] =	sst s10  }
0x38: {  	s10 =	sld [smem:$0x3FB8]  }
0x39: {  	_ = 	snop;
	(pc) =	sbr.ind lr, $3  }
0x3a: {  	_ = 	snop  }
0x3b: {  	_ = 	snop  }
0x3c: {  	p2 =	seq.s32 s10, $0x1;
	s10 =	sld [smem:$0x3FB7]  }
0x3d: {  	_ =	shalt  }
0x3e: {  	_ =	shalt  }
0x3f: {  	_ =	shalt  }
0x40: {  	_ =	shalt  }
0x41: {  	_ =	shalt  }
0x42: {  	_ =	shalt  }
0x43: {  	_ =	shalt  }
0x44: {  	_ =	shalt  }
0x45: {  	_ =	shalt  }
0x46: {  	_ =	shalt  }
0x47: {  	_ =	shalt  }
0x48: {  	_ =	shalt  }
0x49: {  	_ =	shalt  }
0x4a: {  	_ =	shalt  }
0x4b: {  	_ =	shalt  }
0x4c: {  	_ =	shalt  }
0x4d: {  	_ =	shalt  }
0x4e: {  	_ =	shalt  }
0x4f: {  	_ =	shalt  }
0x50: {  	_ =	shalt  }
0x51: {  	_ =	shalt  }
0x52: {  	_ =	shalt  }
0x53: {  	_ =	shalt  }
0x54: {  	_ =	shalt  }
0x55: {  	_ =	shalt  }
0x56: {  	_ =	shalt  }
0x57: {  	_ =	shalt  }
0x58: {  	_ =	shalt  }
0x59: {  	_ =	shalt  }
0x5a: {  	_ =	shalt  }
0x5b: {  	_ =	shalt  }
0x5c: {  	_ =	shalt  }
0x5d: {  	_ =	shalt  }
0x5e: {  	_ =	shalt  }
0x5f: {  	_ =	shalt  }
0x60: {  	_ =	shalt  }
0x61: {  	_ =	shalt  }
0x62: {  	_ =	shalt  }
0x63: {  	_ =	shalt  }
0x64: {  	_ =	shalt  }
0x65: {  	_ =	shalt  }
0x66: {  	_ =	shalt  }
0x67: {  	_ =	shalt  }
0x68: {  	_ =	shalt  }
0x69: {  	_ =	shalt  }
0x6a: {  	_ =	shalt  }
0x6b: {  	_ =	shalt  }
0x6c: {  	_ =	shalt  }
0x6d: {  	_ =	shalt  }
0x6e: {  	_ =	shalt  }
0x6f: {  	_ =	shalt  }
0x70: {  	_ =	shalt  }
0x71: {  	_ =	shalt  }
0x72: {  	_ =	shalt  }
0x73: {  	_ =	shalt  }
0x74: {  	_ =	shalt  }
0x75: {  	_ =	shalt  }
0x76: {  	_ =	shalt  }
0x77: {  	_ =	shalt  }
0x78: {  	_ =	shalt  }
0x79: {  	_ =	shalt  }
0x7a: {  	_ =	shalt  }
0x7b: {  	_ =	shalt  }
0x7c: {  	_ =	shalt  }
0x7d: {  	_ =	shalt  }
0x7e: {  	_ =	shalt  }
0x7f: {  	_ =	shalt  }
0x80: {  	_ =	shalt  }
0x81: {  	_ =	shalt  }
0x82: {  	_ =	shalt  }
0x83: {  	_ =	shalt  }
0x84: {  	_ =	shalt  }
0x85: {  	_ =	shalt  }
0x86: {  	_ =	shalt  }
0x87: {  	_ =	shalt  }
.Lfunc_end0:
.L_simem_size_0:
called_computation_lowered:
.L_overlay_start_0:
0x88: {  	s2 =	sld [smem:$0x3FD9]  }
0x89: {  	s3 =	sld [smem:$0x3FFE];
	_ =	sdelay $0x1  }
0x8a: {  	s1 =	srdreg.scid  }
0x8b: {  	s0 =	sand.u32 $0x1, s1  }
0x8c: {  	s17 =	sshll.u32 s0, $0xA;
	s2 =	sadd.s32 s3, s2  }
0x8d: {  	s2 =	sadd.s32 s2, s17  }
0x8e: {  	[smem:$0x3FC3] =	sst s2  }
0x8f: {  	_ = 	snop  }
0x90: {  	s2 =	sld [smem:$0x3FD0];
	(tm) =	ssettm $0x1  }
0x91: {  	s18 =	sld [smem:$0x3FFB];
	_ =	sdelay $0x3  }
0x92: {  	_ =	strace s18  }
0x93: {  	s3 =	sld [smem:$0x3FFC];
	_ =	sdelay $0x3  }
0x94: {  	_ =	strace s3  }
0x95: {  	s3 =	sld [smem:$0x3FFD];
	_ =	sdelay $0x3  }
0x96: {  	_ =	strace s3  }
0x97: {  	_ =	strace $0x8FFFFFFF  }
0x98: {  	s19 =	sld [smem:$0x3FDB];
	_ =	sdelay $0x1  }
0x99: {  	s4 =	simm.s32 $_scs_section_size  }
0x9a: {  	s5 =	simm.s32 $_size__tile_overlayer_lowered;
	s6 =	simm.s32 $_tile_overlayer_lowered  }
0x9b: {  	s22 =	simm.s32 $0x1BFF;
	s21 =	sshll.u32 s6, $0x1;
	s3 =	sadd.s32 s4, s19  }
0x9c: {  	s7 =	simm.s32 $0x0;
	s20 =	sshll.u32 s5, $0x1;
	s5 =	sadd.s32 s21, s3  }
0x9d: {  	[timem:s7], [sflag:s22] =	dma.local [hbm:s5], s20  }
0x9e: {  	_ =	swait.ge [sflag:s22], s20  }
0x9f: {  	s4 =	ssub.s32 $0x0, s20;
	[sflag:s22] =	ssyncset.done $0x0  }
0xa0: {  	[sflag:s22] =	ssyncadd.s32 s4;
	_ =	sdelay $0x1  }
0xa1: {  	s23 =	simm.s32 $0x1B8B  }
0xa2: {  	_ =	swait.ge [sflag:s23], $0x1  }
0xa3: {  	[sflag:s23] =	ssyncset.done $0x0  }
0xa4: {  	s25 =	simm.s32 $0x1B8E;
	s24 =	sld [smem:$0x3FFE];
	[sflag:s23] =	ssyncadd.s32 $0xFFFFFFFF  }
0xa5: {  	s26 =	simm.s32 $execute0_lowered;
	[smem:$0x3FD2] =	sst s25  }
0xa6: {  	s5 =	sshll.u32 s26, $0x1;
	_ =	strace $0x80000046;
	[dreg:$0x1] =	wrdreg $0xFFFFFFFF  }
0xa7: {  	s28 =	simm.s32 $_size_execute0_lowered;
	s3 =	sadd.s32 s3, s5;
	[dreg:$0x0] =	wrdreg $0x0  }
0xa8: {  	s5 =	sshll.u32 s28, $0x1;
	[dreg:$0x2] =	wrdreg s3  }
0xa9: {  	[dreg:$0x3] =	wrdreg s5  }
0xaa: {  	[dreg:$0x4] =	wrdreg $0xC0  }
0xab: {  	_ =	task [dreg:s7], $0x5FFFF  }
0xac: {  	[dreg:$0x1] =	wrdreg $0xFFFFFFFF  }
0xad: {  	[dreg:$0x0] =	wrdreg $0x60  }
0xae: {  	[dreg:$0x2] =	wrdreg s2  }
0xaf: {  	[dreg:$0x3] =	wrdreg s24  }
0xb0: {  	[dreg:$0x4] =	wrdreg $0x106000  }
0xb1: {  	[dreg:$0x5] =	wrdreg $0x108800  }
0xb2: {  	[dreg:$0x6] =	wrdreg $0x9  }
0xb3: {  	_ =	task.clear_ibuf [dreg:s7], $0x7FFFF;
	_ =	strace $0x90000046  }
0xb4: {  	s29 =	simm.s32 $0x9;
	_ =	strace $0x80000048  }
0xb5: {  	_ =	swait.ge [sflag:s29], $0x1  }
0xb6: {  	[sflag:s29] =	ssyncadd.s32 $0xFFFFFFFF  }
0xb7: {  	_ =	strace $0x90000048  }
0xb8: {  	_ =	sfence  }
0xb9: {  	s30 =	sld [smem:$0x0];
	_ =	sdelay $0x2  }
0xba: {  	s31 =	sshll.u32 s1, $0xD;
	s1 =	sshrl.u32 s1, $0x2  }
0xbb: {  	s3 =	sand.u32 $0x4000, s31;
	s1 =	sadd.s32 s1, s30  }
0xbc: {  	s0 =	sor.u32 s3, s0;
	s1 =	sshll.u32 s1, $0x11  }
0xbd: {  	s0 =	sor.u32 s1, s0  }
0xbe: {  	s0 =	sadd.s32 $0x8F2B, s0  }
0xbf: {  	[sflag:s0] =	ssyncadd.remote.s32 $0x1  }
0xc0: {  	_ =	sfence.sel $0xFFFF  }
0xc1: {  	[dreg:$0x0] =	wrdreg $0xFFFFFFFF;
	(pc) =	sbr.abs _section_cstart, $3  }
0xc2: {  	[dreg:$0x1] =	wrdreg $0xFFFFFFFF  }
0xc3: {  	_ =	task.clear_ibuf [dreg:s7], $0x2FFFF;
	_ =	strace $0x9FFFFFFF  }
0xc4: {  	(tm) =	ssettm $0x7FFFFFFF  }
0xc5: {  	_ =	shalt  }
tec
execute0_lowered:
.L_overlay_start_1:
0x0: {  	(tag) =	ssettag $0x1  }
0x1: {  	s0 =	rddreg [dreg:$0x0]  }
0x2: {  	s1 =	rddreg [dreg:$0x1]  }
0x3: {  	s2 =	rddreg [dreg:$0x2]  }
0x4: {  	s3 =	rddreg [dreg:$0x3];
	s16 =	stileid.u32  }
0x5: {  	s5 =	srdreg.scid;
	s6 =	smul.u32 $0xA00, s16  }
0x6: {  	s4 =	simm.s32 $0x0;
	s8 =	sand.u32 $0x1, s5;
	s15 =	smul.u32 $0x14000, s16  }
0x7: {  	[smem:$0x7FF] =	sst s4;
	s5 =	sadd.s32 $0xB600, s1;
	s9 =	smul.u32 $0x14000, s8  }
0x8: {  	s7 =	sadd.s32 $0x33C00, s1;
	_ =	strace $0x80000047;
	s11 =	smul.u32 $0x28000, s8  }
0x9: {  	[dreg:$0x5] =	wrdreg s7;
	s7 =	smul.u32 $0x280, s16;
	s23 =	ssub.s32 $0x2, s8  }
0xa: {  	s10 =	sadd.s32 s6, s1;
	s14 =	sshrl.u32 s23, $0x1;
	s29 =	sshrl.u32 s15, $0x2  }
0xb: {  	s0 =	sadd.s32 s0, s6;
	s12 =	sadd.s32 s9, s1;
	s11 =	sadd.s32 s11, s1  }
0xc: {  	s13 =	sshrl.u32 s7, $0x3;
	[dreg:$0x8] =	wrdreg s0;
	s31 =	sadd.s32 $0x1600, s10  }
0xd: {  	s24 =	ssub.s32 s23, s14;
	s15 =	sadd.s32 s29, s3;
	[dreg:$0x9] =	wrdreg s31  }
0xe: {  	s0 =	smul.u32 $0x5000, s16;
	s10 =	sadd.s32 $0x83E00, s12;
	[dreg:$0x7] =	wrdreg s15  }
0xf: {  	s1 =	sadd.s32 s13, s1;
	s12 =	smax.u32 s24, $0x1;
	[dreg:$0xb] =	wrdreg s10  }
0x10: {  	s14 =	sadd.s32 $0x33E00, s11;
	s26 =	sadd.s32 $0x33600, s1;
	[dreg:$0xc] =	wrdreg s12  }
0x11: {  	s1 =	sadd.s32 $0xABE00, s1;
	s11 =	sor.u32 $0x800, s0;
	[dreg:$0x6] =	wrdreg s26  }
0x12: {  	s25 =	sshll.u32 s16, $0x6;
	[dreg:$0xa] =	wrdreg s1;
	s13 =	sshrl.u32 s11, $0x3  }
0x13: {  	s16 =	sadd.s32 $0x1000, s0;
	s6 =	sadd.s32 s11, s3;
	[dreg:$0xd] =	wrdreg s13  }
0x14: {  	s17 =	sshrl.u32 s16, $0x3;
	[dreg:$0xe] =	wrdreg s6  }
0x15: {  	s18 =	sadd.s32 $0x1800, s0;
	s10 =	sadd.s32 s16, s3;
	[dreg:$0xf] =	wrdreg s17  }
0x16: {  	s20 =	sadd.s32 $0x2000, s0;
	s19 =	sshrl.u32 s18, $0x3;
	[dreg:$0x10] =	wrdreg s10  }
0x17: {  	s21 =	sadd.s32 $0x2800, s0;
	s22 =	sshrl.u32 s20, $0x3;
	[dreg:$0x11] =	wrdreg s19  }
0x18: {  	s9 =	sor.u32 $0x1C03, s25;
	s23 =	sshrl.u32 s21, $0x3;
	[dreg:$0x13] =	wrdreg s22  }
0x19: {  	s25 =	sadd.s32 $0x3000, s0;
	s24 =	sadd.s32 s21, s3;
	[dreg:$0x15] =	wrdreg s23  }
0x1a: {  	s29 =	sshrl.u32 s25, $0x3;
	[dreg:$0x16] =	wrdreg s24  }
0x1b: {  	s12 =	sadd.s32 $0x4000, s0;
	s11 =	sshrl.u32 s0, $0x3;
	[dreg:$0x17] =	wrdreg s29  }
0x1c: {  	s16 =	sshrl.u32 s12, $0x3;
	[dreg:$0x1b] =	wrdreg s11  }
0x1d: {  	s21 =	sadd.s32 $0x1000, s15;
	[dreg:$0x1d] =	wrdreg s16  }
0x1e: {  	s26 =	sadd.s32 $0x3800, s0;
	s6 =	sadd.s32 s18, s3;
	[smem:$0x7F5] =	sst s21  }
0x1f: {  	s31 =	sshrl.u32 s26, $0x3;
	[dreg:$0x12] =	wrdreg s6  }
0x20: {  	s10 =	sadd.s32 s26, s3;
	[dreg:$0x19] =	wrdreg s31  }
0x21: {  	s13 =	sadd.s32 s0, s3;
	[dreg:$0x1a] =	wrdreg s10  }
0x22: {  	s22 =	sadd.s32 $0x1800, s15;
	[dreg:$0x1c] =	wrdreg s13  }
0x23: {  	s23 =	sadd.s32 $0x2000, s15;
	[smem:$0x7F6] =	sst s22  }
0x24: {  	s28 =	simm.s32 $0xE100;
	s24 =	sadd.s32 $0x2800, s15;
	[smem:$0x7F7] =	sst s23  }
0x25: {  	s30 =	simm.s32 $0x10100;
	s26 =	sadd.s32 $0x3800, s15;
	[smem:$0x7F8] =	sst s24  }
0x26: {  	p0 =	sne.s32 s8, $0x0;
	s29 =	sadd.s32 $0x4000, s15;
	[smem:$0x7FA] =	sst s26  }
0x27: {  	s0 =	sadd.s32 $0x4800, s0;
	s6 =	sadd.s32 s20, s3;
	[smem:$0x7FB] =	sst s29  }
0x28: {  	s1 =	smul.u32 $0x1400, s8;
	s17 =	sshrl.u32 s0, $0x3;
	[dreg:$0x14] =	wrdreg s6  }
0x29: {  	s8 =	simm.s32 $0x0;
	s0 =	sadd.s32 s0, s3;
	[dreg:$0x1f] =	wrdreg s17  }
0x2a: {  	s19 =	simm.s32 $0xA080;
	s20 =	sadd.s32 $0x800, s15;
	[smem:$0x7F3] =	sst s0  }
0x2b: {  	s21 =	simm.s32 $0xF100;
	s31 =	sadd.s32 $0x4800, s15;
	[smem:$0x7F4] =	sst s20  }
0x2c: {  	s13 =	sadd.s32 s7, s2;
	s18 =	sadd.s32 $0x1400, s1;
	[smem:$0x7FC] =	sst s31  }
0x2d: {  	s23 =	simm.s32 $0x80;
	s6 =	sadd.s32 s25, s3;
	[smem:$0x7FD] =	sst s13  }
0x2e: {  	s25 =	sadd.s32 $0x3000, s15;
	s17 =	simm.s32 $0x3;
	[dreg:$0x18] =	wrdreg s6  }
0x2f: {  	s0 =	simm.s32 $0xF900;
	s6 =	sadd.s32 s12, s3;
	[smem:$0x7F9] =	sst s25  }
0x30: {  	v2 =	vimm.f32 $0.0e+00;
	v0 =	vmov s1;
	v1 =	vmov s18;
	s25 =	simm.s32 $0x1;
	[dreg:$0x1e] =	wrdreg s6;
	s6 =	simm.s32 $0xA000  }
.LBB2_1:
0x31: {  	[smem:$0x7F2] =	sst s8  }
0x32: {  	s1 =	sshrl.u32 s13, $0x3;
	s29 =	rddreg [dreg:$0x6]  }
0x33: {  	[spmem:s1], [sflag:s9] =	dma.local [hbm:s29], $0x50  }
0x34: {  	_ =	swait.ge [sflag:s17], $0x50  }
0x35: {  	[sflag:s17] =	ssyncset.done $0x0  }
0x36: {  	s31 =	rddreg [dreg:$0x5];
	[sflag:s17] =	ssyncadd.s32 $0xFFFFFFB0  }
0x37: {  	[tilespmem:s19], [sflag:$0x3] =	stream.linear.gather [hbm4b:s31+s4], $0x80, $0x38;
	[tilespmem:$0x15888] =	vst v63  }
0x38: {  	_ =	swait.ge [sflag:s17], $0x80  }
0x39: {  	[sflag:s17] =	ssyncset.done $0x0  }
0x3a: {  	s8 =	simm.s32 $0x100;
	s1 =	simm.s32 $0x0;
	[sflag:s17] =	ssyncadd.s32 $0xFFFFFF80  }
.LBB2_2:
0x3b: {  	p1 =	sne.s32 s8, $0x1F00;
	[tilespmem:s1+$0xF130] =	vst v2;
	s10 =	smov.u32 s8;
	s8 =	sadd.s32 $0x100, s8  }
.Ltmp0:
0x3c: {  	[tilespmem:s1+$0xF120] =	vst v2;
	(pc) =	sbr.rel @p1 .LBB2_2-.Ltmp0, $3  }
0x3d: {  	[tilespmem:s1+$0xF100] =	vst v2  }
0x3e: {  	[tilespmem:s1+$0xF110] =	vst v2;
	_ =	sdelay $0x1  }
0x3f: {  	s1 =	sshra.s32 s10, $0x2  }
0x40: {  	[tilespmem:s1+$0xF130] =	vst v2  }
0x41: {  	[tilespmem:s1+$0xF120] =	vst v2  }
0x42: {  	[tilespmem:s1+$0xF100] =	vst v2  }
0x43: {  	[tilespmem:s1+$0xF110] =	vst v2  }
0x44: {  	[spmem:s15] =	stream.linear.scatter [tilespmem:s21], [sflag:$0x3], $0x800, $0x38;
	[tilespmem:$0x15888] =	vst v63  }
0x45: {  	_ =	swait.ge [sflag:s17], $0x800  }
0x46: {  	s29 =	sld [smem:$0x7F4]  }
0x47: {  	[sflag:s17] =	ssyncset.done $0x0  }
0x48: {  	[sflag:s17] =	ssyncadd.s32 $0xFFFFF800  }
0x49: {  	[spmem:s29] =	stream.linear.scatter [tilespmem:s21], [sflag:$0x3], $0x800, $0x38;
	[tilespmem:$0x15888] =	vst v63  }
0x4a: {  	_ =	swait.ge [sflag:s17], $0x800  }
0x4b: {  	s31 =	sld [smem:$0x7F5]  }
0x4c: {  	[sflag:s17] =	ssyncset.done $0x0  }
0x4d: {  	[sflag:s17] =	ssyncadd.s32 $0xFFFFF800  }
0x4e: {  	[spmem:s31] =	stream.linear.scatter [tilespmem:s21], [sflag:$0x3], $0x800, $0x38;
	[tilespmem:$0x15888] =	vst v63  }
0x4f: {  	_ =	swait.ge [sflag:s17], $0x800  }
0x50: {  	s8 =	sld [smem:$0x7F6]  }
0x51: {  	[sflag:s17] =	ssyncset.done $0x0  }
0x52: {  	[sflag:s17] =	ssyncadd.s32 $0xFFFFF800  }
0x53: {  	[spmem:s8] =	stream.linear.scatter [tilespmem:s21], [sflag:$0x3], $0x800, $0x38;
	[tilespmem:$0x15888] =	vst v63  }
0x54: {  	_ =	swait.ge [sflag:s17], $0x800  }
0x55: {  	s10 =	sld [smem:$0x7F7]  }
0x56: {  	[sflag:s17] =	ssyncset.done $0x0  }
0x57: {  	[sflag:s17] =	ssyncadd.s32 $0xFFFFF800  }
0x58: {  	[spmem:s10] =	stream.linear.scatter [tilespmem:s21], [sflag:$0x3], $0x800, $0x38;
	[tilespmem:$0x15888] =	vst v63  }
0x59: {  	_ =	swait.ge [sflag:s17], $0x800  }
0x5a: {  	s11 =	sld [smem:$0x7F8]  }
0x5b: {  	[sflag:s17] =	ssyncset.done $0x0  }
0x5c: {  	[sflag:s17] =	ssyncadd.s32 $0xFFFFF800  }
0x5d: {  	[spmem:s11] =	stream.linear.scatter [tilespmem:s21], [sflag:$0x3], $0x800, $0x38;
	[tilespmem:$0x15888] =	vst v63  }
0x5e: {  	_ =	swait.ge [sflag:s17], $0x800  }
0x5f: {  	s12 =	sld [smem:$0x7F9]  }
0x60: {  	[sflag:s17] =	ssyncset.done $0x0  }
0x61: {  	[sflag:s17] =	ssyncadd.s32 $0xFFFFF800  }
0x62: {  	[spmem:s12] =	stream.linear.scatter [tilespmem:s21], [sflag:$0x3], $0x800, $0x38;
	[tilespmem:$0x15888] =	vst v63  }
0x63: {  	_ =	swait.ge [sflag:s17], $0x800  }
0x64: {  	s16 =	sld [smem:$0x7FA]  }
0x65: {  	[sflag:s17] =	ssyncset.done $0x0  }
0x66: {  	[sflag:s17] =	ssyncadd.s32 $0xFFFFF800  }
0x67: {  	[spmem:s16] =	stream.linear.scatter [tilespmem:s21], [sflag:$0x3], $0x800, $0x38;
	[tilespmem:$0x15888] =	vst v63  }
0x68: {  	_ =	swait.ge [sflag:s17], $0x800  }
0x69: {  	s18 =	sld [smem:$0x7FB]  }
0x6a: {  	[sflag:s17] =	ssyncset.done $0x0  }
0x6b: {  	[sflag:s17] =	ssyncadd.s32 $0xFFFFF800  }
0x6c: {  	[spmem:s18] =	stream.linear.scatter [tilespmem:s21], [sflag:$0x3], $0x800, $0x38;
	[tilespmem:$0x15888] =	vst v63  }
0x6d: {  	_ =	swait.ge [sflag:s17], $0x800  }
0x6e: {  	s20 =	sld [smem:$0x7FC]  }
0x6f: {  	[sflag:s17] =	ssyncset.done $0x0  }
0x70: {  	[sflag:s17] =	ssyncadd.s32 $0xFFFFF800  }
0x71: {  	[spmem:s20] =	stream.linear.scatter [tilespmem:s21], [sflag:$0x3], $0x800, $0x38;
	[tilespmem:$0x15888] =	vst v63  }
0x72: {  	_ =	swait.ge [sflag:s17], $0x800  }
0x73: {  	[sflag:s17] =	ssyncset.done $0x0  }
0x74: {  	s1 =	simm.s32 $0x0;
	s10 =	rddreg [dreg:$0x8];
	[sflag:s17] =	ssyncadd.s32 $0xFFFFF800  }
0x75: {  	[tilespmem:s1], [sflag:$0x3] =	stream.linear.gather [hbm4b:s10+s1], $0x1000, $0x38;
	[tilespmem:$0x15888] =	vst v63  }
0x76: {  	_ =	swait.ge [sflag:s17], $0x1000  }
0x77: {  	[sflag:s17] =	ssyncset.done $0x0  }
0x78: {  	s8 =	simm.s32 $0x5000;
	s11 =	rddreg [dreg:$0x9];
	[sflag:s17] =	ssyncadd.s32 $0xFFFFF000  }
0x79: {  	[tilespmem:s8], [sflag:$0x3] =	stream.linear.gather [hbm4b:s11+s1], $0x1000, $0x38;
	[tilespmem:$0x15888] =	vst v63  }
0x7a: {  	_ =	swait.ge [sflag:s17], $0x1000  }
0x7b: {  	[sflag:s17] =	ssyncset.done $0x0  }
0x7c: {  	s12 =	simm.s32 $0x1000;
	s22 =	sadd.s32 $0x200, s10;
	[sflag:s17] =	ssyncadd.s32 $0xFFFFF000  }
0x7d: {  	[tilespmem:s12], [sflag:$0x3] =	stream.linear.gather [hbm4b:s22+s1], $0x1000, $0x38;
	[tilespmem:$0x15888] =	vst v63  }
0x7e: {  	_ =	swait.ge [sflag:s17], $0x1000  }
0x7f: {  	[sflag:s17] =	ssyncset.done $0x0  }
0x80: {  	s26 =	simm.s32 $0x6000;
	s24 =	sadd.s32 $0x200, s11;
	[sflag:s17] =	ssyncadd.s32 $0xFFFFF000  }
0x81: {  	[tilespmem:s26], [sflag:$0x3] =	stream.linear.gather [hbm4b:s24+s1], $0x1000, $0x38;
	[tilespmem:$0x15888] =	vst v63  }
0x82: {  	_ =	swait.ge [sflag:s17], $0x1000  }
0x83: {  	[sflag:s17] =	ssyncset.done $0x0  }
0x84: {  	s31 =	simm.s32 $0x2000;
	s29 =	sadd.s32 $0x400, s10;
	[sflag:s17] =	ssyncadd.s32 $0xFFFFF000  }
0x85: {  	[tilespmem:s31], [sflag:$0x3] =	stream.linear.gather [hbm4b:s29+s1], $0x1000, $0x38;
	[tilespmem:$0x15888] =	vst v63  }
0x86: {  	_ =	swait.ge [sflag:s17], $0x1000  }
0x87: {  	[sflag:s17] =	ssyncset.done $0x0  }
0x88: {  	s18 =	simm.s32 $0x7000;
	s16 =	sadd.s32 $0x400, s11;
	[sflag:s17] =	ssyncadd.s32 $0xFFFFF000  }
0x89: {  	[tilespmem:s18], [sflag:$0x3] =	stream.linear.gather [hbm4b:s16+s1], $0x1000, $0x38;
	[tilespmem:$0x15888] =	vst v63  }
0x8a: {  	_ =	swait.ge [sflag:s17], $0x1000  }
0x8b: {  	[sflag:s17] =	ssyncset.done $0x0  }
0x8c: {  	s20 =	sadd.s32 $0x600, s10;
	s22 =	simm.s32 $0x3000;
	[sflag:s17] =	ssyncadd.s32 $0xFFFFF000  }
0x8d: {  	[tilespmem:s22], [sflag:$0x3] =	stream.linear.gather [hbm4b:s20+s1], $0x1000, $0x38;
	[tilespmem:$0x15888] =	vst v63  }
0x8e: {  	_ =	swait.ge [sflag:s17], $0x1000  }
0x8f: {  	[sflag:s17] =	ssyncset.done $0x0  }
0x90: {  	s24 =	sadd.s32 $0x600, s11;
	s26 =	simm.s32 $0x8000;
	[sflag:s17] =	ssyncadd.s32 $0xFFFFF000  }
0x91: {  	[tilespmem:s26], [sflag:$0x3] =	stream.linear.gather [hbm4b:s24+s1], $0x1000, $0x38;
	[tilespmem:$0x15888] =	vst v63  }
0x92: {  	_ =	swait.ge [sflag:s17], $0x1000  }
0x93: {  	[sflag:s17] =	ssyncset.done $0x0  }
0x94: {  	s29 =	sadd.s32 $0x800, s10;
	s31 =	simm.s32 $0x4000;
	[sflag:s17] =	ssyncadd.s32 $0xFFFFF000  }
0x95: {  	[tilespmem:s31], [sflag:$0x3] =	stream.linear.gather [hbm4b:s29+s1], $0x1000, $0x38;
	[tilespmem:$0x15888] =	vst v63  }
0x96: {  	_ =	swait.ge [sflag:s17], $0x1000  }
0x97: {  	[sflag:s17] =	ssyncset.done $0x0  }
0x98: {  	s12 =	simm.s32 $0x9000;
	s11 =	sadd.s32 $0x800, s11;
	[sflag:s17] =	ssyncadd.s32 $0xFFFFF000  }
0x99: {  	[tilespmem:s12], [sflag:$0x3] =	stream.linear.gather [hbm4b:s11+s1], $0x1000, $0x38;
	[tilespmem:$0x15888] =	vst v63  }
0x9a: {  	_ =	swait.ge [sflag:s17], $0x1000  }
0x9b: {  	[sflag:s17] =	ssyncset.done $0x0  }
0x9c: {  	[sflag:s17] =	ssyncadd.s32 $0xFFFFF000  }
0x9d: {  	s16 =	simm.s32 $0x5000;
	[bflag:$0x0] =	sbarrier.arrive $0xFFFF  }
0x9e: {  	[spmem:s2] =	stream.indirect.scatter.add.f32 [tilespmem:s19], [sflag:$0x1], $0x1, s16, s23, $0xb8;
	[tilespmem:$0x15888] =	vst v63  }
0x9f: {  	s18 =	simm.s32 $0x5080  }
0xa0: {  	[spmem:s2] =	stream.indirect.scatter.add.f32 [tilespmem:s19], [sflag:$0x1], $0x1, s18, s23, $0xb8;
	[tilespmem:$0x15888] =	vst v63  }
0xa1: {  	s20 =	simm.s32 $0x5100  }
0xa2: {  	[spmem:s2] =	stream.indirect.scatter.add.f32 [tilespmem:s19], [sflag:$0x1], $0x1, s20, s23, $0xb8;
	[tilespmem:$0x15888] =	vst v63  }
0xa3: {  	s22 =	simm.s32 $0x5180  }
0xa4: {  	[spmem:s2] =	stream.indirect.scatter.add.f32 [tilespmem:s19], [sflag:$0x1], $0x1, s22, s23, $0xb8;
	[tilespmem:$0x15888] =	vst v63  }
0xa5: {  	s24 =	simm.s32 $0x5200  }
0xa6: {  	[spmem:s2] =	stream.indirect.scatter.add.f32 [tilespmem:s19], [sflag:$0x1], $0x1, s24, s23, $0xb8;
	[tilespmem:$0x15888] =	vst v63  }
0xa7: {  	s26 =	simm.s32 $0x5280  }
0xa8: {  	[spmem:s2] =	stream.indirect.scatter.add.f32 [tilespmem:s19], [sflag:$0x1], $0x1, s26, s23, $0xb8;
	[tilespmem:$0x15888] =	vst v63  }
0xa9: {  	s29 =	simm.s32 $0x5300  }
0xaa: {  	[spmem:s2] =	stream.indirect.scatter.add.f32 [tilespmem:s19], [sflag:$0x1], $0x1, s29, s23, $0xb8;
	[tilespmem:$0x15888] =	vst v63  }
0xab: {  	s31 =	simm.s32 $0x5380  }
0xac: {  	[spmem:s2] =	stream.indirect.scatter.add.f32 [tilespmem:s19], [sflag:$0x1], $0x1, s31, s23, $0xb8;
	[tilespmem:$0x15888] =	vst v63  }
0xad: {  	_ =	swait.ge [sflag:s25], $0x80  }
0xae: {  	[sflag:s25] =	ssyncset.done $0x0  }
0xaf: {  	[sflag:s25] =	ssyncadd.s32 $0xFFFFFF80  }
0xb0: {  	_ =	swait.ge [sflag:s25], $0x80  }
0xb1: {  	[sflag:s25] =	ssyncset.done $0x0  }
0xb2: {  	[sflag:s25] =	ssyncadd.s32 $0xFFFFFF80  }
0xb3: {  	_ =	swait.ge [sflag:s25], $0x80  }
0xb4: {  	[sflag:s25] =	ssyncset.done $0x0  }
0xb5: {  	[sflag:s25] =	ssyncadd.s32 $0xFFFFFF80  }
0xb6: {  	_ =	swait.ge [sflag:s25], $0x80  }
0xb7: {  	[sflag:s25] =	ssyncset.done $0x0  }
0xb8: {  	[sflag:s25] =	ssyncadd.s32 $0xFFFFFF80  }
0xb9: {  	_ =	swait.ge [sflag:s25], $0x80  }
0xba: {  	[sflag:s25] =	ssyncset.done $0x0  }
0xbb: {  	[sflag:s25] =	ssyncadd.s32 $0xFFFFFF80  }
0xbc: {  	_ =	swait.ge [sflag:s25], $0x80  }
0xbd: {  	[sflag:s25] =	ssyncset.done $0x0  }
0xbe: {  	[sflag:s25] =	ssyncadd.s32 $0xFFFFFF80  }
0xbf: {  	_ =	swait.ge [sflag:s25], $0x80  }
0xc0: {  	[sflag:s25] =	ssyncset.done $0x0  }
0xc1: {  	[sflag:s25] =	ssyncadd.s32 $0xFFFFFF80  }
0xc2: {  	_ =	swait.ge [sflag:s25], $0x80  }
0xc3: {  	s10 =	simm.s32 $0x400;
	s11 =	simm.s32 $0x2000;
	[sflag:s25] =	ssyncset.done $0x0  }
.LBB2_4:
0xc4: {  	s12 =	sadd.s32 $0x5000, s10  }
0xc5: {  	[sflag:s25] =	ssyncadd.s32 $0xFFFFFF80;
	s8 =	smov.u32 s11;
	s1 =	sadd.s32 $0x1000, s11  }
0xc6: {  	[spmem:s2] =	stream.indirect.scatter.add.f32 [tilespmem:s19], [sflag:$0x1], $0x1, s12, s23, $0xb8;
	[tilespmem:$0x15888] =	vst v63  }
0xc7: {  	p1 =	sne.s32 s11, $0x13000;
	s11 =	sadd.s32 $0x5080, s10  }
0xc8: {  	[spmem:s2] =	stream.indirect.scatter.add.f32 [tilespmem:s19], [sflag:$0x1], $0x1, s11, s23, $0xb8;
	[tilespmem:$0x15888] =	vst v63  }
0xc9: {  	s11 =	sadd.s32 $0x5100, s10  }
0xca: {  	[spmem:s2] =	stream.indirect.scatter.add.f32 [tilespmem:s19], [sflag:$0x1], $0x1, s11, s23, $0xb8;
	[tilespmem:$0x15888] =	vst v63  }
0xcb: {  	s11 =	sadd.s32 $0x5180, s10  }
0xcc: {  	[spmem:s2] =	stream.indirect.scatter.add.f32 [tilespmem:s19], [sflag:$0x1], $0x1, s11, s23, $0xb8;
	[tilespmem:$0x15888] =	vst v63  }
0xcd: {  	s11 =	sadd.s32 $0x5200, s10  }
0xce: {  	[spmem:s2] =	stream.indirect.scatter.add.f32 [tilespmem:s19], [sflag:$0x1], $0x1, s11, s23, $0xb8;
	[tilespmem:$0x15888] =	vst v63  }
0xcf: {  	s11 =	sadd.s32 $0x5280, s10  }
0xd0: {  	[spmem:s2] =	stream.indirect.scatter.add.f32 [tilespmem:s19], [sflag:$0x1], $0x1, s11, s23, $0xb8;
	[tilespmem:$0x15888] =	vst v63  }
0xd1: {  	s11 =	sadd.s32 $0x5300, s10  }
0xd2: {  	[spmem:s2] =	stream.indirect.scatter.add.f32 [tilespmem:s19], [sflag:$0x1], $0x1, s11, s23, $0xb8;
	[tilespmem:$0x15888] =	vst v63  }
0xd3: {  	s10 =	sadd.s32 $0x5380, s10  }
0xd4: {  	[spmem:s2] =	stream.indirect.scatter.add.f32 [tilespmem:s19], [sflag:$0x1], $0x1, s10, s23, $0xb8;
	[tilespmem:$0x15888] =	vst v63  }
0xd5: {  	_ =	swait.ge [sflag:s25], $0x80  }
0xd6: {  	[sflag:s25] =	ssyncset.done $0x0  }
0xd7: {  	[sflag:s25] =	ssyncadd.s32 $0xFFFFFF80  }
0xd8: {  	_ =	swait.ge [sflag:s25], $0x80  }
0xd9: {  	[sflag:s25] =	ssyncset.done $0x0  }
0xda: {  	[sflag:s25] =	ssyncadd.s32 $0xFFFFFF80  }
0xdb: {  	_ =	swait.ge [sflag:s25], $0x80  }
0xdc: {  	[sflag:s25] =	ssyncset.done $0x0  }
0xdd: {  	[sflag:s25] =	ssyncadd.s32 $0xFFFFFF80  }
0xde: {  	_ =	swait.ge [sflag:s25], $0x80  }
0xdf: {  	[sflag:s25] =	ssyncset.done $0x0  }
0xe0: {  	[sflag:s25] =	ssyncadd.s32 $0xFFFFFF80  }
0xe1: {  	_ =	swait.ge [sflag:s25], $0x80  }
0xe2: {  	[sflag:s25] =	ssyncset.done $0x0  }
0xe3: {  	[sflag:s25] =	ssyncadd.s32 $0xFFFFFF80  }
0xe4: {  	_ =	swait.ge [sflag:s25], $0x80  }
0xe5: {  	[sflag:s25] =	ssyncset.done $0x0  }
0xe6: {  	[sflag:s25] =	ssyncadd.s32 $0xFFFFFF80  }
.Ltmp1:
0xe7: {  	_ =	swait.ge [sflag:s25], $0x80;
	(pc) =	sbr.rel @p1 .LBB2_4-.Ltmp1, $4  }
0xe8: {  	[sflag:s25] =	ssyncset.done $0x0  }
0xe9: {  	[sflag:s25] =	ssyncadd.s32 $0xFFFFFF80  }
0xea: {  	_ =	swait.ge [sflag:s25], $0x80  }
0xeb: {  	s11 =	smov.u32 s1;
	s10 =	sshra.s32 s8, $0x2;
	[sflag:s25] =	ssyncset.done $0x0  }
0xec: {  	s1 =	sadd.s32 $0x5000, s10;
	[sflag:s25] =	ssyncadd.s32 $0xFFFFFF80  }
0xed: {  	[spmem:s2] =	stream.indirect.scatter.add.f32 [tilespmem:s19], [sflag:$0x1], $0x1, s1, s23, $0xb8;
	[tilespmem:$0x15888] =	vst v63  }
0xee: {  	s16 =	sadd.s32 $0x5080, s10  }
0xef: {  	[spmem:s2] =	stream.indirect.scatter.add.f32 [tilespmem:s19], [sflag:$0x1], $0x1, s16, s23, $0xb8;
	[tilespmem:$0x15888] =	vst v63  }
0xf0: {  	s18 =	sadd.s32 $0x5100, s10  }
0xf1: {  	[spmem:s2] =	stream.indirect.scatter.add.f32 [tilespmem:s19], [sflag:$0x1], $0x1, s18, s23, $0xb8;
	[tilespmem:$0x15888] =	vst v63  }
0xf2: {  	s20 =	sadd.s32 $0x5180, s10  }
0xf3: {  	[spmem:s2] =	stream.indirect.scatter.add.f32 [tilespmem:s19], [sflag:$0x1], $0x1, s20, s23, $0xb8;
	[tilespmem:$0x15888] =	vst v63  }
0xf4: {  	s22 =	sadd.s32 $0x5200, s10  }
0xf5: {  	[spmem:s2] =	stream.indirect.scatter.add.f32 [tilespmem:s19], [sflag:$0x1], $0x1, s22, s23, $0xb8;
	[tilespmem:$0x15888] =	vst v63  }
0xf6: {  	s24 =	sadd.s32 $0x5280, s10  }
0xf7: {  	[spmem:s2] =	stream.indirect.scatter.add.f32 [tilespmem:s19], [sflag:$0x1], $0x1, s24, s23, $0xb8;
	[tilespmem:$0x15888] =	vst v63  }
0xf8: {  	s26 =	sadd.s32 $0x5300, s10  }
0xf9: {  	[spmem:s2] =	stream.indirect.scatter.add.f32 [tilespmem:s19], [sflag:$0x1], $0x1, s26, s23, $0xb8;
	[tilespmem:$0x15888] =	vst v63  }
0xfa: {  	s29 =	sadd.s32 $0x5380, s10  }
0xfb: {  	[spmem:s2] =	stream.indirect.scatter.add.f32 [tilespmem:s19], [sflag:$0x1], $0x1, s29, s23, $0xb8;
	[tilespmem:$0x15888] =	vst v63  }
0xfc: {  	_ =	swait.ge [sflag:s25], $0x80  }
0xfd: {  	[sflag:s25] =	ssyncset.done $0x0  }
0xfe: {  	[sflag:s25] =	ssyncadd.s32 $0xFFFFFF80  }
0xff: {  	_ =	swait.ge [sflag:s25], $0x80  }
0x100: {  	[sflag:s25] =	ssyncset.done $0x0  }
0x101: {  	[sflag:s25] =	ssyncadd.s32 $0xFFFFFF80  }
0x102: {  	_ =	swait.ge [sflag:s25], $0x80  }
0x103: {  	[sflag:s25] =	ssyncset.done $0x0  }
0x104: {  	[sflag:s25] =	ssyncadd.s32 $0xFFFFFF80  }
0x105: {  	_ =	swait.ge [sflag:s25], $0x80  }
0x106: {  	[sflag:s25] =	ssyncset.done $0x0  }
0x107: {  	[sflag:s25] =	ssyncadd.s32 $0xFFFFFF80  }
0x108: {  	_ =	swait.ge [sflag:s25], $0x80  }
0x109: {  	[sflag:s25] =	ssyncset.done $0x0  }
0x10a: {  	[sflag:s25] =	ssyncadd.s32 $0xFFFFFF80  }
0x10b: {  	_ =	swait.ge [sflag:s25], $0x80  }
0x10c: {  	[sflag:s25] =	ssyncset.done $0x0  }
0x10d: {  	[sflag:s25] =	ssyncadd.s32 $0xFFFFFF80  }
0x10e: {  	_ =	swait.ge [sflag:s25], $0x80  }
0x10f: {  	[sflag:s25] =	ssyncset.done $0x0  }
0x110: {  	[sflag:s25] =	ssyncadd.s32 $0xFFFFFF80  }
0x111: {  	_ =	swait.ge [sflag:s25], $0x80  }
0x112: {  	[sflag:s25] =	ssyncset.done $0x0  }
0x113: {  	[sflag:s25] =	ssyncadd.s32 $0xFFFFFF80  }
0x114: {  	s31 =	simm.s32 $0x10380;
	[bflag:$0x0] =	sbarrier.arrive $0xFFFF  }
0x115: {  	[tilespmem:s31], [sflag:$0x3] =	stream.linear.gather [spmem:s13], $0x280, $0x38;
	[tilespmem:$0x15888] =	vst v63  }
0x116: {  	_ =	swait.ge [sflag:s17], $0x280  }
0x117: {  	[sflag:s17] =	ssyncset.done $0x0  }
0x118: {  	s8 =	simm.s32 $0x0;
	[sflag:s17] =	ssyncadd.s32 $0xFFFFFD80  }
0x119: {  	v3 =	vld [tilespmem:s8+$0x10380];
	_ =	sdelay $0x4  }
0x11a: {  	s1 =	simm.s32 $0x10;
	v3 =	vadd.f32 $1.000000000e+00, v3  }
0x11b: {  	v4 =	vld [tilespmem:s1+$0x10380]  }
0x11c: {  	v5 =	vshra.s32 v3, $0x1;
	v6 =	vmul.f32 $5.000000000e-01, v3  }
0x11d: {  	v3 =	vsub.s32 $0x5F3759DF, v5  }
0x11e: {  	v5 =	vmul.f32 v3, v6  }
0x11f: {  	s10 =	simm.s32 $0x20  }
0x120: {  	v7 =	vld [tilespmem:s10+$0x10380];
	v4 =	vadd.f32 $1.000000000e+00, v4;
	v5 =	vmul.f32 v3, v5;
	_ =	sdelay $0x1  }
0x121: {  	v8 =	vshra.s32 v4, $0x1;
	v10 =	vmul.f32 $5.000000000e-01, v4;
	v4 =	vsub.f32 $1.500000000e+00, v5  }
0x122: {  	v5 =	vsub.s32 $0x5F3759DF, v8  }
0x123: {  	v8 =	vmul.f32 v5, v10;
	v4 =	vmul.f32 v3, v4  }
0x124: {  	s13 =	simm.s32 $0x30;
	v3 =	vadd.f32 $1.000000000e+00, v7  }
0x125: {  	v7 =	vld [tilespmem:s13+$0x10380];
	v8 =	vmul.f32 v5, v8;
	v9 =	vmul.f32 v4, v6  }
0x126: {  	v11 =	vshra.s32 v3, $0x1;
	v3 =	vmul.f32 $5.000000000e-01, v3  }
0x127: {  	v8 =	vsub.f32 $1.500000000e+00, v8;
	v11 =	vsub.s32 $0x5F3759DF, v11;
	v9 =	vmul.f32 v9, v4  }
0x128: {  	v12 =	vmul.f32 v11, v3  }
0x129: {  	v5 =	vmul.f32 v5, v8;
	v8 =	vsub.f32 $1.500000000e+00, v9  }
0x12a: {  	v7 =	vadd.f32 $1.000000000e+00, v7;
	v12 =	vmul.f32 v11, v12  }
0x12b: {  	s16 =	simm.s32 $0x40;
	v13 =	vmul.f32 v5, v10;
	v8 =	vmul.f32 v8, v4  }
0x12c: {  	v9 =	vld [tilespmem:s16+$0x10380];
	v14 =	vshra.s32 v7, $0x1;
	v4 =	vmul.f32 $5.000000000e-01, v7;
	v7 =	vsub.f32 $1.500000000e+00, v12  }
0x12d: {  	v15 =	vsub.s32 $0x5F3759DF, v14;
	v12 =	vmul.f32 v13, v5;
	v6 =	vmul.f32 v8, v6  }
0x12e: {  	v13 =	vmul.f32 v15, v4;
	v7 =	vmul.f32 v11, v7  }
0x12f: {  	v11 =	vsub.f32 $1.500000000e+00, v12;
	v6 =	vmul.f32 v6, v8  }
0x130: {  	v12 =	vmul.f32 v15, v13;
	v13 =	vmul.f32 v7, v3  }
0x131: {  	s20 =	simm.s32 $0x50;
	v9 =	vadd.f32 $1.000000000e+00, v9;
	v5 =	vmul.f32 v11, v5  }
0x132: {  	v16 =	vsub.f32 $1.500000000e+00, v6;
	v17 =	vsub.f32 $1.500000000e+00, v12;
	v12 =	vmul.f32 v13, v7;
	v13 =	vld [tilespmem:s20+$0x10380]  }
0x133: {  	v14 =	vshra.s32 v9, $0x1;
	v6 =	vmul.f32 $5.000000000e-01, v9  }
0x134: {  	v9 =	vsub.s32 $0x5F3759DF, v14;
	v11 =	vmul.f32 v5, v10;
	v8 =	vmul.f32 v16, v8  }
0x135: {  	s11 =	simm.s32 $0x180;
	v14 =	vmul.f32 v9, v6;
	v10 =	vmul.f32 v15, v17  }
.LBB2_6:
0x136: {  	s12 =	sshra.s32 s11, $0x2  }
0x137: {  	v15 =	vadd.f32 $1.000000000e+00, v13;
	v12 =	vsub.f32 $1.500000000e+00, v12;
	v11 =	vmul.f32 v11, v5;
	[tilespmem:s8+$0x10100] =	vst v8;
	s8 =	smov.u32 s1;
	s1 =	smov.u32 s10;
	p1 =	sne.s32 s11, $0x9C0  }
.Ltmp2:
0x138: {  	s10 =	smov.u32 s13;
	s13 =	smov.u32 s16;
	v13 =	vld [tilespmem:s12+$0x10380];
	v8 =	vmul.f32 v9, v14;
	v14 =	vmul.f32 v10, v4;
	(pc) =	sbr.rel @p1 .LBB2_6-.Ltmp2, $4  }
0x139: {  	s11 =	sadd.s32 $0x40, s11;
	s16 =	smov.u32 s20;
	v16 =	vshra.s32 v15, $0x1;
	v17 =	vmul.f32 v12, v7;
	v18 =	vsub.f32 $1.500000000e+00, v11;
	v7 =	vmovc v10  }
0x13a: {  	s20 =	smov.u32 s12;
	v15 =	vmul.f32 $5.000000000e-01, v15;
	v10 =	vsub.f32 $1.500000000e+00, v8;
	v12 =	vmul.f32 v14, v7  }
0x13b: {  	v16 =	vsub.s32 $0x5F3759DF, v16;
	v11 =	vmul.f32 v17, v3;
	v8 =	vmul.f32 v18, v5;
	v5 =	vmovc v17;
	v3 =	vmovc v4  }
0x13c: {  	v14 =	vmul.f32 v16, v15;
	v4 =	vmovc v6;
	v6 =	vmovc v15;
	v10 =	vmul.f32 v9, v10;
	v9 =	vmov v16  }
0x13d: {  	v13 =	vadd.f32 $1.000000000e+00, v13;
	_ =	sdelay $0x1  }
0x13e: {  	v15 =	vshra.s32 v13, $0x1;
	v13 =	vmul.f32 $5.000000000e-01, v13  }
0x13f: {  	v15 =	vsub.s32 $0x5F3759DF, v15  }
0x140: {  	v16 =	vmul.f32 v15, v13  }
0x141: {  	v14 =	vmul.f32 v9, v14  }
0x142: {  	v16 =	vmul.f32 v15, v16  }
0x143: {  	v14 =	vsub.f32 $1.500000000e+00, v14  }
0x144: {  	v16 =	vsub.f32 $1.500000000e+00, v16  }
0x145: {  	v51 =	vmul.f32 v9, v14  }
0x146: {  	v52 =	vmul.f32 v10, v4;
	v15 =	vmul.f32 v15, v16  }
0x147: {  	v53 =	vmul.f32 v51, v6  }
0x148: {  	v14 =	vmul.f32 v52, v10;
	v17 =	vmul.f32 v15, v13  }
0x149: {  	v12 =	vsub.f32 $1.500000000e+00, v12;
	v16 =	vmul.f32 v53, v51  }
0x14a: {  	v14 =	vsub.f32 $1.500000000e+00, v14;
	v17 =	vmul.f32 v17, v15  }
0x14b: {  	v7 =	vmul.f32 v12, v7;
	v54 =	vsub.f32 $1.500000000e+00, v16  }
0x14c: {  	v11 =	vmul.f32 v11, v5;
	v55 =	vmul.f32 v14, v10;
	v56 =	vsub.f32 $1.500000000e+00, v17  }
0x14d: {  	v3 =	vmul.f32 v7, v3;
	v9 =	vmul.f32 v54, v51  }
0x14e: {  	v57 =	vmul.f32 v55, v4;
	v58 =	vmul.f32 v56, v15  }
0x14f: {  	v3 =	vmul.f32 v3, v7;
	v59 =	vmul.f32 v9, v6  }
0x150: {  	v11 =	vsub.f32 $1.500000000e+00, v11;
	v4 =	vmul.f32 v57, v55;
	v13 =	vmul.f32 v58, v13  }
0x151: {  	v3 =	vsub.f32 $1.500000000e+00, v3;
	v6 =	vmul.f32 v59, v9  }
0x152: {  	v60 =	vmul.f32 v11, v5;
	v4 =	vsub.f32 $1.500000000e+00, v4;
	v61 =	vmul.f32 v13, v58  }
0x153: {  	[tilespmem:s8+$0x10100] =	vst v8;
	v3 =	vmul.f32 v3, v7;
	v6 =	vsub.f32 $1.500000000e+00, v6  }
0x154: {  	[tilespmem:s1+$0x10100] =	vst v60;
	v4 =	vmul.f32 v4, v55;
	v62 =	vsub.f32 $1.500000000e+00, v61  }
0x155: {  	[tilespmem:s10+$0x10100] =	vst v3;
	v3 =	vmul.f32 v6, v9  }
0x156: {  	[tilespmem:s13+$0x10100] =	vst v4;
	v63 =	vmul.f32 v62, v58  }
0x157: {  	[tilespmem:s16+$0x10100] =	vst v3  }
0x158: {  	s8 =	simm.s32 @!p0 $0x10100;
	s1 =	simm.s32 @!p0 $0x0;
	s10 =	rddreg [dreg:$0xa];
	[tilespmem:s20+$0x10100] =	vst v63  }
0x159: {  	[hbm4b:s10+s1] =	stream.linear.scatter @!p0 [tilespmem:s8], [sflag:$0x3], $0x280, $0x38;
	[tilespmem:$0x15888] =	vst v63  }
0x15a: {  	s1 =	simm.s32 @!p0 $0x3  }
0x15b: {  	_ =	swait.ge @!p0 [sflag:s1], $0x280  }
0x15c: {  	s8 =	simm.s32 $0x0;
	[sflag:s1] =	ssyncset.done @!p0 $0x0  }
0x15d: {  	s10 =	simm.s32 $0x0;
	[sflag:s1] =	ssyncadd.s32 @!p0 $0xFFFFFD80;
	s1 =	simm.s32 $0x0  }
.LBB2_8:
0x15e: {  	s11 =	sshll.u32 s10, $0x5  }
0x15f: {  	s13 =	sadd.s32 s7, s11  }
0x160: {  	s11 =	sshll.u32 s13, $0x4  }
0x161: {  	v3 =	vmov s8;
	s11 =	sadd.s32 s5, s11  }
0x162: {  	[tilespmem:s28], [sflag:$0x3] =	stream.linear.gather [hbm4b:s11+s1], $0x1000, $0x38;
	[tilespmem:$0x15888] =	vst v63  }
0x163: {  	_ =	swait.ge [sflag:s17], $0x1000  }
0x164: {  	[sflag:s17] =	ssyncset.done $0x0  }
0x165: {  	[sflag:s17] =	ssyncadd.s32 $0xFFFFF000  }
0x166: {  	s16 =	simm.s32 $0xE140;
	v3 =	vld.idx.msk [tilespmem:v3+s30+$0x0], $0xffff  }
0x167: {  	v4 =	vld [tilespmem:s16+$0xFFFFFFC0];
	_ =	sdelay $0x4  }
0x168: {  	v4 =	vmul.f32 v4, v3  }
0x169: {  	s20 =	simm.s32 $0x0  }
0x16a: {  	[tilespmem:s20+$0xF100] =	vst v4  }
0x16b: {  	v4 =	vld [tilespmem:s16+$0xFFFFFFD0];
	_ =	sdelay $0x4  }
0x16c: {  	v4 =	vmul.f32 v4, v3;
	_ =	sdelay $0x1  }
0x16d: {  	[tilespmem:s20+$0xF110] =	vst v4  }
0x16e: {  	v4 =	vld [tilespmem:s16+$0xFFFFFFE0];
	_ =	sdelay $0x4  }
0x16f: {  	v4 =	vmul.f32 v4, v3;
	_ =	sdelay $0x1  }
0x170: {  	[tilespmem:s20+$0xF120] =	vst v4  }
0x171: {  	v4 =	vld [tilespmem:s16+$0xFFFFFFF0];
	_ =	sdelay $0x4  }
0x172: {  	v4 =	vmul.f32 v4, v3;
	_ =	sdelay $0x1  }
0x173: {  	[tilespmem:s20+$0xF130] =	vst v4  }
0x174: {  	v4 =	vld [tilespmem:s16+$0x0];
	_ =	sdelay $0x4  }
0x175: {  	v4 =	vmul.f32 v4, v3;
	_ =	sdelay $0x1  }
0x176: {  	[tilespmem:s20+$0xF900] =	vst v4  }
0x177: {  	v4 =	vld [tilespmem:s16+$0x10];
	_ =	sdelay $0x4  }
0x178: {  	v4 =	vmul.f32 v4, v3;
	_ =	sdelay $0x1  }
0x179: {  	[tilespmem:s20+$0xF910] =	vst v4  }
0x17a: {  	v4 =	vld [tilespmem:s16+$0x20];
	_ =	sdelay $0x4  }
0x17b: {  	v4 =	vmul.f32 v4, v3;
	_ =	sdelay $0x1  }
0x17c: {  	[tilespmem:s20+$0xF920] =	vst v4  }
0x17d: {  	v5 =	vld [tilespmem:s16+$0x30];
	_ =	sdelay $0x1  }
0x17e: {  	s24 =	sadd.s32 $0x1, s8  }
0x17f: {  	s22 =	simm.s32 $0x100;
	s26 =	simm.s32 $0x200;
	v4 =	vmov s24  }
.LBB2_9:
0x180: {  	p1 =	sne.s32 s26, $0x1F00  }
0x181: {  	v3 =	vmul.f32 v5, v3;
	_ =	sdelay $0x1  }
0x182: {  	[tilespmem:s20+$0xF930] =	vst v3  }
0x183: {  	s16 =	sadd.s32 $0x80, s16;
	v3 =	vld.idx.msk [tilespmem:v4+s30+$0x0], $0xffff  }
0x184: {  	v4 =	vld [tilespmem:s16+$0xFFFFFFC0];
	_ =	sdelay $0x4  }
0x185: {  	v4 =	vmul.f32 v4, v3  }
0x186: {  	s20 =	sshra.s32 s22, $0x2;
	s22 =	smov.u32 s26  }
0x187: {  	[tilespmem:s20+$0xF100] =	vst v4  }
0x188: {  	v4 =	vld [tilespmem:s16+$0xFFFFFFD0];
	_ =	sdelay $0x4  }
0x189: {  	v4 =	vmul.f32 v4, v3;
	_ =	sdelay $0x1  }
0x18a: {  	[tilespmem:s20+$0xF110] =	vst v4  }
0x18b: {  	v4 =	vld [tilespmem:s16+$0xFFFFFFE0];
	_ =	sdelay $0x4  }
0x18c: {  	v4 =	vmul.f32 v4, v3;
	_ =	sdelay $0x1  }
0x18d: {  	[tilespmem:s20+$0xF120] =	vst v4  }
0x18e: {  	v4 =	vld [tilespmem:s16+$0xFFFFFFF0];
	_ =	sdelay $0x4  }
0x18f: {  	v4 =	vmul.f32 v4, v3;
	_ =	sdelay $0x1  }
0x190: {  	[tilespmem:s20+$0xF130] =	vst v4  }
0x191: {  	v4 =	vld [tilespmem:s16+$0x0];
	_ =	sdelay $0x4  }
0x192: {  	v4 =	vmul.f32 v4, v3;
	_ =	sdelay $0x1  }
0x193: {  	[tilespmem:s20+$0xF900] =	vst v4  }
0x194: {  	v4 =	vld [tilespmem:s16+$0x10];
	_ =	sdelay $0x4  }
0x195: {  	v4 =	vmul.f32 v4, v3;
	_ =	sdelay $0x1  }
0x196: {  	[tilespmem:s20+$0xF910] =	vst v4  }
0x197: {  	v4 =	vld [tilespmem:s16+$0x20];
	_ =	sdelay $0x4  }
0x198: {  	v4 =	vmul.f32 v4, v3;
	_ =	sdelay $0x1  }
.Ltmp3:
0x199: {  	[tilespmem:s20+$0xF920] =	vst v4;
	(pc) =	sbr.rel @p1 .LBB2_9-.Ltmp3, $3  }
0x19a: {  	v5 =	vld [tilespmem:s16+$0x30];
	_ =	sdelay $0x1  }
0x19b: {  	s24 =	sadd.s32 $0x1, s24  }
0x19c: {  	s26 =	sadd.s32 $0x100, s26;
	v4 =	vmov s24  }
0x19d: {  	_ = 	snop  }
0x19e: {  	v3 =	vmul.f32 v5, v3;
	_ =	sdelay $0x1  }
0x19f: {  	[tilespmem:s20+$0xF930] =	vst v3  }
0x1a0: {  	s11 =	sadd.s32 $0x80, s16;
	v3 =	vld.idx.msk [tilespmem:v4+s30+$0x0], $0xffff  }
0x1a1: {  	v63 =	vld [tilespmem:s11+$0xFFFFFFC0];
	_ =	sdelay $0x4  }
0x1a2: {  	v4 =	vmul.f32 v63, v3  }
0x1a3: {  	s12 =	sshra.s32 s22, $0x2  }
0x1a4: {  	[tilespmem:s12+$0xF100] =	vst v4  }
0x1a5: {  	v4 =	vld [tilespmem:s11+$0xFFFFFFD0];
	_ =	sdelay $0x4  }
0x1a6: {  	v4 =	vmul.f32 v4, v3;
	_ =	sdelay $0x1  }
0x1a7: {  	[tilespmem:s12+$0xF110] =	vst v4  }
0x1a8: {  	v4 =	vld [tilespmem:s11+$0xFFFFFFE0];
	_ =	sdelay $0x4  }
0x1a9: {  	v4 =	vmul.f32 v4, v3;
	_ =	sdelay $0x1  }
0x1aa: {  	[tilespmem:s12+$0xF120] =	vst v4  }
0x1ab: {  	v4 =	vld [tilespmem:s11+$0xFFFFFFF0];
	_ =	sdelay $0x4  }
0x1ac: {  	v4 =	vmul.f32 v4, v3;
	_ =	sdelay $0x1  }
0x1ad: {  	[tilespmem:s12+$0xF130] =	vst v4  }
0x1ae: {  	v4 =	vld [tilespmem:s11+$0x0];
	_ =	sdelay $0x4  }
0x1af: {  	v4 =	vmul.f32 v4, v3;
	_ =	sdelay $0x1  }
0x1b0: {  	[tilespmem:s12+$0xF900] =	vst v4  }
0x1b1: {  	v4 =	vld [tilespmem:s11+$0x10];
	_ =	sdelay $0x4  }
0x1b2: {  	v4 =	vmul.f32 v4, v3;
	_ =	sdelay $0x1  }
0x1b3: {  	[tilespmem:s12+$0xF910] =	vst v4  }
0x1b4: {  	v4 =	vld [tilespmem:s11+$0x20];
	_ =	sdelay $0x4  }
0x1b5: {  	v4 =	vmul.f32 v4, v3;
	_ =	sdelay $0x1  }
0x1b6: {  	[tilespmem:s12+$0xF920] =	vst v4  }
0x1b7: {  	v4 =	vld [tilespmem:s11+$0x30];
	_ =	sdelay $0x4  }
0x1b8: {  	v3 =	vmul.f32 v4, v3  }
0x1b9: {  	s29 =	sshll.u32 s13, $0x3  }
0x1ba: {  	s31 =	sadd.s32 s29, s14;
	[tilespmem:s12+$0xF930] =	vst v3  }
0x1bb: {  	[hbm4b:s31+s4] =	stream.linear.scatter [tilespmem:s21], [sflag:$0x3], $0x800, $0x38;
	[tilespmem:$0x15888] =	vst v63  }
0x1bc: {  	s10 =	sadd.s32 $0x1, s10;
	_ =	swait.ge [sflag:s17], $0x800  }
0x1bd: {  	p1 =	sne.s32 s10, $0x14;
	s20 =	sadd.s32 $0x14000, s14;
	[sflag:s17] =	ssyncset.done $0x0  }
.Ltmp4:
0x1be: {  	s11 =	sadd.s32 s29, s20;
	[sflag:s17] =	ssyncadd.s32 $0xFFFFF800;
	(pc) =	sbr.rel @p1 .LBB2_8-.Ltmp4, $4  }
0x1bf: {  	[hbm4b:s11+s4] =	stream.linear.scatter [tilespmem:s0], [sflag:$0x3], $0x800, $0x38;
	[tilespmem:$0x15888] =	vst v63  }
0x1c0: {  	_ =	swait.ge [sflag:s17], $0x800  }
0x1c1: {  	[sflag:s17] =	ssyncset.done $0x0  }
0x1c2: {  	s8 =	sadd.s32 $0x20, s8;
	[sflag:s17] =	ssyncadd.s32 $0xFFFFF800  }
0x1c3: {  	[bflag:$0x0] =	sbarrier.arrive $0xFFFF;
	s1 =	simm.s32 $0x0;
	s8 =	simm.s32 $0xA100  }
0x1c4: {  	[tilespmem:s8], [sflag:$0x1] =	stream.indirect.gather [hbm4b:s14+s23], $0x40, s1, s23, $0xb8;
	[tilespmem:$0x15888] =	vst v63  }
.LBB2_12:
0x1c5: {  	p1 =	seq.s32 s1, $0x0  }
0x1c6: {  	s8 =	simm.s32 @!p1 $0x2  }
0x1c7: {  	_ =	swait.ge @!p1 [sflag:s8], $0x2000  }
0x1c8: {  	p2 =	seq.s32 @!p1 s1, $0x9F;
	[sflag:s8] =	ssyncset.done @!p1 $0x0  }
0x1c9: {  	p2 =	por p1, !p2;
	[sflag:s8] =	ssyncadd.s32 @!p1 $0xFFFFE000;
	s8 =	simm.s32 @!p1 $0xA0  }
0x1ca: {  	s8 =	sadd.s32 @p2 $0x1, s1  }
0x1cb: {  	s10 =	sshll.u32 @p2 s8, $0xD  }
0x1cc: {  	s11 =	sshll.u32 @p2 s8, $0x7;
	s10 =	sand.u32 @p2 $0x2000, s10  }
0x1cd: {  	s11 =	sand.u32 @p2 $0x3FFFFF80, s11;
	s10 =	sadd.s32 @p2 $0xA100, s10  }
0x1ce: {  	[tilespmem:s10], [sflag:$0x1] =	stream.indirect.gather @p2 [hbm4b:s14+s23], $0x40, s11, s23, $0xb8;
	[tilespmem:$0x15888] =	vst v63  }
0x1cf: {  	_ =	swait.ge [sflag:s25], $0x2000  }
0x1d0: {  	s29 =	sshll.u32 s1, $0x7;
	[sflag:s25] =	ssyncset.done $0x0  }
0x1d1: {  	s10 =	sand.u32 $0x3FFFFF80, s29;
	[sflag:s25] =	ssyncadd.s32 $0xFFFFE000  }
0x1d2: {  	v3 =	vld [tilespmem:s10+$0x5000];
	_ =	sdelay $0x4  }
0x1d3: {  	vm0 =	vge.s32 v3, v0;
	vm1 =	vlt.s32 v3, v1  }
0x1d4: {  	v3 =	vsub.s32 v3, v0;
	vm0 =	vmand vm0, vm1  }
0x1d5: {  	v3 =	vnsel vm0, $0x1400, v3  }
0x1d6: {  	[tilespmem:$0xA000] =	vst v3  }
0x1d7: {  	v3 =	vld [tilespmem:s10+$0x5010];
	_ =	sdelay $0x4  }
0x1d8: {  	vm14 =	vge.s32 v3, v0;
	vm15 =	vlt.s32 v3, v1  }
0x1d9: {  	v3 =	vsub.s32 v3, v0;
	vm0 =	vmand vm14, vm15  }
0x1da: {  	v3 =	vnsel vm0, $0x1400, v3  }
0x1db: {  	[tilespmem:$0xA010] =	vst v3  }
0x1dc: {  	v3 =	vld [tilespmem:s10+$0x5020];
	_ =	sdelay $0x4  }
0x1dd: {  	vm4 =	vge.s32 v3, v0;
	vm5 =	vlt.s32 v3, v1  }
0x1de: {  	v3 =	vsub.s32 v3, v0;
	vm0 =	vmand vm4, vm5  }
0x1df: {  	v3 =	vnsel vm0, $0x1400, v3  }
0x1e0: {  	[tilespmem:$0xA020] =	vst v3  }
0x1e1: {  	v3 =	vld [tilespmem:s10+$0x5030];
	_ =	sdelay $0x4  }
0x1e2: {  	vm6 =	vge.s32 v3, v0;
	vm7 =	vlt.s32 v3, v1  }
0x1e3: {  	v3 =	vsub.s32 v3, v0;
	vm0 =	vmand vm6, vm7  }
0x1e4: {  	v3 =	vnsel vm0, $0x1400, v3  }
0x1e5: {  	[tilespmem:$0xA030] =	vst v3  }
0x1e6: {  	v3 =	vld [tilespmem:s10+$0x5040];
	_ =	sdelay $0x4  }
0x1e7: {  	vm8 =	vge.s32 v3, v0;
	vm9 =	vlt.s32 v3, v1  }
0x1e8: {  	v3 =	vsub.s32 v3, v0;
	vm0 =	vmand vm8, vm9  }
0x1e9: {  	v3 =	vnsel vm0, $0x1400, v3  }
0x1ea: {  	[tilespmem:$0xA040] =	vst v3  }
0x1eb: {  	v3 =	vld [tilespmem:s10+$0x5050];
	_ =	sdelay $0x4  }
0x1ec: {  	vm10 =	vge.s32 v3, v0;
	vm11 =	vlt.s32 v3, v1  }
0x1ed: {  	v3 =	vsub.s32 v3, v0;
	vm0 =	vmand vm10, vm11  }
0x1ee: {  	v3 =	vnsel vm0, $0x1400, v3  }
0x1ef: {  	[tilespmem:$0xA050] =	vst v3  }
0x1f0: {  	v3 =	vld [tilespmem:s10+$0x5060];
	_ =	sdelay $0x4  }
0x1f1: {  	vm12 =	vge.s32 v3, v0;
	vm13 =	vlt.s32 v3, v1  }
0x1f2: {  	v3 =	vsub.s32 v3, v0;
	vm0 =	vmand vm12, vm13  }
0x1f3: {  	v3 =	vnsel vm0, $0x1400, v3  }
0x1f4: {  	[tilespmem:$0xA060] =	vst v3  }
0x1f5: {  	v3 =	vld [tilespmem:s10+$0x5070];
	_ =	sdelay $0x4  }
0x1f6: {  	p1 =	sne.s32 s8, $0xA0;
	vm14 =	vge.s32 v3, v0;
	vm15 =	vlt.s32 v3, v1  }
.Ltmp5:
0x1f7: {  	s31 =	sshll.u32 s1, $0xD;
	v3 =	vsub.s32 v3, v0;
	vm0 =	vmand vm14, vm15;
	(pc) =	sbr.rel @p1 .LBB2_12-.Ltmp5, $4  }
0x1f8: {  	s1 =	sand.u32 $0x2000, s31;
	v3 =	vnsel vm0, $0x1400, v3  }
0x1f9: {  	s1 =	sadd.s32 $0xA100, s1;
	[tilespmem:$0xA070] =	vst v3  }
0x1fa: {  	[spmem:s3] =	stream.indirect.scatter.add.f32 [tilespmem:s1], [sflag:$0x2], $0x40, s6, s23, $0xb8;
	[tilespmem:$0x15888] =	vst v63  }
0x1fb: {  	s1 =	smov.u32 s8  }
0x1fc: {  	s1 =	simm.s32 $0x2  }
0x1fd: {  	_ =	swait.ge [sflag:s1], $0x2000  }
0x1fe: {  	[sflag:s1] =	ssyncset.done $0x0  }
0x1ff: {  	[sflag:s1] =	ssyncadd.s32 $0xFFFFE000  }
0x200: {  	[bflag:$0x0] =	sbarrier.arrive $0xFFFF  }
0x201: {  	s12 =	rddreg [dreg:$0xb]  }
0x202: {  	s22 =	rddreg [dreg:$0x1b]  }
0x203: {  	s8 =	rddreg [dreg:$0x1c]  }
0x204: {  	s1 =	sadd.s32 s22, s12;
	s22 =	sshrl.u32 s8, $0x3  }
0x205: {  	[hbm:s1], [sflag:s9] =	dma.local [spmem:s22], $0x100  }
0x206: {  	_ =	swait.ge [sflag:s17], $0x100  }
0x207: {  	s24 =	rddreg [dreg:$0xd]  }
0x208: {  	[sflag:s17] =	ssyncset.done $0x0;
	s26 =	rddreg [dreg:$0xe]  }
0x209: {  	[sflag:s17] =	ssyncadd.s32 $0xFFFFFF00;
	s1 =	sadd.s32 s24, s12;
	s24 =	sshrl.u32 s26, $0x3  }
0x20a: {  	[hbm:s1], [sflag:s9] =	dma.local [spmem:s24], $0x100  }
0x20b: {  	_ =	swait.ge [sflag:s17], $0x100  }
0x20c: {  	s8 =	rddreg [dreg:$0xf]  }
0x20d: {  	[sflag:s17] =	ssyncset.done $0x0;
	s10 =	rddreg [dreg:$0x10]  }
0x20e: {  	[sflag:s17] =	ssyncadd.s32 $0xFFFFFF00;
	s1 =	sadd.s32 s8, s12;
	s26 =	sshrl.u32 s10, $0x3  }
0x20f: {  	[hbm:s1], [sflag:s9] =	dma.local [spmem:s26], $0x100  }
0x210: {  	_ =	swait.ge [sflag:s17], $0x100  }
0x211: {  	s11 =	rddreg [dreg:$0x11]  }
0x212: {  	[sflag:s17] =	ssyncset.done $0x0;
	s13 =	rddreg [dreg:$0x12]  }
0x213: {  	[sflag:s17] =	ssyncadd.s32 $0xFFFFFF00;
	s1 =	sadd.s32 s11, s12;
	s29 =	sshrl.u32 s13, $0x3  }
0x214: {  	[hbm:s1], [sflag:s9] =	dma.local [spmem:s29], $0x100  }
0x215: {  	_ =	swait.ge [sflag:s17], $0x100  }
0x216: {  	s16 =	rddreg [dreg:$0x13]  }
0x217: {  	[sflag:s17] =	ssyncset.done $0x0;
	s18 =	rddreg [dreg:$0x14]  }
0x218: {  	[sflag:s17] =	ssyncadd.s32 $0xFFFFFF00;
	s1 =	sadd.s32 s16, s12;
	s31 =	sshrl.u32 s18, $0x3  }
0x219: {  	[hbm:s1], [sflag:s9] =	dma.local [spmem:s31], $0x100  }
0x21a: {  	_ =	swait.ge [sflag:s17], $0x100  }
0x21b: {  	s8 =	rddreg [dreg:$0x15]  }
0x21c: {  	[sflag:s17] =	ssyncset.done $0x0;
	s11 =	rddreg [dreg:$0x16]  }
0x21d: {  	[sflag:s17] =	ssyncadd.s32 $0xFFFFFF00;
	s10 =	sadd.s32 s8, s12;
	s1 =	sshrl.u32 s11, $0x3  }
0x21e: {  	[hbm:s10], [sflag:s9] =	dma.local [spmem:s1], $0x100  }
0x21f: {  	_ =	swait.ge [sflag:s17], $0x100  }
0x220: {  	s13 =	rddreg [dreg:$0x17]  }
0x221: {  	[sflag:s17] =	ssyncset.done $0x0;
	s16 =	rddreg [dreg:$0x18]  }
0x222: {  	[sflag:s17] =	ssyncadd.s32 $0xFFFFFF00;
	s10 =	sadd.s32 s13, s12;
	s8 =	sshrl.u32 s16, $0x3  }
0x223: {  	[hbm:s10], [sflag:s9] =	dma.local [spmem:s8], $0x100  }
0x224: {  	_ =	swait.ge [sflag:s17], $0x100  }
0x225: {  	s18 =	rddreg [dreg:$0x19]  }
0x226: {  	[sflag:s17] =	ssyncset.done $0x0;
	s11 =	rddreg [dreg:$0x1a]  }
0x227: {  	[sflag:s17] =	ssyncadd.s32 $0xFFFFFF00;
	s10 =	sadd.s32 s18, s12;
	s16 =	sshrl.u32 s11, $0x3  }
0x228: {  	[hbm:s10], [sflag:s9] =	dma.local [spmem:s16], $0x100  }
0x229: {  	_ =	swait.ge [sflag:s17], $0x100  }
0x22a: {  	s11 =	rddreg [dreg:$0x1d]  }
0x22b: {  	[sflag:s17] =	ssyncset.done $0x0;
	s18 =	rddreg [dreg:$0x1e]  }
0x22c: {  	[sflag:s17] =	ssyncadd.s32 $0xFFFFFF00;
	s13 =	sadd.s32 s11, s12;
	s10 =	sshrl.u32 s18, $0x3  }
0x22d: {  	[hbm:s13], [sflag:s9] =	dma.local [spmem:s10], $0x100  }
0x22e: {  	_ =	swait.ge [sflag:s17], $0x100  }
0x22f: {  	s18 =	sld [smem:$0x7F3];
	_ =	sdelay $0x1  }
0x230: {  	[sflag:s17] =	ssyncset.done $0x0;
	s13 =	rddreg [dreg:$0x1f]  }
0x231: {  	[sflag:s17] =	ssyncadd.s32 $0xFFFFFF00;
	s11 =	sadd.s32 s13, s12;
	s13 =	sshrl.u32 s18, $0x3  }
0x232: {  	[hbm:s11], [sflag:s9] =	dma.local [spmem:s13], $0x100  }
0x233: {  	_ =	swait.ge [sflag:s17], $0x100  }
0x234: {  	[sflag:s17] =	ssyncset.done $0x0  }
0x235: {  	s12 =	simm.s32 $0x100;
	s11 =	simm.s32 $0x0;
	[sflag:s17] =	ssyncadd.s32 $0xFFFFFF00  }
.LBB2_14:
0x236: {  	p1 =	sne.s32 s12, $0x1F00;
	[tilespmem:s11+$0xF130] =	vst v2;
	s18 =	smov.u32 s12;
	s12 =	sadd.s32 $0x100, s12  }
.Ltmp6:
0x237: {  	[tilespmem:s11+$0xF120] =	vst v2;
	(pc) =	sbr.rel @p1 .LBB2_14-.Ltmp6, $3  }
0x238: {  	[tilespmem:s11+$0xF100] =	vst v2  }
0x239: {  	[tilespmem:s11+$0xF110] =	vst v2;
	_ =	sdelay $0x1  }
0x23a: {  	s11 =	sshra.s32 s18, $0x2  }
0x23b: {  	[tilespmem:s11+$0xF130] =	vst v2  }
0x23c: {  	[tilespmem:s11+$0xF120] =	vst v2  }
0x23d: {  	[tilespmem:s11+$0xF100] =	vst v2  }
0x23e: {  	[tilespmem:s11+$0xF110] =	vst v2  }
0x23f: {  	[spmem:s15] =	stream.linear.scatter [tilespmem:s21], [sflag:$0x3], $0x800, $0x38;
	[tilespmem:$0x15888] =	vst v63  }
0x240: {  	_ =	swait.ge [sflag:s17], $0x800  }
0x241: {  	s12 =	sld [smem:$0x7F4]  }
0x242: {  	[sflag:s17] =	ssyncset.done $0x0  }
0x243: {  	[sflag:s17] =	ssyncadd.s32 $0xFFFFF800  }
0x244: {  	[spmem:s12] =	stream.linear.scatter [tilespmem:s21], [sflag:$0x3], $0x800, $0x38;
	[tilespmem:$0x15888] =	vst v63  }
0x245: {  	_ =	swait.ge [sflag:s17], $0x800  }
0x246: {  	s15 =	sld [smem:$0x7F5]  }
0x247: {  	[sflag:s17] =	ssyncset.done $0x0  }
0x248: {  	[sflag:s17] =	ssyncadd.s32 $0xFFFFF800  }
0x249: {  	[spmem:s15] =	stream.linear.scatter [tilespmem:s21], [sflag:$0x3], $0x800, $0x38;
	[tilespmem:$0x15888] =	vst v63  }
0x24a: {  	_ =	swait.ge [sflag:s17], $0x800  }
0x24b: {  	s18 =	sld [smem:$0x7F6]  }
0x24c: {  	[sflag:s17] =	ssyncset.done $0x0  }
0x24d: {  	[sflag:s17] =	ssyncadd.s32 $0xFFFFF800  }
0x24e: {  	[spmem:s18] =	stream.linear.scatter [tilespmem:s21], [sflag:$0x3], $0x800, $0x38;
	[tilespmem:$0x15888] =	vst v63  }
0x24f: {  	_ =	swait.ge [sflag:s17], $0x800  }
0x250: {  	s12 =	sld [smem:$0x7F7]  }
0x251: {  	[sflag:s17] =	ssyncset.done $0x0  }
0x252: {  	[sflag:s17] =	ssyncadd.s32 $0xFFFFF800  }
0x253: {  	[spmem:s12] =	stream.linear.scatter [tilespmem:s21], [sflag:$0x3], $0x800, $0x38;
	[tilespmem:$0x15888] =	vst v63  }
0x254: {  	_ =	swait.ge [sflag:s17], $0x800  }
0x255: {  	s15 =	sld [smem:$0x7F8]  }
0x256: {  	[sflag:s17] =	ssyncset.done $0x0  }
0x257: {  	[sflag:s17] =	ssyncadd.s32 $0xFFFFF800  }
0x258: {  	[spmem:s15] =	stream.linear.scatter [tilespmem:s21], [sflag:$0x3], $0x800, $0x38;
	[tilespmem:$0x15888] =	vst v63  }
0x259: {  	_ =	swait.ge [sflag:s17], $0x800  }
0x25a: {  	s18 =	sld [smem:$0x7F9]  }
0x25b: {  	[sflag:s17] =	ssyncset.done $0x0  }
0x25c: {  	[sflag:s17] =	ssyncadd.s32 $0xFFFFF800  }
0x25d: {  	[spmem:s18] =	stream.linear.scatter [tilespmem:s21], [sflag:$0x3], $0x800, $0x38;
	[tilespmem:$0x15888] =	vst v63  }
0x25e: {  	_ =	swait.ge [sflag:s17], $0x800  }
0x25f: {  	s12 =	sld [smem:$0x7FA]  }
0x260: {  	[sflag:s17] =	ssyncset.done $0x0  }
0x261: {  	[sflag:s17] =	ssyncadd.s32 $0xFFFFF800  }
0x262: {  	[spmem:s12] =	stream.linear.scatter [tilespmem:s21], [sflag:$0x3], $0x800, $0x38;
	[tilespmem:$0x15888] =	vst v63  }
0x263: {  	_ =	swait.ge [sflag:s17], $0x800  }
0x264: {  	s15 =	sld [smem:$0x7FB]  }
0x265: {  	[sflag:s17] =	ssyncset.done $0x0  }
0x266: {  	[sflag:s17] =	ssyncadd.s32 $0xFFFFF800  }
0x267: {  	[spmem:s15] =	stream.linear.scatter [tilespmem:s21], [sflag:$0x3], $0x800, $0x38;
	[tilespmem:$0x15888] =	vst v63  }
0x268: {  	_ =	swait.ge [sflag:s17], $0x800  }
0x269: {  	s18 =	sld [smem:$0x7FC]  }
0x26a: {  	[sflag:s17] =	ssyncset.done $0x0  }
0x26b: {  	[sflag:s17] =	ssyncadd.s32 $0xFFFFF800  }
0x26c: {  	[spmem:s18] =	stream.linear.scatter [tilespmem:s21], [sflag:$0x3], $0x800, $0x38;
	[tilespmem:$0x15888] =	vst v63  }
0x26d: {  	_ =	swait.ge [sflag:s17], $0x800  }
0x26e: {  	[sflag:s17] =	ssyncset.done $0x0  }
0x26f: {  	[sflag:s17] =	ssyncadd.s32 $0xFFFFF800  }
0x270: {  	s11 =	simm.s32 $0x0;
	s12 =	simm.s32 $0xA100;
	[bflag:$0x0] =	sbarrier.arrive $0xFFFF  }
0x271: {  	[tilespmem:s12], [sflag:$0x1] =	stream.indirect.gather [hbm4b:s20+s23], $0x40, s11, s23, $0xb8;
	[tilespmem:$0x15888] =	vst v63  }
.LBB2_16:
0x272: {  	p1 =	seq.s32 s11, $0x0  }
0x273: {  	s12 =	simm.s32 @!p1 $0x2  }
0x274: {  	_ =	swait.ge @!p1 [sflag:s12], $0x2000  }
0x275: {  	p2 =	seq.s32 @!p1 s11, $0x9F;
	[sflag:s12] =	ssyncset.done @!p1 $0x0  }
0x276: {  	p2 =	por p1, !p2;
	[sflag:s12] =	ssyncadd.s32 @!p1 $0xFFFFE000;
	s12 =	simm.s32 @!p1 $0xA0  }
0x277: {  	s12 =	sadd.s32 @p2 $0x1, s11  }
0x278: {  	s18 =	sshll.u32 @p2 s12, $0xD  }
0x279: {  	s15 =	sshll.u32 @p2 s12, $0x7;
	s18 =	sand.u32 @p2 $0x2000, s18  }
0x27a: {  	s15 =	sand.u32 @p2 $0x3FFFFF80, s15;
	s18 =	sadd.s32 @p2 $0xA100, s18  }
0x27b: {  	[tilespmem:s18], [sflag:$0x1] =	stream.indirect.gather @p2 [hbm4b:s20+s23], $0x40, s15, s23, $0xb8;
	[tilespmem:$0x15888] =	vst v63  }
0x27c: {  	_ =	swait.ge [sflag:s25], $0x2000  }
0x27d: {  	s18 =	sshll.u32 s11, $0x7;
	[sflag:s25] =	ssyncset.done $0x0  }
0x27e: {  	s15 =	sand.u32 $0x3FFFFF80, s18;
	[sflag:s25] =	ssyncadd.s32 $0xFFFFE000  }
0x27f: {  	v3 =	vld [tilespmem:s15+$0x5000];
	_ =	sdelay $0x4  }
0x280: {  	vm0 =	vge.s32 v3, v0;
	vm1 =	vlt.s32 v3, v1  }
0x281: {  	v3 =	vsub.s32 v3, v0;
	vm0 =	vmand vm0, vm1  }
0x282: {  	v3 =	vnsel vm0, $0x1400, v3  }
0x283: {  	[tilespmem:$0xA000] =	vst v3  }
0x284: {  	v3 =	vld [tilespmem:s15+$0x5010];
	_ =	sdelay $0x4  }
0x285: {  	vm14 =	vge.s32 v3, v0;
	vm15 =	vlt.s32 v3, v1  }
0x286: {  	v3 =	vsub.s32 v3, v0;
	vm0 =	vmand vm14, vm15  }
0x287: {  	v3 =	vnsel vm0, $0x1400, v3  }
0x288: {  	[tilespmem:$0xA010] =	vst v3  }
0x289: {  	v3 =	vld [tilespmem:s15+$0x5020];
	_ =	sdelay $0x4  }
0x28a: {  	vm4 =	vge.s32 v3, v0;
	vm5 =	vlt.s32 v3, v1  }
0x28b: {  	v3 =	vsub.s32 v3, v0;
	vm0 =	vmand vm4, vm5  }
0x28c: {  	v3 =	vnsel vm0, $0x1400, v3  }
0x28d: {  	[tilespmem:$0xA020] =	vst v3  }
0x28e: {  	v3 =	vld [tilespmem:s15+$0x5030];
	_ =	sdelay $0x4  }
0x28f: {  	vm6 =	vge.s32 v3, v0;
	vm7 =	vlt.s32 v3, v1  }
0x290: {  	v3 =	vsub.s32 v3, v0;
	vm0 =	vmand vm6, vm7  }
0x291: {  	v3 =	vnsel vm0, $0x1400, v3  }
0x292: {  	[tilespmem:$0xA030] =	vst v3  }
0x293: {  	v3 =	vld [tilespmem:s15+$0x5040];
	_ =	sdelay $0x4  }
0x294: {  	vm8 =	vge.s32 v3, v0;
	vm9 =	vlt.s32 v3, v1  }
0x295: {  	v3 =	vsub.s32 v3, v0;
	vm0 =	vmand vm8, vm9  }
0x296: {  	v3 =	vnsel vm0, $0x1400, v3  }
0x297: {  	[tilespmem:$0xA040] =	vst v3  }
0x298: {  	v3 =	vld [tilespmem:s15+$0x5050];
	_ =	sdelay $0x4  }
0x299: {  	vm10 =	vge.s32 v3, v0;
	vm11 =	vlt.s32 v3, v1  }
0x29a: {  	v3 =	vsub.s32 v3, v0;
	vm0 =	vmand vm10, vm11  }
0x29b: {  	v3 =	vnsel vm0, $0x1400, v3  }
0x29c: {  	[tilespmem:$0xA050] =	vst v3  }
0x29d: {  	v3 =	vld [tilespmem:s15+$0x5060];
	_ =	sdelay $0x4  }
0x29e: {  	vm12 =	vge.s32 v3, v0;
	vm13 =	vlt.s32 v3, v1  }
0x29f: {  	v3 =	vsub.s32 v3, v0;
	vm0 =	vmand vm12, vm13  }
0x2a0: {  	v3 =	vnsel vm0, $0x1400, v3  }
0x2a1: {  	[tilespmem:$0xA060] =	vst v3  }
0x2a2: {  	v3 =	vld [tilespmem:s15+$0x5070];
	_ =	sdelay $0x4  }
0x2a3: {  	p1 =	sne.s32 s12, $0xA0;
	vm14 =	vge.s32 v3, v0;
	vm15 =	vlt.s32 v3, v1  }
.Ltmp7:
0x2a4: {  	s18 =	sshll.u32 s11, $0xD;
	v3 =	vsub.s32 v3, v0;
	vm0 =	vmand vm14, vm15;
	(pc) =	sbr.rel @p1 .LBB2_16-.Ltmp7, $4  }
0x2a5: {  	s11 =	sand.u32 $0x2000, s18;
	v3 =	vnsel vm0, $0x1400, v3  }
0x2a6: {  	s11 =	sadd.s32 $0xA100, s11;
	[tilespmem:$0xA070] =	vst v3  }
0x2a7: {  	[spmem:s3] =	stream.indirect.scatter.add.f32 [tilespmem:s11], [sflag:$0x2], $0x40, s6, s23, $0xb8;
	[tilespmem:$0x15888] =	vst v63  }
0x2a8: {  	s11 =	smov.u32 s12  }
0x2a9: {  	s11 =	simm.s32 $0x2  }
0x2aa: {  	_ =	swait.ge [sflag:s11], $0x2000  }
0x2ab: {  	[sflag:s11] =	ssyncset.done $0x0  }
0x2ac: {  	[sflag:s11] =	ssyncadd.s32 $0xFFFFE000  }
0x2ad: {  	s20 =	rddreg [dreg:$0xb];
	[bflag:$0x0] =	sbarrier.arrive $0xFFFF  }
0x2ae: {  	s11 =	sadd.s32 $0xA000, s20;
	s12 =	rddreg [dreg:$0x1b]  }
0x2af: {  	s12 =	sadd.s32 s12, s11  }
0x2b0: {  	[hbm:s12], [sflag:s9] =	dma.local [spmem:s22], $0x100  }
0x2b1: {  	_ =	swait.ge [sflag:s17], $0x100  }
0x2b2: {  	[sflag:s17] =	ssyncset.done $0x0;
	s22 =	rddreg [dreg:$0xd]  }
0x2b3: {  	[sflag:s17] =	ssyncadd.s32 $0xFFFFFF00;
	s12 =	sadd.s32 s22, s11  }
0x2b4: {  	[hbm:s12], [sflag:s9] =	dma.local [spmem:s24], $0x100  }
0x2b5: {  	_ =	swait.ge [sflag:s17], $0x100  }
0x2b6: {  	[sflag:s17] =	ssyncset.done $0x0;
	s24 =	rddreg [dreg:$0xf]  }
0x2b7: {  	[sflag:s17] =	ssyncadd.s32 $0xFFFFFF00;
	s12 =	sadd.s32 s24, s11  }
0x2b8: {  	[hbm:s12], [sflag:s9] =	dma.local [spmem:s26], $0x100  }
0x2b9: {  	_ =	swait.ge [sflag:s17], $0x100  }
0x2ba: {  	[sflag:s17] =	ssyncset.done $0x0;
	s26 =	rddreg [dreg:$0x11]  }
0x2bb: {  	[sflag:s17] =	ssyncadd.s32 $0xFFFFFF00;
	s12 =	sadd.s32 s26, s11  }
0x2bc: {  	[hbm:s12], [sflag:s9] =	dma.local [spmem:s29], $0x100  }
0x2bd: {  	_ =	swait.ge [sflag:s17], $0x100  }
0x2be: {  	[sflag:s17] =	ssyncset.done $0x0;
	s15 =	rddreg [dreg:$0x13]  }
0x2bf: {  	[sflag:s17] =	ssyncadd.s32 $0xFFFFFF00;
	s12 =	sadd.s32 s15, s11  }
0x2c0: {  	[hbm:s12], [sflag:s9] =	dma.local [spmem:s31], $0x100  }
0x2c1: {  	_ =	swait.ge [sflag:s17], $0x100  }
0x2c2: {  	[sflag:s17] =	ssyncset.done $0x0;
	s18 =	rddreg [dreg:$0x15]  }
0x2c3: {  	[sflag:s17] =	ssyncadd.s32 $0xFFFFFF00;
	s12 =	sadd.s32 s18, s11  }
0x2c4: {  	[hbm:s12], [sflag:s9] =	dma.local [spmem:s1], $0x100  }
0x2c5: {  	_ =	swait.ge [sflag:s17], $0x100  }
0x2c6: {  	[sflag:s17] =	ssyncset.done $0x0;
	s20 =	rddreg [dreg:$0x17]  }
0x2c7: {  	[sflag:s17] =	ssyncadd.s32 $0xFFFFFF00;
	s1 =	sadd.s32 s20, s11  }
0x2c8: {  	[hbm:s1], [sflag:s9] =	dma.local [spmem:s8], $0x100  }
0x2c9: {  	_ =	swait.ge [sflag:s17], $0x100  }
0x2ca: {  	[sflag:s17] =	ssyncset.done $0x0;
	s22 =	rddreg [dreg:$0x19]  }
0x2cb: {  	[sflag:s17] =	ssyncadd.s32 $0xFFFFFF00;
	s1 =	sadd.s32 s22, s11  }
0x2cc: {  	[hbm:s1], [sflag:s9] =	dma.local [spmem:s16], $0x100  }
0x2cd: {  	_ =	swait.ge [sflag:s17], $0x100  }
0x2ce: {  	[sflag:s17] =	ssyncset.done $0x0;
	s24 =	rddreg [dreg:$0x1d]  }
0x2cf: {  	[sflag:s17] =	ssyncadd.s32 $0xFFFFFF00;
	s1 =	sadd.s32 s24, s11  }
0x2d0: {  	[hbm:s1], [sflag:s9] =	dma.local [spmem:s10], $0x100  }
0x2d1: {  	_ =	swait.ge [sflag:s17], $0x100  }
0x2d2: {  	[sflag:s17] =	ssyncset.done $0x0;
	s26 =	rddreg [dreg:$0x1f]  }
0x2d3: {  	[sflag:s17] =	ssyncadd.s32 $0xFFFFFF00;
	s1 =	sadd.s32 s26, s11  }
0x2d4: {  	[hbm:s1], [sflag:s9] =	dma.local [spmem:s13], $0x100  }
0x2d5: {  	_ =	swait.ge [sflag:s17], $0x100  }
0x2d6: {  	s29 =	sld [smem:$0x7F2];
	_ =	sdelay $0x2  }
0x2d7: {  	s31 =	rddreg [dreg:$0xc];
	s8 =	sadd.s32 $0x1, s29  }
0x2d8: {  	p1 =	sne.s32 s8, s31  }
.Ltmp8:
0x2d9: {  	_ = 	snop;
	(pc) =	sbr.rel @p1 .LBB2_1-.Ltmp8, $3  }
0x2da: {  	_ =	sdelay $0x1  }
0x2db: {  	[sflag:s17] =	ssyncset.done $0x0;
	s13 =	sld [smem:$0x7FD]  }
0x2dc: {  	s15 =	rddreg [dreg:$0x7];
	[sflag:s17] =	ssyncadd.s32 $0xFFFFFF00  }
0x2dd: {  	_ =	sfence.sel $0x180000  }
0x2de: {  	[bflag:$0x0] =	sbarrier.arrive $0xFFFF  }
0x2df: {  	_ =	strace $0x90000047  }
0x2e0: {  	s0 =	stileid.u32;
	[bflag:$0x2] =	sbarrier.arrive $0xFFFF  }
0x2e1: {  	p0 =	sne.s32 s0, $0x0;
	s0 =	rddreg [dreg:$0x4]  }
0x2e2: {  	s0 =	sadd.s32 @!p0 $0x100000, s0  }
0x2e3: {  	[sflag:s0] =	ssyncadd.tile.s32 @!p0 $0x1;
	_ =	shalt  }
.Lfunc_end2:
_tile_overlayer_lowered:
.L_overlay_start_2:
0x2e4: {  	(tag) =	ssettag $0x2  }
0x2e5: {  	s0 =	rddreg [dreg:$0x0];
	s2 =	stileid.u32  }
0x2e6: {  	s1 =	rddreg [dreg:$0x1];
	p0 =	sne.s32 s2, $0x0  }
0x2e7: {  	s3 =	rddreg [dreg:$0x2];
	[bflag:$0x3] =	sbarrier.arrive $0xFFFF;
	s2 =	simm.s32 @!p0 $0x1C03  }
0x2e8: {  	[timem:s3], [sflag:s2] =	dma.local @!p0 [hbm:s0], s1  }
0x2e9: {  	s0 =	simm.s32 @!p0 $0x3  }
0x2ea: {  	_ =	swait.ge @!p0 [sflag:s0], s1  }
0x2eb: {  	s1 =	ssub.s32 @!p0 $0x0, s1;
	[sflag:s0] =	ssyncset.done @!p0 $0x0  }
0x2ec: {  	[sflag:s0] =	ssyncadd.s32 @!p0 s1  }
0x2ed: {  	[bflag:$0x3] =	sbarrier.arrive $0xFFFF  }
0x2ee: {  	_ =	shalt  }

</sc_bundles>
